<compile_context>
chip_gen: v7x
topology: tpu7x:2x2x1
jax: 0.10.2.dev20260603
libtpu: 0.0.44.dev20260713+nightly
codegen_flags: <defaults>
</compile_context>

<pallas_src>
import functools

import jax
import jax.numpy as jnp
from jax import lax
from jax.experimental import pallas as pl
from jax.experimental.pallas import tpu as pltpu
from jax.experimental.pallas import tpu_sc as plsc

B, H, W, C = 4, 384, 384, 96
CP = 128
P = B * H * W
NC, NS, L = 2, 16, 16
NW = NC * NS
PER_W = P // NW
CH = 96
N_CHUNKS = PER_W // CH
N_PAIRS = N_CHUNKS // 2

R_BLK = 256


def _prep_body(fy_ref, fx_ref, aux_ref):
    pid = pl.program_id(0)
    rows = lax.broadcasted_iota(jnp.int32, (R_BLK, W), 0) + pid * R_BLK
    cols = lax.broadcasted_iota(jnp.int32, (R_BLK, W), 1)
    y = rows % H
    b = rows // H
    qy = y.astype(jnp.float32) - fy_ref[...]
    qx = cols.astype(jnp.float32) - fx_ref[...]
    fy = jnp.clip(jnp.floor(qy), 0.0, H - 2)
    fx = jnp.clip(jnp.floor(qx), 0.0, W - 2)
    ay = jnp.clip(qy - fy, 0.0, 1.0)
    ax = jnp.clip(qx - fx, 0.0, 1.0)
    tl = b * (H * W) + fy.astype(jnp.int32) * W + fx.astype(jnp.int32)
    aux_ref[0] = tl
    aux_ref[1] = tl + 1
    aux_ref[2] = tl + W
    aux_ref[3] = tl + W + 1
    aux_ref[4] = lax.bitcast_convert_type(ax, jnp.int32)
    aux_ref[5] = lax.bitcast_convert_type(ay, jnp.int32)


_prep = pl.pallas_call(
    _prep_body,
    grid=(B * H // R_BLK,),
    in_specs=[pl.BlockSpec((R_BLK, W), lambda i: (i, 0))] * 2,
    out_specs=pl.BlockSpec((6, R_BLK, W), lambda i: (0, i, 0)),
    out_shape=jax.ShapeDtypeStruct((6, B * H, W), jnp.int32),
)

_mesh = plsc.VectorSubcoreMesh(core_axis_name="c", subcore_axis_name="s")


@functools.partial(
    pl.kernel,
    out_type=jax.ShapeDtypeStruct((P, CP), jnp.float32),
    mesh=_mesh,
    scratch_types=[pltpu.VMEM((6, CH), jnp.int32)] * 2
    + [pltpu.VMEM((CH, CP), jnp.float32)] * 8
    + [pltpu.VMEM((CH, C), jnp.float32)] * 2
    + [pltpu.SemaphoreType.DMA] * 6,
    compiler_params=pltpu.CompilerParams(
        needs_layout_passes=False, use_tc_tiling_on_sc=False),
)
def _warp_sc(img, aux, out,
             abuf0, abuf1,
             g00, g01, g02, g03, g10, g11, g12, g13,
             obuf0, obuf1,
             asem0, asem1, gsem0, gsem1, osem0, osem1):
    wid = lax.axis_index("s") * NC + lax.axis_index("c")
    base_w = wid * PER_W
    gset = ((g00, g01, g02, g03), (g10, g11, g12, g13))
    abufs = (abuf0, abuf1)
    gsems = (gsem0, gsem1)

    def aux_slice(ci):
        return aux.at[:, pl.ds(base_w + ci * CH, CH)]

    def out_slice(ci):
        return out.at[pl.ds(base_w + ci * CH, CH), pl.ds(0, C)]

    def fire_aux(ci, par):
        return pltpu.async_copy(aux_slice(ci), abufs[par], (asem0, asem1)[par])

    def fire_gathers(par):
        for j in range(4):
            pltpu.async_copy(img.at[abufs[par].at[j]], gset[par][j],
                             gsems[par])

    def wait_gathers(par):
        for j in range(4):
            pltpu.make_async_copy(img.at[abufs[par].at[j]], gset[par][j],
                                  gsems[par]).wait()

    def wait_aux(par):
        pltpu.make_async_copy(aux_slice(0), abufs[par],
                              (asem0, asem1)[par]).wait()

    def wait_out(par, ob):
        pltpu.make_async_copy(out_slice(0), ob, (osem0, osem1)[par]).wait()

    def compute(par, ob):
        ab = abufs[par]
        bufs = gset[par]

        def px(p):
            pv = jnp.zeros((L,), jnp.int32) + p
            axs = plsc.bitcast(
                plsc.load_gather(ab, [jnp.full((L,), 4, jnp.int32), pv]),
                jnp.float32)
            ays = plsc.bitcast(
                plsc.load_gather(ab, [jnp.full((L,), 5, jnp.int32), pv]),
                jnp.float32)
            for j in range(C // L):
                s = pl.ds(j * L, L)
                tl = bufs[0][p, s]
                tr = bufs[1][p, s]
                bl = bufs[2][p, s]
                br = bufs[3][p, s]
                top = tl + axs * (tr - tl)
                bot = bl + axs * (br - bl)
                ob[p, s] = top + ays * (bot - top)

        plsc.parallel_loop(0, CH, 1, unroll=4)(px)

    fire_aux(0, 0).wait()
    fire_gathers(0)
    fire_aux(1, 1)

    def pair(pi, carry):
        wait_aux(1)
        fire_gathers(1)
        wait_gathers(0)

        @pl.when(pi >= 1)
        def _():
            wait_out(0, obuf0)

        compute(0, obuf0)
        pltpu.async_copy(obuf0, out_slice(2 * pi), osem0)

        @pl.when(pi < N_PAIRS - 1)
        def _():
            fire_aux(2 * pi + 2, 0)

        @pl.when(pi < N_PAIRS - 1)
        def _():
            wait_aux(0)
            fire_gathers(0)

        wait_gathers(1)

        @pl.when(pi >= 1)
        def _():
            wait_out(1, obuf1)

        compute(1, obuf1)
        pltpu.async_copy(obuf1, out_slice(2 * pi + 1), osem1)

        @pl.when(pi < N_PAIRS - 1)
        def _():
            fire_aux(2 * pi + 3, 1)

        return carry

    lax.fori_loop(0, N_PAIRS, pair, 0)
    wait_out(0, obuf0)
    wait_out(1, obuf1)


def kernel(image, flow):
    flow_y = flow[..., 0].reshape(B * H, W)
    flow_x = flow[..., 1].reshape(B * H, W)
    aux = _prep(flow_y, flow_x)
    table = jnp.pad(image, ((0, 0), (0, 0), (0, 0), (0, CP - C)))
    out = _warp_sc(table.reshape(P, CP), aux.reshape(6, P))
    return out[:, :C].reshape(B, H, W, C)

# --- scband reference (transcript-rebuilt; emitter-appended) ---
"""Pipeline reference for scband-back-warp-56160992363245 (READ-ONLY COPY).

The authoritative reference and input builder live on the scoring server;
editing this copy changes nothing except your own understanding.
"""

import jax, jax.numpy as jnp
import numpy as np

B, H, W, C = 4, 384, 384, 96


def setup_inputs(seed: int = 0) -> dict:
    key = jax.random.key(seed)
    k1, k2 = jax.random.split(key)
    image = jax.random.normal(k1, (B, H, W, C), dtype=jnp.float32)
    flow = jax.random.normal(k2, (B, H, W, 2), dtype=jnp.float32)
    return {"image": image, "flow": flow}


def _dense_image_warp(image, flow):
    # Faithful port of tfa.image.dense_image_warp (bilinear, 'ij' indexing).
    b, h, w, c = image.shape
    grid_y, grid_x = jnp.meshgrid(jnp.arange(h), jnp.arange(w), indexing='ij')
    stacked_grid = jnp.stack([grid_y, grid_x], axis=-1).astype(flow.dtype)  # [H, W, 2]
    query_points = stacked_grid[None, :, :, :] - flow  # [B, H, W, 2]
    qy = query_points[..., 0]
    qx = query_points[..., 1]
    # tfa interpolate_bilinear: floor clipped to [0, size-2], alpha clipped to [0, 1]
    floor_y = jnp.clip(jnp.floor(qy), 0.0, h - 2)
    floor_x = jnp.clip(jnp.floor(qx), 0.0, w - 2)
    alpha_y = jnp.clip(qy - floor_y, 0.0, 1.0)[..., None]
    alpha_x = jnp.clip(qx - floor_x, 0.0, 1.0)[..., None]
    fy = floor_y.astype(jnp.int32)
    fx = floor_x.astype(jnp.int32)
    b_idx = jnp.arange(b)[:, None, None]

    def gather(yi, xi):
        return image[b_idx, yi, xi]  # [B, H, W, C]

    top_left = gather(fy, fx)
    top_right = gather(fy, fx + 1)
    bottom_left = gather(fy + 1, fx)
    bottom_right = gather(fy + 1, fx + 1)
    interp_top = alpha_x * (top_right - top_left) + top_left
    interp_bottom = alpha_x * (bottom_right - bottom_left) + bottom_left
    return alpha_y * (interp_bottom - interp_top) + interp_top


def reference(image, flow):
    return _dense_image_warp(image, flow)

if __name__ == "__main__":
    import jax
    _d = setup_inputs()
    print(jax.jit(kernel)(*tuple(_d.values())))

</pallas_src>

<mosaic_0001>
#map = affine_map<(d0, d1) -> (0, 0)>
module attributes {stable_mosaic.version = 14 : i64} {
  func.func @_warp_sc(%arg0: i32, %arg1: i32, %arg2: memref<589824x128xf32, #tpu.memory_space<hbm>>, %arg3: memref<6x589824xi32, #tpu.memory_space<hbm>>, %arg4: memref<589824x128xf32, #tpu.memory_space<hbm>>, %arg5: memref<6x96xi32, #tpu.memory_space<vmem>>, %arg6: memref<6x96xi32, #tpu.memory_space<vmem>>, %arg7: memref<96x128xf32, #tpu.memory_space<vmem>>, %arg8: memref<96x128xf32, #tpu.memory_space<vmem>>, %arg9: memref<96x128xf32, #tpu.memory_space<vmem>>, %arg10: memref<96x128xf32, #tpu.memory_space<vmem>>, %arg11: memref<96x128xf32, #tpu.memory_space<vmem>>, %arg12: memref<96x128xf32, #tpu.memory_space<vmem>>, %arg13: memref<96x128xf32, #tpu.memory_space<vmem>>, %arg14: memref<96x128xf32, #tpu.memory_space<vmem>>, %arg15: memref<96x96xf32, #tpu.memory_space<vmem>>, %arg16: memref<96x96xf32, #tpu.memory_space<vmem>>, %arg17: memref<!tpu.dma_semaphore, #tpu.memory_space<semaphore_mem>>, %arg18: memref<!tpu.dma_semaphore, #tpu.memory_space<semaphore_mem>>, %arg19: memref<!tpu.dma_semaphore, #tpu.memory_space<semaphore_mem>>, %arg20: memref<!tpu.dma_semaphore, #tpu.memory_space<semaphore_mem>>, %arg21: memref<!tpu.dma_semaphore, #tpu.memory_space<semaphore_mem>>, %arg22: memref<!tpu.dma_semaphore, #tpu.memory_space<semaphore_mem>>) attributes {dimension_semantics = [#tpu.dimension_semantics<core_parallel>, #tpu.dimension_semantics<subcore_parallel>], iteration_bounds = array<i64: 2, 16>, scalar_prefetch = 0 : i64, scratch_operands = 18 : i64, tpu.core_type = #tpu.core_type<sc_vector_subcore>, window_params = [{transform_indices = #map}, {transform_indices = #map}, {transform_indices = #map}]} {
    %mul3A = arith.constant 2 : i32
    %mul3A_0 = arith.muli %arg1, %mul3A : i32
    %add3A = arith.addi %mul3A_0, %arg0 : i32
    %mul3A_1 = arith.constant 18432 : i32
    %mul3A_2 = arith.muli %add3A, %mul3A_1 : i32
    %add3A_3 = arith.constant 0 : i32
    %add3A_4 = arith.addi %mul3A_2, %add3A_3 : i32
    %dma_start3A = arith.constant 0 : i32
    %dma_start3A_5 = tpu.memref_slice %arg3[%dma_start3A, %add3A_4] : memref<6x589824xi32, #tpu.memory_space<hbm>> -> memref<6x96xi32, #tpu.memory_space<hbm>>
    %dma_start3A_6 = arith.constant 0 : i32
    %dma_start3A_7 = tpu.memref_slice %arg3[%dma_start3A_6, %add3A_4] : memref<6x589824xi32, #tpu.memory_space<hbm>> -> memref<6x96xi32, #tpu.memory_space<hbm>>
    tpu.enqueue_dma source(%dma_start3A_7 : memref<6x96xi32, #tpu.memory_space<hbm>>) target(%arg5 : memref<6x96xi32, #tpu.memory_space<vmem>>) target_semaphore(%arg17 : memref<!tpu.dma_semaphore, #tpu.memory_space<semaphore_mem>>)
    %dma_wait3A = arith.constant 0 : i32
    %dma_wait3A_8 = tpu.memref_slice %arg3[%dma_wait3A, %add3A_4] : memref<6x589824xi32, #tpu.memory_space<hbm>> -> memref<6x96xi32, #tpu.memory_space<hbm>>
    %dma_wait3A_9 = arith.constant 0 : i32
    %dma_wait3A_10 = tpu.memref_slice %arg3[%dma_wait3A_9, %add3A_4] : memref<6x589824xi32, #tpu.memory_space<hbm>> -> memref<6x96xi32, #tpu.memory_space<hbm>>
    tpu.wait_dma2 semaphore(%arg17 : memref<!tpu.dma_semaphore, #tpu.memory_space<semaphore_mem>>) src(%dma_wait3A_10 : memref<6x96xi32, #tpu.memory_space<hbm>>) dst(%arg5 : memref<6x96xi32, #tpu.memory_space<vmem>>)
    %dma_start3A_11 = arith.constant 0 : i32
    %dma_start3A_12 = arith.constant 0 : i32
    %dma_start3A_13 = tpu.memref_slice %arg5[%dma_start3A_11, %dma_start3A_12] : memref<6x96xi32, #tpu.memory_space<vmem>> -> memref<1x96xi32, #tpu.memory_space<vmem>>
    %dma_start3A_14 = tpu.memref_squeeze %dma_start3A_13 : memref<1x96xi32, #tpu.memory_space<vmem>> -> memref<96xi32, #tpu.memory_space<vmem>>
    %dma_start3A_15 = arith.constant 0 : i32
    %dma_start3A_16 = arith.constant 0 : i32
    %dma_start3A_17 = tpu.memref_slice %arg2[%dma_start3A_15, %dma_start3A_16] : memref<589824x128xf32, #tpu.memory_space<hbm>> -> memref<589824x128xf32, #tpu.memory_space<hbm>>
    tpu.enqueue_indirect_dma source(%dma_start3A_17 : memref<589824x128xf32, #tpu.memory_space<hbm>>) target(%arg7 : memref<96x128xf32, #tpu.memory_space<vmem>>) offsets(%dma_start3A_14 : memref<96xi32, #tpu.memory_space<vmem>>) semaphore(%arg19 : memref<!tpu.dma_semaphore, #tpu.memory_space<semaphore_mem>>)
    %dma_start3A_18 = arith.constant 1 : i32
    %dma_start3A_19 = arith.constant 0 : i32
    %dma_start3A_20 = tpu.memref_slice %arg5[%dma_start3A_18, %dma_start3A_19] : memref<6x96xi32, #tpu.memory_space<vmem>> -> memref<1x96xi32, #tpu.memory_space<vmem>>
    %dma_start3A_21 = tpu.memref_squeeze %dma_start3A_20 : memref<1x96xi32, #tpu.memory_space<vmem>> -> memref<96xi32, #tpu.memory_space<vmem>>
    %dma_start3A_22 = arith.constant 0 : i32
    %dma_start3A_23 = arith.constant 0 : i32
    %dma_start3A_24 = tpu.memref_slice %arg2[%dma_start3A_22, %dma_start3A_23] : memref<589824x128xf32, #tpu.memory_space<hbm>> -> memref<589824x128xf32, #tpu.memory_space<hbm>>
    tpu.enqueue_indirect_dma source(%dma_start3A_24 : memref<589824x128xf32, #tpu.memory_space<hbm>>) target(%arg8 : memref<96x128xf32, #tpu.memory_space<vmem>>) offsets(%dma_start3A_21 : memref<96xi32, #tpu.memory_space<vmem>>) semaphore(%arg19 : memref<!tpu.dma_semaphore, #tpu.memory_space<semaphore_mem>>)
    %dma_start3A_25 = arith.constant 2 : i32
    %dma_start3A_26 = arith.constant 0 : i32
    %dma_start3A_27 = tpu.memref_slice %arg5[%dma_start3A_25, %dma_start3A_26] : memref<6x96xi32, #tpu.memory_space<vmem>> -> memref<1x96xi32, #tpu.memory_space<vmem>>
    %dma_start3A_28 = tpu.memref_squeeze %dma_start3A_27 : memref<1x96xi32, #tpu.memory_space<vmem>> -> memref<96xi32, #tpu.memory_space<vmem>>
    %dma_start3A_29 = arith.constant 0 : i32
    %dma_start3A_30 = arith.constant 0 : i32
    %dma_start3A_31 = tpu.memref_slice %arg2[%dma_start3A_29, %dma_start3A_30] : memref<589824x128xf32, #tpu.memory_space<hbm>> -> memref<589824x128xf32, #tpu.memory_space<hbm>>
    tpu.enqueue_indirect_dma source(%dma_start3A_31 : memref<589824x128xf32, #tpu.memory_space<hbm>>) target(%arg9 : memref<96x128xf32, #tpu.memory_space<vmem>>) offsets(%dma_start3A_28 : memref<96xi32, #tpu.memory_space<vmem>>) semaphore(%arg19 : memref<!tpu.dma_semaphore, #tpu.memory_space<semaphore_mem>>)
    %dma_start3A_32 = arith.constant 3 : i32
    %dma_start3A_33 = arith.constant 0 : i32
    %dma_start3A_34 = tpu.memref_slice %arg5[%dma_start3A_32, %dma_start3A_33] : memref<6x96xi32, #tpu.memory_space<vmem>> -> memref<1x96xi32, #tpu.memory_space<vmem>>
    %dma_start3A_35 = tpu.memref_squeeze %dma_start3A_34 : memref<1x96xi32, #tpu.memory_space<vmem>> -> memref<96xi32, #tpu.memory_space<vmem>>
    %dma_start3A_36 = arith.constant 0 : i32
    %dma_start3A_37 = arith.constant 0 : i32
    %dma_start3A_38 = tpu.memref_slice %arg2[%dma_start3A_36, %dma_start3A_37] : memref<589824x128xf32, #tpu.memory_space<hbm>> -> memref<589824x128xf32, #tpu.memory_space<hbm>>
    tpu.enqueue_indirect_dma source(%dma_start3A_38 : memref<589824x128xf32, #tpu.memory_space<hbm>>) target(%arg10 : memref<96x128xf32, #tpu.memory_space<vmem>>) offsets(%dma_start3A_35 : memref<96xi32, #tpu.memory_space<vmem>>) semaphore(%arg19 : memref<!tpu.dma_semaphore, #tpu.memory_space<semaphore_mem>>)
    %add3A_39 = arith.constant 96 : i32
    %add3A_40 = arith.addi %mul3A_2, %add3A_39 : i32
    %dma_start3A_41 = arith.constant 0 : i32
    %dma_start3A_42 = tpu.memref_slice %arg3[%dma_start3A_41, %add3A_40] : memref<6x589824xi32, #tpu.memory_space<hbm>> -> memref<6x96xi32, #tpu.memory_space<hbm>>
    %dma_start3A_43 = arith.constant 0 : i32
    %dma_start3A_44 = tpu.memref_slice %arg3[%dma_start3A_43, %add3A_40] : memref<6x589824xi32, #tpu.memory_space<hbm>> -> memref<6x96xi32, #tpu.memory_space<hbm>>
    tpu.enqueue_dma source(%dma_start3A_44 : memref<6x96xi32, #tpu.memory_space<hbm>>) target(%arg6 : memref<6x96xi32, #tpu.memory_space<vmem>>) target_semaphore(%arg18 : memref<!tpu.dma_semaphore, #tpu.memory_space<semaphore_mem>>)
    %scan3A = arith.constant 0 : i32
    %scan3A_45 = arith.constant 0 : i32
    %scan3A_46 = arith.constant 96 : i32
    %scan3A_47 = arith.addi %scan3A_45, %scan3A_46 : i32
    %scan3A_48 = arith.constant 1 : i32
    scf.for %scan3A_62 = %scan3A_45 to %scan3A_47 step %scan3A_48  : i32 {
      %add3A_63 = arith.constant 0 : i32
      %add3A_64 = arith.addi %mul3A_2, %add3A_63 : i32
      %dma_wait3A_65 = arith.constant 0 : i32
      %dma_wait3A_66 = tpu.memref_slice %arg3[%dma_wait3A_65, %add3A_64] : memref<6x589824xi32, #tpu.memory_space<hbm>> -> memref<6x96xi32, #tpu.memory_space<hbm>>
      %dma_wait3A_67 = arith.constant 0 : i32
      %dma_wait3A_68 = tpu.memref_slice %arg3[%dma_wait3A_67, %add3A_64] : memref<6x589824xi32, #tpu.memory_space<hbm>> -> memref<6x96xi32, #tpu.memory_space<hbm>>
      tpu.wait_dma2 semaphore(%arg18 : memref<!tpu.dma_semaphore, #tpu.memory_space<semaphore_mem>>) src(%dma_wait3A_68 : memref<6x96xi32, #tpu.memory_space<hbm>>) dst(%arg6 : memref<6x96xi32, #tpu.memory_space<vmem>>)
      %dma_start3A_69 = arith.constant 0 : i32
      %dma_start3A_70 = arith.constant 0 : i32
      %dma_start3A_71 = tpu.memref_slice %arg6[%dma_start3A_69, %dma_start3A_70] : memref<6x96xi32, #tpu.memory_space<vmem>> -> memref<1x96xi32, #tpu.memory_space<vmem>>
      %dma_start3A_72 = tpu.memref_squeeze %dma_start3A_71 : memref<1x96xi32, #tpu.memory_space<vmem>> -> memref<96xi32, #tpu.memory_space<vmem>>
      %dma_start3A_73 = arith.constant 0 : i32
      %dma_start3A_74 = arith.constant 0 : i32
      %dma_start3A_75 = tpu.memref_slice %arg2[%dma_start3A_73, %dma_start3A_74] : memref<589824x128xf32, #tpu.memory_space<hbm>> -> memref<589824x128xf32, #tpu.memory_space<hbm>>
      tpu.enqueue_indirect_dma source(%dma_start3A_75 : memref<589824x128xf32, #tpu.memory_space<hbm>>) target(%arg11 : memref<96x128xf32, #tpu.memory_space<vmem>>) offsets(%dma_start3A_72 : memref<96xi32, #tpu.memory_space<vmem>>) semaphore(%arg20 : memref<!tpu.dma_semaphore, #tpu.memory_space<semaphore_mem>>)
      %dma_start3A_76 = arith.constant 1 : i32
      %dma_start3A_77 = arith.constant 0 : i32
      %dma_start3A_78 = tpu.memref_slice %arg6[%dma_start3A_76, %dma_start3A_77] : memref<6x96xi32, #tpu.memory_space<vmem>> -> memref<1x96xi32, #tpu.memory_space<vmem>>
      %dma_start3A_79 = tpu.memref_squeeze %dma_start3A_78 : memref<1x96xi32, #tpu.memory_space<vmem>> -> memref<96xi32, #tpu.memory_space<vmem>>
      %dma_start3A_80 = arith.constant 0 : i32
      %dma_start3A_81 = arith.constant 0 : i32
      %dma_start3A_82 = tpu.memref_slice %arg2[%dma_start3A_80, %dma_start3A_81] : memref<589824x128xf32, #tpu.memory_space<hbm>> -> memref<589824x128xf32, #tpu.memory_space<hbm>>
      tpu.enqueue_indirect_dma source(%dma_start3A_82 : memref<589824x128xf32, #tpu.memory_space<hbm>>) target(%arg12 : memref<96x128xf32, #tpu.memory_space<vmem>>) offsets(%dma_start3A_79 : memref<96xi32, #tpu.memory_space<vmem>>) semaphore(%arg20 : memref<!tpu.dma_semaphore, #tpu.memory_space<semaphore_mem>>)
      %dma_start3A_83 = arith.constant 2 : i32
      %dma_start3A_84 = arith.constant 0 : i32
      %dma_start3A_85 = tpu.memref_slice %arg6[%dma_start3A_83, %dma_start3A_84] : memref<6x96xi32, #tpu.memory_space<vmem>> -> memref<1x96xi32, #tpu.memory_space<vmem>>
      %dma_start3A_86 = tpu.memref_squeeze %dma_start3A_85 : memref<1x96xi32, #tpu.memory_space<vmem>> -> memref<96xi32, #tpu.memory_space<vmem>>
      %dma_start3A_87 = arith.constant 0 : i32
      %dma_start3A_88 = arith.constant 0 : i32
      %dma_start3A_89 = tpu.memref_slice %arg2[%dma_start3A_87, %dma_start3A_88] : memref<589824x128xf32, #tpu.memory_space<hbm>> -> memref<589824x128xf32, #tpu.memory_space<hbm>>
      tpu.enqueue_indirect_dma source(%dma_start3A_89 : memref<589824x128xf32, #tpu.memory_space<hbm>>) target(%arg13 : memref<96x128xf32, #tpu.memory_space<vmem>>) offsets(%dma_start3A_86 : memref<96xi32, #tpu.memory_space<vmem>>) semaphore(%arg20 : memref<!tpu.dma_semaphore, #tpu.memory_space<semaphore_mem>>)
      %dma_start3A_90 = arith.constant 3 : i32
      %dma_start3A_91 = arith.constant 0 : i32
      %dma_start3A_92 = tpu.memref_slice %arg6[%dma_start3A_90, %dma_start3A_91] : memref<6x96xi32, #tpu.memory_space<vmem>> -> memref<1x96xi32, #tpu.memory_space<vmem>>
      %dma_start3A_93 = tpu.memref_squeeze %dma_start3A_92 : memref<1x96xi32, #tpu.memory_space<vmem>> -> memref<96xi32, #tpu.memory_space<vmem>>
      %dma_start3A_94 = arith.constant 0 : i32
      %dma_start3A_95 = arith.constant 0 : i32
      %dma_start3A_96 = tpu.memref_slice %arg2[%dma_start3A_94, %dma_start3A_95] : memref<589824x128xf32, #tpu.memory_space<hbm>> -> memref<589824x128xf32, #tpu.memory_space<hbm>>
      tpu.enqueue_indirect_dma source(%dma_start3A_96 : memref<589824x128xf32, #tpu.memory_space<hbm>>) target(%arg14 : memref<96x128xf32, #tpu.memory_space<vmem>>) offsets(%dma_start3A_93 : memref<96xi32, #tpu.memory_space<vmem>>) semaphore(%arg20 : memref<!tpu.dma_semaphore, #tpu.memory_space<semaphore_mem>>)
      %dma_wait3A_97 = arith.constant 0 : i32
      %dma_wait3A_98 = arith.constant 0 : i32
      %dma_wait3A_99 = tpu.memref_slice %arg5[%dma_wait3A_97, %dma_wait3A_98] : memref<6x96xi32, #tpu.memory_space<vmem>> -> memref<1x96xi32, #tpu.memory_space<vmem>>
      %dma_wait3A_100 = tpu.memref_squeeze %dma_wait3A_99 : memref<1x96xi32, #tpu.memory_space<vmem>> -> memref<96xi32, #tpu.memory_space<vmem>>
      %dma_wait3A_101 = arith.constant 0 : i32
      %dma_wait3A_102 = arith.constant 0 : i32
      %dma_wait3A_103 = tpu.memref_slice %arg2[%dma_wait3A_101, %dma_wait3A_102] : memref<589824x128xf32, #tpu.memory_space<hbm>> -> memref<589824x128xf32, #tpu.memory_space<hbm>>
      tpu.wait_indirect_dma semaphore(%arg19 : memref<!tpu.dma_semaphore, #tpu.memory_space<semaphore_mem>>) src(%dma_wait3A_103 : memref<589824x128xf32, #tpu.memory_space<hbm>>) dst(%arg7 : memref<96x128xf32, #tpu.memory_space<vmem>>)
      %dma_wait3A_104 = arith.constant 1 : i32
      %dma_wait3A_105 = arith.constant 0 : i32
      %dma_wait3A_106 = tpu.memref_slice %arg5[%dma_wait3A_104, %dma_wait3A_105] : memref<6x96xi32, #tpu.memory_space<vmem>> -> memref<1x96xi32, #tpu.memory_space<vmem>>
      %dma_wait3A_107 = tpu.memref_squeeze %dma_wait3A_106 : memref<1x96xi32, #tpu.memory_space<vmem>> -> memref<96xi32, #tpu.memory_space<vmem>>
      %dma_wait3A_108 = arith.constant 0 : i32
      %dma_wait3A_109 = arith.constant 0 : i32
      %dma_wait3A_110 = tpu.memref_slice %arg2[%dma_wait3A_108, %dma_wait3A_109] : memref<589824x128xf32, #tpu.memory_space<hbm>> -> memref<589824x128xf32, #tpu.memory_space<hbm>>
      tpu.wait_indirect_dma semaphore(%arg19 : memref<!tpu.dma_semaphore, #tpu.memory_space<semaphore_mem>>) src(%dma_wait3A_110 : memref<589824x128xf32, #tpu.memory_space<hbm>>) dst(%arg8 : memref<96x128xf32, #tpu.memory_space<vmem>>)
      %dma_wait3A_111 = arith.constant 2 : i32
      %dma_wait3A_112 = arith.constant 0 : i32
      %dma_wait3A_113 = tpu.memref_slice %arg5[%dma_wait3A_111, %dma_wait3A_112] : memref<6x96xi32, #tpu.memory_space<vmem>> -> memref<1x96xi32, #tpu.memory_space<vmem>>
      %dma_wait3A_114 = tpu.memref_squeeze %dma_wait3A_113 : memref<1x96xi32, #tpu.memory_space<vmem>> -> memref<96xi32, #tpu.memory_space<vmem>>
      %dma_wait3A_115 = arith.constant 0 : i32
      %dma_wait3A_116 = arith.constant 0 : i32
      %dma_wait3A_117 = tpu.memref_slice %arg2[%dma_wait3A_115, %dma_wait3A_116] : memref<589824x128xf32, #tpu.memory_space<hbm>> -> memref<589824x128xf32, #tpu.memory_space<hbm>>
      tpu.wait_indirect_dma semaphore(%arg19 : memref<!tpu.dma_semaphore, #tpu.memory_space<semaphore_mem>>) src(%dma_wait3A_117 : memref<589824x128xf32, #tpu.memory_space<hbm>>) dst(%arg9 : memref<96x128xf32, #tpu.memory_space<vmem>>)
      %dma_wait3A_118 = arith.constant 3 : i32
      %dma_wait3A_119 = arith.constant 0 : i32
      %dma_wait3A_120 = tpu.memref_slice %arg5[%dma_wait3A_118, %dma_wait3A_119] : memref<6x96xi32, #tpu.memory_space<vmem>> -> memref<1x96xi32, #tpu.memory_space<vmem>>
      %dma_wait3A_121 = tpu.memref_squeeze %dma_wait3A_120 : memref<1x96xi32, #tpu.memory_space<vmem>> -> memref<96xi32, #tpu.memory_space<vmem>>
      %dma_wait3A_122 = arith.constant 0 : i32
      %dma_wait3A_123 = arith.constant 0 : i32
      %dma_wait3A_124 = tpu.memref_slice %arg2[%dma_wait3A_122, %dma_wait3A_123] : memref<589824x128xf32, #tpu.memory_space<hbm>> -> memref<589824x128xf32, #tpu.memory_space<hbm>>
      tpu.wait_indirect_dma semaphore(%arg19 : memref<!tpu.dma_semaphore, #tpu.memory_space<semaphore_mem>>) src(%dma_wait3A_124 : memref<589824x128xf32, #tpu.memory_space<hbm>>) dst(%arg10 : memref<96x128xf32, #tpu.memory_space<vmem>>)
      %ge3A = arith.constant 1 : i32
      %ge3A_125 = arith.cmpi sge, %scan3A_62, %ge3A : i32
      %convert_element_type3A = arith.extui %ge3A_125 : i1 to i32
      %cond3A = arith.constant 0 : i32
      %cond3A_126 = arith.cmpi ne, %convert_element_type3A, %cond3A : i32
      scf.if %cond3A_126 {
        %add3A_199 = arith.constant 0 : i32
        %add3A_200 = arith.addi %mul3A_2, %add3A_199 : i32
        %dma_wait3A_201 = arith.constant 0 : i32
        %dma_wait3A_202 = tpu.memref_slice %arg4[%add3A_200, %dma_wait3A_201] : memref<589824x128xf32, #tpu.memory_space<hbm>> -> memref<96x96xf32, #tpu.memory_space<hbm>>
        %dma_wait3A_203 = arith.constant 0 : i32
        %dma_wait3A_204 = tpu.memref_slice %arg4[%add3A_200, %dma_wait3A_203] : memref<589824x128xf32, #tpu.memory_space<hbm>> -> memref<96x96xf32, #tpu.memory_space<hbm>>
        tpu.wait_dma2 semaphore(%arg21 : memref<!tpu.dma_semaphore, #tpu.memory_space<semaphore_mem>>) src(%dma_wait3A_204 : memref<96x96xf32, #tpu.memory_space<hbm>>) dst(%arg15 : memref<96x96xf32, #tpu.memory_space<vmem>>)
      } else {
      }
      %parallel_loop3A = arith.constant 0 : i32
      %parallel_loop3A_127 = arith.constant 96 : i32
      %parallel_loop3A_128 = arith.constant 1 : i32
      scf.for %parallel_loop3A_199 = %parallel_loop3A to %parallel_loop3A_127 step %parallel_loop3A_128  : i32 {
        %parallel_loop3A_200 = arith.constant 0 : i32
        %parallel_loop3A_201 = vector.broadcast %parallel_loop3A_200 : i32 to vector<16xi32>
        %parallel_loop3A_202 = vector.broadcast %parallel_loop3A_199 : i32 to vector<16xi32>
        %parallel_loop3A_203 = arith.addi %parallel_loop3A_201, %parallel_loop3A_202 : vector<16xi32>
        %parallel_loop3A_204 = arith.constant 4 : i32
        %parallel_loop3A_205 = vector.broadcast %parallel_loop3A_204 : i32 to vector<16xi32>
        %parallel_loop3A_206 = tpu.vector_load_idx %arg5[%parallel_loop3A_205, %parallel_loop3A_203] : memref<6x96xi32, #tpu.memory_space<vmem>>[vector<16xi32>, vector<16xi32>], vector<16xi32>,
        %parallel_loop3A_207 = vector.bitcast %parallel_loop3A_206 : vector<16xi32> to vector<16xf32>
        %parallel_loop3A_208 = arith.constant 5 : i32
        %parallel_loop3A_209 = vector.broadcast %parallel_loop3A_208 : i32 to vector<16xi32>
        %parallel_loop3A_210 = tpu.vector_load_idx %arg5[%parallel_loop3A_209, %parallel_loop3A_203] : memref<6x96xi32, #tpu.memory_space<vmem>>[vector<16xi32>, vector<16xi32>], vector<16xi32>,
        %parallel_loop3A_211 = vector.bitcast %parallel_loop3A_210 : vector<16xi32> to vector<16xf32>
        %parallel_loop3A_212 = arith.index_cast %parallel_loop3A_199 : i32 to index
        %parallel_loop3A_213 = arith.constant 0 : index
        %parallel_loop3A_214 = tpu.vector_load %arg7[%parallel_loop3A_212, %parallel_loop3A_213] {strides = array<i32>} : memref<96x128xf32, #tpu.memory_space<vmem>>, vector<16xf32>,
        %parallel_loop3A_215 = arith.index_cast %parallel_loop3A_199 : i32 to index
        %parallel_loop3A_216 = arith.constant 0 : index
        %parallel_loop3A_217 = tpu.vector_load %arg8[%parallel_loop3A_215, %parallel_loop3A_216] {strides = array<i32>} : memref<96x128xf32, #tpu.memory_space<vmem>>, vector<16xf32>,
        %parallel_loop3A_218 = arith.index_cast %parallel_loop3A_199 : i32 to index
        %parallel_loop3A_219 = arith.constant 0 : index
        %parallel_loop3A_220 = tpu.vector_load %arg9[%parallel_loop3A_218, %parallel_loop3A_219] {strides = array<i32>} : memref<96x128xf32, #tpu.memory_space<vmem>>, vector<16xf32>,
        %parallel_loop3A_221 = arith.index_cast %parallel_loop3A_199 : i32 to index
        %parallel_loop3A_222 = arith.constant 0 : index
        %parallel_loop3A_223 = tpu.vector_load %arg10[%parallel_loop3A_221, %parallel_loop3A_222] {strides = array<i32>} : memref<96x128xf32, #tpu.memory_space<vmem>>, vector<16xf32>,
        %parallel_loop3A_224 = arith.subf %parallel_loop3A_217, %parallel_loop3A_214 : vector<16xf32>
        %parallel_loop3A_225 = arith.mulf %parallel_loop3A_207, %parallel_loop3A_224 : vector<16xf32>
        %parallel_loop3A_226 = arith.addf %parallel_loop3A_214, %parallel_loop3A_225 : vector<16xf32>
        %parallel_loop3A_227 = arith.subf %parallel_loop3A_223, %parallel_loop3A_220 : vector<16xf32>
        %parallel_loop3A_228 = arith.mulf %parallel_loop3A_207, %parallel_loop3A_227 : vector<16xf32>
        %parallel_loop3A_229 = arith.addf %parallel_loop3A_220, %parallel_loop3A_228 : vector<16xf32>
        %parallel_loop3A_230 = arith.subf %parallel_loop3A_229, %parallel_loop3A_226 : vector<16xf32>
        %parallel_loop3A_231 = arith.mulf %parallel_loop3A_211, %parallel_loop3A_230 : vector<16xf32>
        %parallel_loop3A_232 = arith.addf %parallel_loop3A_226, %parallel_loop3A_231 : vector<16xf32>
        %parallel_loop3A_233 = arith.index_cast %parallel_loop3A_199 : i32 to index
        %parallel_loop3A_234 = arith.constant 0 : index
        %parallel_loop3A_235 = tpu.vector_load %arg15[%parallel_loop3A_233, %parallel_loop3A_234] {strides = array<i32>} : memref<96x96xf32, #tpu.memory_space<vmem>>, vector<16xf32>,
        tpu.vector_store %arg15[%parallel_loop3A_233, %parallel_loop3A_234], %parallel_loop3A_232 {strides = array<i32>} : memref<96x96xf32, #tpu.memory_space<vmem>>, vector<16xf32>,
        %parallel_loop3A_236 = arith.index_cast %parallel_loop3A_199 : i32 to index
        %parallel_loop3A_237 = arith.constant 16 : index
        %parallel_loop3A_238 = tpu.vector_load %arg7[%parallel_loop3A_236, %parallel_loop3A_237] {strides = array<i32>} : memref<96x128xf32, #tpu.memory_space<vmem>>, vector<16xf32>,
        %parallel_loop3A_239 = arith.index_cast %parallel_loop3A_199 : i32 to index
        %parallel_loop3A_240 = arith.constant 16 : index
        %parallel_loop3A_241 = tpu.vector_load %arg8[%parallel_loop3A_239, %parallel_loop3A_240] {strides = array<i32>} : memref<96x128xf32, #tpu.memory_space<vmem>>, vector<16xf32>,
        %parallel_loop3A_242 = arith.index_cast %parallel_loop3A_199 : i32 to index
        %parallel_loop3A_243 = arith.constant 16 : index
        %parallel_loop3A_244 = tpu.vector_load %arg9[%parallel_loop3A_242, %parallel_loop3A_243] {strides = array<i32>} : memref<96x128xf32, #tpu.memory_space<vmem>>, vector<16xf32>,
        %parallel_loop3A_245 = arith.index_cast %parallel_loop3A_199 : i32 to index
        %parallel_loop3A_246 = arith.constant 16 : index
        %parallel_loop3A_247 = tpu.vector_load %arg10[%parallel_loop3A_245, %parallel_loop3A_246] {strides = array<i32>} : memref<96x128xf32, #tpu.memory_space<vmem>>, vector<16xf32>,
        %parallel_loop3A_248 = arith.subf %parallel_loop3A_241, %parallel_loop3A_238 : vector<16xf32>
        %parallel_loop3A_249 = arith.mulf %parallel_loop3A_207, %parallel_loop3A_248 : vector<16xf32>
        %parallel_loop3A_250 = arith.addf %parallel_loop3A_238, %parallel_loop3A_249 : vector<16xf32>
        %parallel_loop3A_251 = arith.subf %parallel_loop3A_247, %parallel_loop3A_244 : vector<16xf32>
        %parallel_loop3A_252 = arith.mulf %parallel_loop3A_207, %parallel_loop3A_251 : vector<16xf32>
        %parallel_loop3A_253 = arith.addf %parallel_loop3A_244, %parallel_loop3A_252 : vector<16xf32>
        %parallel_loop3A_254 = arith.subf %parallel_loop3A_253, %parallel_loop3A_250 : vector<16xf32>
        %parallel_loop3A_255 = arith.mulf %parallel_loop3A_211, %parallel_loop3A_254 : vector<16xf32>
        %parallel_loop3A_256 = arith.addf %parallel_loop3A_250, %parallel_loop3A_255 : vector<16xf32>
        %parallel_loop3A_257 = arith.index_cast %parallel_loop3A_199 : i32 to index
        %parallel_loop3A_258 = arith.constant 16 : index
        %parallel_loop3A_259 = tpu.vector_load %arg15[%parallel_loop3A_257, %parallel_loop3A_258] {strides = array<i32>} : memref<96x96xf32, #tpu.memory_space<vmem>>, vector<16xf32>,
        tpu.vector_store %arg15[%parallel_loop3A_257, %parallel_loop3A_258], %parallel_loop3A_256 {strides = array<i32>} : memref<96x96xf32, #tpu.memory_space<vmem>>, vector<16xf32>,
        %parallel_loop3A_260 = arith.index_cast %parallel_loop3A_199 : i32 to index
        %parallel_loop3A_261 = arith.constant 32 : index
        %parallel_loop3A_262 = tpu.vector_load %arg7[%parallel_loop3A_260, %parallel_loop3A_261] {strides = array<i32>} : memref<96x128xf32, #tpu.memory_space<vmem>>, vector<16xf32>,
        %parallel_loop3A_263 = arith.index_cast %parallel_loop3A_199 : i32 to index
        %parallel_loop3A_264 = arith.constant 32 : index
        %parallel_loop3A_265 = tpu.vector_load %arg8[%parallel_loop3A_263, %parallel_loop3A_264] {strides = array<i32>} : memref<96x128xf32, #tpu.memory_space<vmem>>, vector<16xf32>,
        %parallel_loop3A_266 = arith.index_cast %parallel_loop3A_199 : i32 to index
        %parallel_loop3A_267 = arith.constant 32 : index
        %parallel_loop3A_268 = tpu.vector_load %arg9[%parallel_loop3A_266, %parallel_loop3A_267] {strides = array<i32>} : memref<96x128xf32, #tpu.memory_space<vmem>>, vector<16xf32>,
        %parallel_loop3A_269 = arith.index_cast %parallel_loop3A_199 : i32 to index
        %parallel_loop3A_270 = arith.constant 32 : index
        %parallel_loop3A_271 = tpu.vector_load %arg10[%parallel_loop3A_269, %parallel_loop3A_270] {strides = array<i32>} : memref<96x128xf32, #tpu.memory_space<vmem>>, vector<16xf32>,
        %parallel_loop3A_272 = arith.subf %parallel_loop3A_265, %parallel_loop3A_262 : vector<16xf32>
        %parallel_loop3A_273 = arith.mulf %parallel_loop3A_207, %parallel_loop3A_272 : vector<16xf32>
        %parallel_loop3A_274 = arith.addf %parallel_loop3A_262, %parallel_loop3A_273 : vector<16xf32>
        %parallel_loop3A_275 = arith.subf %parallel_loop3A_271, %parallel_loop3A_268 : vector<16xf32>
        %parallel_loop3A_276 = arith.mulf %parallel_loop3A_207, %parallel_loop3A_275 : vector<16xf32>
        %parallel_loop3A_277 = arith.addf %parallel_loop3A_268, %parallel_loop3A_276 : vector<16xf32>
        %parallel_loop3A_278 = arith.subf %parallel_loop3A_277, %parallel_loop3A_274 : vector<16xf32>
        %parallel_loop3A_279 = arith.mulf %parallel_loop3A_211, %parallel_loop3A_278 : vector<16xf32>
        %parallel_loop3A_280 = arith.addf %parallel_loop3A_274, %parallel_loop3A_279 : vector<16xf32>
        %parallel_loop3A_281 = arith.index_cast %parallel_loop3A_199 : i32 to index
        %parallel_loop3A_282 = arith.constant 32 : index
        %parallel_loop3A_283 = tpu.vector_load %arg15[%parallel_loop3A_281, %parallel_loop3A_282] {strides = array<i32>} : memref<96x96xf32, #tpu.memory_space<vmem>>, vector<16xf32>,
        tpu.vector_store %arg15[%parallel_loop3A_281, %parallel_loop3A_282], %parallel_loop3A_280 {strides = array<i32>} : memref<96x96xf32, #tpu.memory_space<vmem>>, vector<16xf32>,
        %parallel_loop3A_284 = arith.index_cast %parallel_loop3A_199 : i32 to index
        %parallel_loop3A_285 = arith.constant 48 : index
        %parallel_loop3A_286 = tpu.vector_load %arg7[%parallel_loop3A_284, %parallel_loop3A_285] {strides = array<i32>} : memref<96x128xf32, #tpu.memory_space<vmem>>, vector<16xf32>,
        %parallel_loop3A_287 = arith.index_cast %parallel_loop3A_199 : i32 to index
        %parallel_loop3A_288 = arith.constant 48 : index
        %parallel_loop3A_289 = tpu.vector_load %arg8[%parallel_loop3A_287, %parallel_loop3A_288] {strides = array<i32>} : memref<96x128xf32, #tpu.memory_space<vmem>>, vector<16xf32>,
        %parallel_loop3A_290 = arith.index_cast %parallel_loop3A_199 : i32 to index
        %parallel_loop3A_291 = arith.constant 48 : index
        %parallel_loop3A_292 = tpu.vector_load %arg9[%parallel_loop3A_290, %parallel_loop3A_291] {strides = array<i32>} : memref<96x128xf32, #tpu.memory_space<vmem>>, vector<16xf32>,
        %parallel_loop3A_293 = arith.index_cast %parallel_loop3A_199 : i32 to index
        %parallel_loop3A_294 = arith.constant 48 : index
        %parallel_loop3A_295 = tpu.vector_load %arg10[%parallel_loop3A_293, %parallel_loop3A_294] {strides = array<i32>} : memref<96x128xf32, #tpu.memory_space<vmem>>, vector<16xf32>,
        %parallel_loop3A_296 = arith.subf %parallel_loop3A_289, %parallel_loop3A_286 : vector<16xf32>
        %parallel_loop3A_297 = arith.mulf %parallel_loop3A_207, %parallel_loop3A_296 : vector<16xf32>
        %parallel_loop3A_298 = arith.addf %parallel_loop3A_286, %parallel_loop3A_297 : vector<16xf32>
        %parallel_loop3A_299 = arith.subf %parallel_loop3A_295, %parallel_loop3A_292 : vector<16xf32>
        %parallel_loop3A_300 = arith.mulf %parallel_loop3A_207, %parallel_loop3A_299 : vector<16xf32>
        %parallel_loop3A_301 = arith.addf %parallel_loop3A_292, %parallel_loop3A_300 : vector<16xf32>
        %parallel_loop3A_302 = arith.subf %parallel_loop3A_301, %parallel_loop3A_298 : vector<16xf32>
        %parallel_loop3A_303 = arith.mulf %parallel_loop3A_211, %parallel_loop3A_302 : vector<16xf32>
        %parallel_loop3A_304 = arith.addf %parallel_loop3A_298, %parallel_loop3A_303 : vector<16xf32>
        %parallel_loop3A_305 = arith.index_cast %parallel_loop3A_199 : i32 to index
        %parallel_loop3A_306 = arith.constant 48 : index
        %parallel_loop3A_307 = tpu.vector_load %arg15[%parallel_loop3A_305, %parallel_loop3A_306] {strides = array<i32>} : memref<96x96xf32, #tpu.memory_space<vmem>>, vector<16xf32>,
        tpu.vector_store %arg15[%parallel_loop3A_305, %parallel_loop3A_306], %parallel_loop3A_304 {strides = array<i32>} : memref<96x96xf32, #tpu.memory_space<vmem>>, vector<16xf32>,
        %parallel_loop3A_308 = arith.index_cast %parallel_loop3A_199 : i32 to index
        %parallel_loop3A_309 = arith.constant 64 : index
        %parallel_loop3A_310 = tpu.vector_load %arg7[%parallel_loop3A_308, %parallel_loop3A_309] {strides = array<i32>} : memref<96x128xf32, #tpu.memory_space<vmem>>, vector<16xf32>,
        %parallel_loop3A_311 = arith.index_cast %parallel_loop3A_199 : i32 to index
        %parallel_loop3A_312 = arith.constant 64 : index
        %parallel_loop3A_313 = tpu.vector_load %arg8[%parallel_loop3A_311, %parallel_loop3A_312] {strides = array<i32>} : memref<96x128xf32, #tpu.memory_space<vmem>>, vector<16xf32>,
        %parallel_loop3A_314 = arith.index_cast %parallel_loop3A_199 : i32 to index
        %parallel_loop3A_315 = arith.constant 64 : index
        %parallel_loop3A_316 = tpu.vector_load %arg9[%parallel_loop3A_314, %parallel_loop3A_315] {strides = array<i32>} : memref<96x128xf32, #tpu.memory_space<vmem>>, vector<16xf32>,
        %parallel_loop3A_317 = arith.index_cast %parallel_loop3A_199 : i32 to index
        %parallel_loop3A_318 = arith.constant 64 : index
        %parallel_loop3A_319 = tpu.vector_load %arg10[%parallel_loop3A_317, %parallel_loop3A_318] {strides = array<i32>} : memref<96x128xf32, #tpu.memory_space<vmem>>, vector<16xf32>,
        %parallel_loop3A_320 = arith.subf %parallel_loop3A_313, %parallel_loop3A_310 : vector<16xf32>
        %parallel_loop3A_321 = arith.mulf %parallel_loop3A_207, %parallel_loop3A_320 : vector<16xf32>
        %parallel_loop3A_322 = arith.addf %parallel_loop3A_310, %parallel_loop3A_321 : vector<16xf32>
        %parallel_loop3A_323 = arith.subf %parallel_loop3A_319, %parallel_loop3A_316 : vector<16xf32>
        %parallel_loop3A_324 = arith.mulf %parallel_loop3A_207, %parallel_loop3A_323 : vector<16xf32>
        %parallel_loop3A_325 = arith.addf %parallel_loop3A_316, %parallel_loop3A_324 : vector<16xf32>
        %parallel_loop3A_326 = arith.subf %parallel_loop3A_325, %parallel_loop3A_322 : vector<16xf32>
        %parallel_loop3A_327 = arith.mulf %parallel_loop3A_211, %parallel_loop3A_326 : vector<16xf32>
        %parallel_loop3A_328 = arith.addf %parallel_loop3A_322, %parallel_loop3A_327 : vector<16xf32>
        %parallel_loop3A_329 = arith.index_cast %parallel_loop3A_199 : i32 to index
        %parallel_loop3A_330 = arith.constant 64 : index
        %parallel_loop3A_331 = tpu.vector_load %arg15[%parallel_loop3A_329, %parallel_loop3A_330] {strides = array<i32>} : memref<96x96xf32, #tpu.memory_space<vmem>>, vector<16xf32>,
        tpu.vector_store %arg15[%parallel_loop3A_329, %parallel_loop3A_330], %parallel_loop3A_328 {strides = array<i32>} : memref<96x96xf32, #tpu.memory_space<vmem>>, vector<16xf32>,
        %parallel_loop3A_332 = arith.index_cast %parallel_loop3A_199 : i32 to index
        %parallel_loop3A_333 = arith.constant 80 : index
        %parallel_loop3A_334 = tpu.vector_load %arg7[%parallel_loop3A_332, %parallel_loop3A_333] {strides = array<i32>} : memref<96x128xf32, #tpu.memory_space<vmem>>, vector<16xf32>,
        %parallel_loop3A_335 = arith.index_cast %parallel_loop3A_199 : i32 to index
        %parallel_loop3A_336 = arith.constant 80 : index
        %parallel_loop3A_337 = tpu.vector_load %arg8[%parallel_loop3A_335, %parallel_loop3A_336] {strides = array<i32>} : memref<96x128xf32, #tpu.memory_space<vmem>>, vector<16xf32>,
        %parallel_loop3A_338 = arith.index_cast %parallel_loop3A_199 : i32 to index
        %parallel_loop3A_339 = arith.constant 80 : index
        %parallel_loop3A_340 = tpu.vector_load %arg9[%parallel_loop3A_338, %parallel_loop3A_339] {strides = array<i32>} : memref<96x128xf32, #tpu.memory_space<vmem>>, vector<16xf32>,
        %parallel_loop3A_341 = arith.index_cast %parallel_loop3A_199 : i32 to index
        %parallel_loop3A_342 = arith.constant 80 : index
        %parallel_loop3A_343 = tpu.vector_load %arg10[%parallel_loop3A_341, %parallel_loop3A_342] {strides = array<i32>} : memref<96x128xf32, #tpu.memory_space<vmem>>, vector<16xf32>,
        %parallel_loop3A_344 = arith.subf %parallel_loop3A_337, %parallel_loop3A_334 : vector<16xf32>
        %parallel_loop3A_345 = arith.mulf %parallel_loop3A_207, %parallel_loop3A_344 : vector<16xf32>
        %parallel_loop3A_346 = arith.addf %parallel_loop3A_334, %parallel_loop3A_345 : vector<16xf32>
        %parallel_loop3A_347 = arith.subf %parallel_loop3A_343, %parallel_loop3A_340 : vector<16xf32>
        %parallel_loop3A_348 = arith.mulf %parallel_loop3A_207, %parallel_loop3A_347 : vector<16xf32>
        %parallel_loop3A_349 = arith.addf %parallel_loop3A_340, %parallel_loop3A_348 : vector<16xf32>
        %parallel_loop3A_350 = arith.subf %parallel_loop3A_349, %parallel_loop3A_346 : vector<16xf32>
        %parallel_loop3A_351 = arith.mulf %parallel_loop3A_211, %parallel_loop3A_350 : vector<16xf32>
        %parallel_loop3A_352 = arith.addf %parallel_loop3A_346, %parallel_loop3A_351 : vector<16xf32>
        %parallel_loop3A_353 = arith.index_cast %parallel_loop3A_199 : i32 to index
        %parallel_loop3A_354 = arith.constant 80 : index
        %parallel_loop3A_355 = tpu.vector_load %arg15[%parallel_loop3A_353, %parallel_loop3A_354] {strides = array<i32>} : memref<96x96xf32, #tpu.memory_space<vmem>>, vector<16xf32>,
        tpu.vector_store %arg15[%parallel_loop3A_353, %parallel_loop3A_354], %parallel_loop3A_352 {strides = array<i32>} : memref<96x96xf32, #tpu.memory_space<vmem>>, vector<16xf32>,
      } {sc.loop_unroll_factor = 4 : i64, sc.parallel_access}
      %mul3A_129 = arith.constant 2 : i32
      %mul3A_130 = arith.muli %mul3A_129, %scan3A_62 : i32
      %mul3A_131 = arith.constant 96 : i32
      %mul3A_132 = arith.muli %mul3A_130, %mul3A_131 : i32
      %add3A_133 = arith.addi %mul3A_2, %mul3A_132 : i32
      %dma_start3A_134 = arith.constant 0 : i32
      %dma_start3A_135 = tpu.memref_slice %arg4[%add3A_133, %dma_start3A_134] : memref<589824x128xf32, #tpu.memory_space<hbm>> -> memref<96x96xf32, #tpu.memory_space<hbm>>
      %dma_start3A_136 = arith.constant 0 : i32
      %dma_start3A_137 = tpu.memref_slice %arg4[%add3A_133, %dma_start3A_136] : memref<589824x128xf32, #tpu.memory_space<hbm>> -> memref<96x96xf32, #tpu.memory_space<hbm>>
      tpu.enqueue_dma source(%arg15 : memref<96x96xf32, #tpu.memory_space<vmem>>) target(%dma_start3A_137 : memref<96x96xf32, #tpu.memory_space<hbm>>) target_semaphore(%arg21 : memref<!tpu.dma_semaphore, #tpu.memory_space<semaphore_mem>>)
      %lt3A = arith.constant 95 : i32
      %lt3A_138 = arith.cmpi slt, %scan3A_62, %lt3A : i32
      %convert_element_type3A_139 = arith.extui %lt3A_138 : i1 to i32
      %cond3A_140 = arith.constant 0 : i32
      %cond3A_141 = arith.cmpi ne, %convert_element_type3A_139, %cond3A_140 : i32
      scf.if %cond3A_141 {
        %mul3A_199 = arith.constant 2 : i32
        %mul3A_200 = arith.muli %mul3A_199, %scan3A_62 : i32
        %add3A_201 = arith.constant 2 : i32
        %add3A_202 = arith.addi %mul3A_200, %add3A_201 : i32
        %mul3A_203 = arith.constant 96 : i32
        %mul3A_204 = arith.muli %add3A_202, %mul3A_203 : i32
        %add3A_205 = arith.addi %mul3A_2, %mul3A_204 : i32
        %dma_start3A_206 = arith.constant 0 : i32
        %dma_start3A_207 = tpu.memref_slice %arg3[%dma_start3A_206, %add3A_205] : memref<6x589824xi32, #tpu.memory_space<hbm>> -> memref<6x96xi32, #tpu.memory_space<hbm>>
        %dma_start3A_208 = arith.constant 0 : i32
        %dma_start3A_209 = tpu.memref_slice %arg3[%dma_start3A_208, %add3A_205] : memref<6x589824xi32, #tpu.memory_space<hbm>> -> memref<6x96xi32, #tpu.memory_space<hbm>>
        tpu.enqueue_dma source(%dma_start3A_209 : memref<6x96xi32, #tpu.memory_space<hbm>>) target(%arg5 : memref<6x96xi32, #tpu.memory_space<vmem>>) target_semaphore(%arg17 : memref<!tpu.dma_semaphore, #tpu.memory_space<semaphore_mem>>)
      } else {
      }
      %lt3A_142 = arith.constant 95 : i32
      %lt3A_143 = arith.cmpi slt, %scan3A_62, %lt3A_142 : i32
      %convert_element_type3A_144 = arith.extui %lt3A_143 : i1 to i32
      %cond3A_145 = arith.constant 0 : i32
      %cond3A_146 = arith.cmpi ne, %convert_element_type3A_144, %cond3A_145 : i32
      scf.if %cond3A_146 {
        %add3A_199 = arith.constant 0 : i32
        %add3A_200 = arith.addi %mul3A_2, %add3A_199 : i32
        %dma_wait3A_201 = arith.constant 0 : i32
        %dma_wait3A_202 = tpu.memref_slice %arg3[%dma_wait3A_201, %add3A_200] : memref<6x589824xi32, #tpu.memory_space<hbm>> -> memref<6x96xi32, #tpu.memory_space<hbm>>
        %dma_wait3A_203 = arith.constant 0 : i32
        %dma_wait3A_204 = tpu.memref_slice %arg3[%dma_wait3A_203, %add3A_200] : memref<6x589824xi32, #tpu.memory_space<hbm>> -> memref<6x96xi32, #tpu.memory_space<hbm>>
        tpu.wait_dma2 semaphore(%arg17 : memref<!tpu.dma_semaphore, #tpu.memory_space<semaphore_mem>>) src(%dma_wait3A_204 : memref<6x96xi32, #tpu.memory_space<hbm>>) dst(%arg5 : memref<6x96xi32, #tpu.memory_space<vmem>>)
        %dma_start3A_205 = arith.constant 0 : i32
        %dma_start3A_206 = arith.constant 0 : i32
        %dma_start3A_207 = tpu.memref_slice %arg5[%dma_start3A_205, %dma_start3A_206] : memref<6x96xi32, #tpu.memory_space<vmem>> -> memref<1x96xi32, #tpu.memory_space<vmem>>
        %dma_start3A_208 = tpu.memref_squeeze %dma_start3A_207 : memref<1x96xi32, #tpu.memory_space<vmem>> -> memref<96xi32, #tpu.memory_space<vmem>>
        %dma_start3A_209 = arith.constant 0 : i32
        %dma_start3A_210 = arith.constant 0 : i32
        %dma_start3A_211 = tpu.memref_slice %arg2[%dma_start3A_209, %dma_start3A_210] : memref<589824x128xf32, #tpu.memory_space<hbm>> -> memref<589824x128xf32, #tpu.memory_space<hbm>>
        tpu.enqueue_indirect_dma source(%dma_start3A_211 : memref<589824x128xf32, #tpu.memory_space<hbm>>) target(%arg7 : memref<96x128xf32, #tpu.memory_space<vmem>>) offsets(%dma_start3A_208 : memref<96xi32, #tpu.memory_space<vmem>>) semaphore(%arg19 : memref<!tpu.dma_semaphore, #tpu.memory_space<semaphore_mem>>)
        %dma_start3A_212 = arith.constant 1 : i32
        %dma_start3A_213 = arith.constant 0 : i32
        %dma_start3A_214 = tpu.memref_slice %arg5[%dma_start3A_212, %dma_start3A_213] : memref<6x96xi32, #tpu.memory_space<vmem>> -> memref<1x96xi32, #tpu.memory_space<vmem>>
        %dma_start3A_215 = tpu.memref_squeeze %dma_start3A_214 : memref<1x96xi32, #tpu.memory_space<vmem>> -> memref<96xi32, #tpu.memory_space<vmem>>
        %dma_start3A_216 = arith.constant 0 : i32
        %dma_start3A_217 = arith.constant 0 : i32
        %dma_start3A_218 = tpu.memref_slice %arg2[%dma_start3A_216, %dma_start3A_217] : memref<589824x128xf32, #tpu.memory_space<hbm>> -> memref<589824x128xf32, #tpu.memory_space<hbm>>
        tpu.enqueue_indirect_dma source(%dma_start3A_218 : memref<589824x128xf32, #tpu.memory_space<hbm>>) target(%arg8 : memref<96x128xf32, #tpu.memory_space<vmem>>) offsets(%dma_start3A_215 : memref<96xi32, #tpu.memory_space<vmem>>) semaphore(%arg19 : memref<!tpu.dma_semaphore, #tpu.memory_space<semaphore_mem>>)
        %dma_start3A_219 = arith.constant 2 : i32
        %dma_start3A_220 = arith.constant 0 : i32
        %dma_start3A_221 = tpu.memref_slice %arg5[%dma_start3A_219, %dma_start3A_220] : memref<6x96xi32, #tpu.memory_space<vmem>> -> memref<1x96xi32, #tpu.memory_space<vmem>>
        %dma_start3A_222 = tpu.memref_squeeze %dma_start3A_221 : memref<1x96xi32, #tpu.memory_space<vmem>> -> memref<96xi32, #tpu.memory_space<vmem>>
        %dma_start3A_223 = arith.constant 0 : i32
        %dma_start3A_224 = arith.constant 0 : i32
        %dma_start3A_225 = tpu.memref_slice %arg2[%dma_start3A_223, %dma_start3A_224] : memref<589824x128xf32, #tpu.memory_space<hbm>> -> memref<589824x128xf32, #tpu.memory_space<hbm>>
        tpu.enqueue_indirect_dma source(%dma_start3A_225 : memref<589824x128xf32, #tpu.memory_space<hbm>>) target(%arg9 : memref<96x128xf32, #tpu.memory_space<vmem>>) offsets(%dma_start3A_222 : memref<96xi32, #tpu.memory_space<vmem>>) semaphore(%arg19 : memref<!tpu.dma_semaphore, #tpu.memory_space<semaphore_mem>>)
        %dma_start3A_226 = arith.constant 3 : i32
        %dma_start3A_227 = arith.constant 0 : i32
        %dma_start3A_228 = tpu.memref_slice %arg5[%dma_start3A_226, %dma_start3A_227] : memref<6x96xi32, #tpu.memory_space<vmem>> -> memref<1x96xi32, #tpu.memory_space<vmem>>
        %dma_start3A_229 = tpu.memref_squeeze %dma_start3A_228 : memref<1x96xi32, #tpu.memory_space<vmem>> -> memref<96xi32, #tpu.memory_space<vmem>>
        %dma_start3A_230 = arith.constant 0 : i32
        %dma_start3A_231 = arith.constant 0 : i32
        %dma_start3A_232 = tpu.memref_slice %arg2[%dma_start3A_230, %dma_start3A_231] : memref<589824x128xf32, #tpu.memory_space<hbm>> -> memref<589824x128xf32, #tpu.memory_space<hbm>>
        tpu.enqueue_indirect_dma source(%dma_start3A_232 : memref<589824x128xf32, #tpu.memory_space<hbm>>) target(%arg10 : memref<96x128xf32, #tpu.memory_space<vmem>>) offsets(%dma_start3A_229 : memref<96xi32, #tpu.memory_space<vmem>>) semaphore(%arg19 : memref<!tpu.dma_semaphore, #tpu.memory_space<semaphore_mem>>)
      } else {
      }
      %dma_wait3A_147 = arith.constant 0 : i32
      %dma_wait3A_148 = arith.constant 0 : i32
      %dma_wait3A_149 = tpu.memref_slice %arg6[%dma_wait3A_147, %dma_wait3A_148] : memref<6x96xi32, #tpu.memory_space<vmem>> -> memref<1x96xi32, #tpu.memory_space<vmem>>
      %dma_wait3A_150 = tpu.memref_squeeze %dma_wait3A_149 : memref<1x96xi32, #tpu.memory_space<vmem>> -> memref<96xi32, #tpu.memory_space<vmem>>
      %dma_wait3A_151 = arith.constant 0 : i32
      %dma_wait3A_152 = arith.constant 0 : i32
      %dma_wait3A_153 = tpu.memref_slice %arg2[%dma_wait3A_151, %dma_wait3A_152] : memref<589824x128xf32, #tpu.memory_space<hbm>> -> memref<589824x128xf32, #tpu.memory_space<hbm>>
      tpu.wait_indirect_dma semaphore(%arg20 : memref<!tpu.dma_semaphore, #tpu.memory_space<semaphore_mem>>) src(%dma_wait3A_153 : memref<589824x128xf32, #tpu.memory_space<hbm>>) dst(%arg11 : memref<96x128xf32, #tpu.memory_space<vmem>>)
      %dma_wait3A_154 = arith.constant 1 : i32
      %dma_wait3A_155 = arith.constant 0 : i32
      %dma_wait3A_156 = tpu.memref_slice %arg6[%dma_wait3A_154, %dma_wait3A_155] : memref<6x96xi32, #tpu.memory_space<vmem>> -> memref<1x96xi32, #tpu.memory_space<vmem>>
      %dma_wait3A_157 = tpu.memref_squeeze %dma_wait3A_156 : memref<1x96xi32, #tpu.memory_space<vmem>> -> memref<96xi32, #tpu.memory_space<vmem>>
      %dma_wait3A_158 = arith.constant 0 : i32
      %dma_wait3A_159 = arith.constant 0 : i32
      %dma_wait3A_160 = tpu.memref_slice %arg2[%dma_wait3A_158, %dma_wait3A_159] : memref<589824x128xf32, #tpu.memory_space<hbm>> -> memref<589824x128xf32, #tpu.memory_space<hbm>>
      tpu.wait_indirect_dma semaphore(%arg20 : memref<!tpu.dma_semaphore, #tpu.memory_space<semaphore_mem>>) src(%dma_wait3A_160 : memref<589824x128xf32, #tpu.memory_space<hbm>>) dst(%arg12 : memref<96x128xf32, #tpu.memory_space<vmem>>)
      %dma_wait3A_161 = arith.constant 2 : i32
      %dma_wait3A_162 = arith.constant 0 : i32
      %dma_wait3A_163 = tpu.memref_slice %arg6[%dma_wait3A_161, %dma_wait3A_162] : memref<6x96xi32, #tpu.memory_space<vmem>> -> memref<1x96xi32, #tpu.memory_space<vmem>>
      %dma_wait3A_164 = tpu.memref_squeeze %dma_wait3A_163 : memref<1x96xi32, #tpu.memory_space<vmem>> -> memref<96xi32, #tpu.memory_space<vmem>>
      %dma_wait3A_165 = arith.constant 0 : i32
      %dma_wait3A_166 = arith.constant 0 : i32
      %dma_wait3A_167 = tpu.memref_slice %arg2[%dma_wait3A_165, %dma_wait3A_166] : memref<589824x128xf32, #tpu.memory_space<hbm>> -> memref<589824x128xf32, #tpu.memory_space<hbm>>
      tpu.wait_indirect_dma semaphore(%arg20 : memref<!tpu.dma_semaphore, #tpu.memory_space<semaphore_mem>>) src(%dma_wait3A_167 : memref<589824x128xf32, #tpu.memory_space<hbm>>) dst(%arg13 : memref<96x128xf32, #tpu.memory_space<vmem>>)
      %dma_wait3A_168 = arith.constant 3 : i32
      %dma_wait3A_169 = arith.constant 0 : i32
      %dma_wait3A_170 = tpu.memref_slice %arg6[%dma_wait3A_168, %dma_wait3A_169] : memref<6x96xi32, #tpu.memory_space<vmem>> -> memref<1x96xi32, #tpu.memory_space<vmem>>
      %dma_wait3A_171 = tpu.memref_squeeze %dma_wait3A_170 : memref<1x96xi32, #tpu.memory_space<vmem>> -> memref<96xi32, #tpu.memory_space<vmem>>
      %dma_wait3A_172 = arith.constant 0 : i32
      %dma_wait3A_173 = arith.constant 0 : i32
      %dma_wait3A_174 = tpu.memref_slice %arg2[%dma_wait3A_172, %dma_wait3A_173] : memref<589824x128xf32, #tpu.memory_space<hbm>> -> memref<589824x128xf32, #tpu.memory_space<hbm>>
      tpu.wait_indirect_dma semaphore(%arg20 : memref<!tpu.dma_semaphore, #tpu.memory_space<semaphore_mem>>) src(%dma_wait3A_174 : memref<589824x128xf32, #tpu.memory_space<hbm>>) dst(%arg14 : memref<96x128xf32, #tpu.memory_space<vmem>>)
      %ge3A_175 = arith.constant 1 : i32
      %ge3A_176 = arith.cmpi sge, %scan3A_62, %ge3A_175 : i32
      %convert_element_type3A_177 = arith.extui %ge3A_176 : i1 to i32
      %cond3A_178 = arith.constant 0 : i32
      %cond3A_179 = arith.cmpi ne, %convert_element_type3A_177, %cond3A_178 : i32
      scf.if %cond3A_179 {
        %add3A_199 = arith.constant 0 : i32
        %add3A_200 = arith.addi %mul3A_2, %add3A_199 : i32
        %dma_wait3A_201 = arith.constant 0 : i32
        %dma_wait3A_202 = tpu.memref_slice %arg4[%add3A_200, %dma_wait3A_201] : memref<589824x128xf32, #tpu.memory_space<hbm>> -> memref<96x96xf32, #tpu.memory_space<hbm>>
        %dma_wait3A_203 = arith.constant 0 : i32
        %dma_wait3A_204 = tpu.memref_slice %arg4[%add3A_200, %dma_wait3A_203] : memref<589824x128xf32, #tpu.memory_space<hbm>> -> memref<96x96xf32, #tpu.memory_space<hbm>>
        tpu.wait_dma2 semaphore(%arg22 : memref<!tpu.dma_semaphore, #tpu.memory_space<semaphore_mem>>) src(%dma_wait3A_204 : memref<96x96xf32, #tpu.memory_space<hbm>>) dst(%arg16 : memref<96x96xf32, #tpu.memory_space<vmem>>)
      } else {
      }
      %parallel_loop3A_180 = arith.constant 0 : i32
      %parallel_loop3A_181 = arith.constant 96 : i32
      %parallel_loop3A_182 = arith.constant 1 : i32
      scf.for %parallel_loop3A_199 = %parallel_loop3A_180 to %parallel_loop3A_181 step %parallel_loop3A_182  : i32 {
        %parallel_loop3A_200 = arith.constant 0 : i32
        %parallel_loop3A_201 = vector.broadcast %parallel_loop3A_200 : i32 to vector<16xi32>
        %parallel_loop3A_202 = vector.broadcast %parallel_loop3A_199 : i32 to vector<16xi32>
        %parallel_loop3A_203 = arith.addi %parallel_loop3A_201, %parallel_loop3A_202 : vector<16xi32>
        %parallel_loop3A_204 = arith.constant 4 : i32
        %parallel_loop3A_205 = vector.broadcast %parallel_loop3A_204 : i32 to vector<16xi32>
        %parallel_loop3A_206 = tpu.vector_load_idx %arg6[%parallel_loop3A_205, %parallel_loop3A_203] : memref<6x96xi32, #tpu.memory_space<vmem>>[vector<16xi32>, vector<16xi32>], vector<16xi32>,
        %parallel_loop3A_207 = vector.bitcast %parallel_loop3A_206 : vector<16xi32> to vector<16xf32>
        %parallel_loop3A_208 = arith.constant 5 : i32
        %parallel_loop3A_209 = vector.broadcast %parallel_loop3A_208 : i32 to vector<16xi32>
        %parallel_loop3A_210 = tpu.vector_load_idx %arg6[%parallel_loop3A_209, %parallel_loop3A_203] : memref<6x96xi32, #tpu.memory_space<vmem>>[vector<16xi32>, vector<16xi32>], vector<16xi32>,
        %parallel_loop3A_211 = vector.bitcast %parallel_loop3A_210 : vector<16xi32> to vector<16xf32>
        %parallel_loop3A_212 = arith.index_cast %parallel_loop3A_199 : i32 to index
        %parallel_loop3A_213 = arith.constant 0 : index
        %parallel_loop3A_214 = tpu.vector_load %arg11[%parallel_loop3A_212, %parallel_loop3A_213] {strides = array<i32>} : memref<96x128xf32, #tpu.memory_space<vmem>>, vector<16xf32>,
        %parallel_loop3A_215 = arith.index_cast %parallel_loop3A_199 : i32 to index
        %parallel_loop3A_216 = arith.constant 0 : index
        %parallel_loop3A_217 = tpu.vector_load %arg12[%parallel_loop3A_215, %parallel_loop3A_216] {strides = array<i32>} : memref<96x128xf32, #tpu.memory_space<vmem>>, vector<16xf32>,
        %parallel_loop3A_218 = arith.index_cast %parallel_loop3A_199 : i32 to index
        %parallel_loop3A_219 = arith.constant 0 : index
        %parallel_loop3A_220 = tpu.vector_load %arg13[%parallel_loop3A_218, %parallel_loop3A_219] {strides = array<i32>} : memref<96x128xf32, #tpu.memory_space<vmem>>, vector<16xf32>,
        %parallel_loop3A_221 = arith.index_cast %parallel_loop3A_199 : i32 to index
        %parallel_loop3A_222 = arith.constant 0 : index
        %parallel_loop3A_223 = tpu.vector_load %arg14[%parallel_loop3A_221, %parallel_loop3A_222] {strides = array<i32>} : memref<96x128xf32, #tpu.memory_space<vmem>>, vector<16xf32>,
        %parallel_loop3A_224 = arith.subf %parallel_loop3A_217, %parallel_loop3A_214 : vector<16xf32>
        %parallel_loop3A_225 = arith.mulf %parallel_loop3A_207, %parallel_loop3A_224 : vector<16xf32>
        %parallel_loop3A_226 = arith.addf %parallel_loop3A_214, %parallel_loop3A_225 : vector<16xf32>
        %parallel_loop3A_227 = arith.subf %parallel_loop3A_223, %parallel_loop3A_220 : vector<16xf32>
        %parallel_loop3A_228 = arith.mulf %parallel_loop3A_207, %parallel_loop3A_227 : vector<16xf32>
        %parallel_loop3A_229 = arith.addf %parallel_loop3A_220, %parallel_loop3A_228 : vector<16xf32>
        %parallel_loop3A_230 = arith.subf %parallel_loop3A_229, %parallel_loop3A_226 : vector<16xf32>
        %parallel_loop3A_231 = arith.mulf %parallel_loop3A_211, %parallel_loop3A_230 : vector<16xf32>
        %parallel_loop3A_232 = arith.addf %parallel_loop3A_226, %parallel_loop3A_231 : vector<16xf32>
        %parallel_loop3A_233 = arith.index_cast %parallel_loop3A_199 : i32 to index
        %parallel_loop3A_234 = arith.constant 0 : index
        %parallel_loop3A_235 = tpu.vector_load %arg16[%parallel_loop3A_233, %parallel_loop3A_234] {strides = array<i32>} : memref<96x96xf32, #tpu.memory_space<vmem>>, vector<16xf32>,
        tpu.vector_store %arg16[%parallel_loop3A_233, %parallel_loop3A_234], %parallel_loop3A_232 {strides = array<i32>} : memref<96x96xf32, #tpu.memory_space<vmem>>, vector<16xf32>,
        %parallel_loop3A_236 = arith.index_cast %parallel_loop3A_199 : i32 to index
        %parallel_loop3A_237 = arith.constant 16 : index
        %parallel_loop3A_238 = tpu.vector_load %arg11[%parallel_loop3A_236, %parallel_loop3A_237] {strides = array<i32>} : memref<96x128xf32, #tpu.memory_space<vmem>>, vector<16xf32>,
        %parallel_loop3A_239 = arith.index_cast %parallel_loop3A_199 : i32 to index
        %parallel_loop3A_240 = arith.constant 16 : index
        %parallel_loop3A_241 = tpu.vector_load %arg12[%parallel_loop3A_239, %parallel_loop3A_240] {strides = array<i32>} : memref<96x128xf32, #tpu.memory_space<vmem>>, vector<16xf32>,
        %parallel_loop3A_242 = arith.index_cast %parallel_loop3A_199 : i32 to index
        %parallel_loop3A_243 = arith.constant 16 : index
        %parallel_loop3A_244 = tpu.vector_load %arg13[%parallel_loop3A_242, %parallel_loop3A_243] {strides = array<i32>} : memref<96x128xf32, #tpu.memory_space<vmem>>, vector<16xf32>,
        %parallel_loop3A_245 = arith.index_cast %parallel_loop3A_199 : i32 to index
        %parallel_loop3A_246 = arith.constant 16 : index
        %parallel_loop3A_247 = tpu.vector_load %arg14[%parallel_loop3A_245, %parallel_loop3A_246] {strides = array<i32>} : memref<96x128xf32, #tpu.memory_space<vmem>>, vector<16xf32>,
        %parallel_loop3A_248 = arith.subf %parallel_loop3A_241, %parallel_loop3A_238 : vector<16xf32>
        %parallel_loop3A_249 = arith.mulf %parallel_loop3A_207, %parallel_loop3A_248 : vector<16xf32>
        %parallel_loop3A_250 = arith.addf %parallel_loop3A_238, %parallel_loop3A_249 : vector<16xf32>
        %parallel_loop3A_251 = arith.subf %parallel_loop3A_247, %parallel_loop3A_244 : vector<16xf32>
        %parallel_loop3A_252 = arith.mulf %parallel_loop3A_207, %parallel_loop3A_251 : vector<16xf32>
        %parallel_loop3A_253 = arith.addf %parallel_loop3A_244, %parallel_loop3A_252 : vector<16xf32>
        %parallel_loop3A_254 = arith.subf %parallel_loop3A_253, %parallel_loop3A_250 : vector<16xf32>
        %parallel_loop3A_255 = arith.mulf %parallel_loop3A_211, %parallel_loop3A_254 : vector<16xf32>
        %parallel_loop3A_256 = arith.addf %parallel_loop3A_250, %parallel_loop3A_255 : vector<16xf32>
        %parallel_loop3A_257 = arith.index_cast %parallel_loop3A_199 : i32 to index
        %parallel_loop3A_258 = arith.constant 16 : index
        %parallel_loop3A_259 = tpu.vector_load %arg16[%parallel_loop3A_257, %parallel_loop3A_258] {strides = array<i32>} : memref<96x96xf32, #tpu.memory_space<vmem>>, vector<16xf32>,
        tpu.vector_store %arg16[%parallel_loop3A_257, %parallel_loop3A_258], %parallel_loop3A_256 {strides = array<i32>} : memref<96x96xf32, #tpu.memory_space<vmem>>, vector<16xf32>,
        %parallel_loop3A_260 = arith.index_cast %parallel_loop3A_199 : i32 to index
        %parallel_loop3A_261 = arith.constant 32 : index
        %parallel_loop3A_262 = tpu.vector_load %arg11[%parallel_loop3A_260, %parallel_loop3A_261] {strides = array<i32>} : memref<96x128xf32, #tpu.memory_space<vmem>>, vector<16xf32>,
        %parallel_loop3A_263 = arith.index_cast %parallel_loop3A_199 : i32 to index
        %parallel_loop3A_264 = arith.constant 32 : index
        %parallel_loop3A_265 = tpu.vector_load %arg12[%parallel_loop3A_263, %parallel_loop3A_264] {strides = array<i32>} : memref<96x128xf32, #tpu.memory_space<vmem>>, vector<16xf32>,
        %parallel_loop3A_266 = arith.index_cast %parallel_loop3A_199 : i32 to index
        %parallel_loop3A_267 = arith.constant 32 : index
        %parallel_loop3A_268 = tpu.vector_load %arg13[%parallel_loop3A_266, %parallel_loop3A_267] {strides = array<i32>} : memref<96x128xf32, #tpu.memory_space<vmem>>, vector<16xf32>,
        %parallel_loop3A_269 = arith.index_cast %parallel_loop3A_199 : i32 to index
        %parallel_loop3A_270 = arith.constant 32 : index
        %parallel_loop3A_271 = tpu.vector_load %arg14[%parallel_loop3A_269, %parallel_loop3A_270] {strides = array<i32>} : memref<96x128xf32, #tpu.memory_space<vmem>>, vector<16xf32>,
        %parallel_loop3A_272 = arith.subf %parallel_loop3A_265, %parallel_loop3A_262 : vector<16xf32>
        %parallel_loop3A_273 = arith.mulf %parallel_loop3A_207, %parallel_loop3A_272 : vector<16xf32>
        %parallel_loop3A_274 = arith.addf %parallel_loop3A_262, %parallel_loop3A_273 : vector<16xf32>
        %parallel_loop3A_275 = arith.subf %parallel_loop3A_271, %parallel_loop3A_268 : vector<16xf32>
        %parallel_loop3A_276 = arith.mulf %parallel_loop3A_207, %parallel_loop3A_275 : vector<16xf32>
        %parallel_loop3A_277 = arith.addf %parallel_loop3A_268, %parallel_loop3A_276 : vector<16xf32>
        %parallel_loop3A_278 = arith.subf %parallel_loop3A_277, %parallel_loop3A_274 : vector<16xf32>
        %parallel_loop3A_279 = arith.mulf %parallel_loop3A_211, %parallel_loop3A_278 : vector<16xf32>
        %parallel_loop3A_280 = arith.addf %parallel_loop3A_274, %parallel_loop3A_279 : vector<16xf32>
        %parallel_loop3A_281 = arith.index_cast %parallel_loop3A_199 : i32 to index
        %parallel_loop3A_282 = arith.constant 32 : index
        %parallel_loop3A_283 = tpu.vector_load %arg16[%parallel_loop3A_281, %parallel_loop3A_282] {strides = array<i32>} : memref<96x96xf32, #tpu.memory_space<vmem>>, vector<16xf32>,
        tpu.vector_store %arg16[%parallel_loop3A_281, %parallel_loop3A_282], %parallel_loop3A_280 {strides = array<i32>} : memref<96x96xf32, #tpu.memory_space<vmem>>, vector<16xf32>,
        %parallel_loop3A_284 = arith.index_cast %parallel_loop3A_199 : i32 to index
        %parallel_loop3A_285 = arith.constant 48 : index
        %parallel_loop3A_286 = tpu.vector_load %arg11[%parallel_loop3A_284, %parallel_loop3A_285] {strides = array<i32>} : memref<96x128xf32, #tpu.memory_space<vmem>>, vector<16xf32>,
        %parallel_loop3A_287 = arith.index_cast %parallel_loop3A_199 : i32 to index
        %parallel_loop3A_288 = arith.constant 48 : index
        %parallel_loop3A_289 = tpu.vector_load %arg12[%parallel_loop3A_287, %parallel_loop3A_288] {strides = array<i32>} : memref<96x128xf32, #tpu.memory_space<vmem>>, vector<16xf32>,
        %parallel_loop3A_290 = arith.index_cast %parallel_loop3A_199 : i32 to index
        %parallel_loop3A_291 = arith.constant 48 : index
        %parallel_loop3A_292 = tpu.vector_load %arg13[%parallel_loop3A_290, %parallel_loop3A_291] {strides = array<i32>} : memref<96x128xf32, #tpu.memory_space<vmem>>, vector<16xf32>,
        %parallel_loop3A_293 = arith.index_cast %parallel_loop3A_199 : i32 to index
        %parallel_loop3A_294 = arith.constant 48 : index
        %parallel_loop3A_295 = tpu.vector_load %arg14[%parallel_loop3A_293, %parallel_loop3A_294] {strides = array<i32>} : memref<96x128xf32, #tpu.memory_space<vmem>>, vector<16xf32>,
        %parallel_loop3A_296 = arith.subf %parallel_loop3A_289, %parallel_loop3A_286 : vector<16xf32>
        %parallel_loop3A_297 = arith.mulf %parallel_loop3A_207, %parallel_loop3A_296 : vector<16xf32>
        %parallel_loop3A_298 = arith.addf %parallel_loop3A_286, %parallel_loop3A_297 : vector<16xf32>
        %parallel_loop3A_299 = arith.subf %parallel_loop3A_295, %parallel_loop3A_292 : vector<16xf32>
        %parallel_loop3A_300 = arith.mulf %parallel_loop3A_207, %parallel_loop3A_299 : vector<16xf32>
        %parallel_loop3A_301 = arith.addf %parallel_loop3A_292, %parallel_loop3A_300 : vector<16xf32>
        %parallel_loop3A_302 = arith.subf %parallel_loop3A_301, %parallel_loop3A_298 : vector<16xf32>
        %parallel_loop3A_303 = arith.mulf %parallel_loop3A_211, %parallel_loop3A_302 : vector<16xf32>
        %parallel_loop3A_304 = arith.addf %parallel_loop3A_298, %parallel_loop3A_303 : vector<16xf32>
        %parallel_loop3A_305 = arith.index_cast %parallel_loop3A_199 : i32 to index
        %parallel_loop3A_306 = arith.constant 48 : index
        %parallel_loop3A_307 = tpu.vector_load %arg16[%parallel_loop3A_305, %parallel_loop3A_306] {strides = array<i32>} : memref<96x96xf32, #tpu.memory_space<vmem>>, vector<16xf32>,
        tpu.vector_store %arg16[%parallel_loop3A_305, %parallel_loop3A_306], %parallel_loop3A_304 {strides = array<i32>} : memref<96x96xf32, #tpu.memory_space<vmem>>, vector<16xf32>,
        %parallel_loop3A_308 = arith.index_cast %parallel_loop3A_199 : i32 to index
        %parallel_loop3A_309 = arith.constant 64 : index
        %parallel_loop3A_310 = tpu.vector_load %arg11[%parallel_loop3A_308, %parallel_loop3A_309] {strides = array<i32>} : memref<96x128xf32, #tpu.memory_space<vmem>>, vector<16xf32>,
        %parallel_loop3A_311 = arith.index_cast %parallel_loop3A_199 : i32 to index
        %parallel_loop3A_312 = arith.constant 64 : index
        %parallel_loop3A_313 = tpu.vector_load %arg12[%parallel_loop3A_311, %parallel_loop3A_312] {strides = array<i32>} : memref<96x128xf32, #tpu.memory_space<vmem>>, vector<16xf32>,
        %parallel_loop3A_314 = arith.index_cast %parallel_loop3A_199 : i32 to index
        %parallel_loop3A_315 = arith.constant 64 : index
        %parallel_loop3A_316 = tpu.vector_load %arg13[%parallel_loop3A_314, %parallel_loop3A_315] {strides = array<i32>} : memref<96x128xf32, #tpu.memory_space<vmem>>, vector<16xf32>,
        %parallel_loop3A_317 = arith.index_cast %parallel_loop3A_199 : i32 to index
        %parallel_loop3A_318 = arith.constant 64 : index
        %parallel_loop3A_319 = tpu.vector_load %arg14[%parallel_loop3A_317, %parallel_loop3A_318] {strides = array<i32>} : memref<96x128xf32, #tpu.memory_space<vmem>>, vector<16xf32>,
        %parallel_loop3A_320 = arith.subf %parallel_loop3A_313, %parallel_loop3A_310 : vector<16xf32>
        %parallel_loop3A_321 = arith.mulf %parallel_loop3A_207, %parallel_loop3A_320 : vector<16xf32>
        %parallel_loop3A_322 = arith.addf %parallel_loop3A_310, %parallel_loop3A_321 : vector<16xf32>
        %parallel_loop3A_323 = arith.subf %parallel_loop3A_319, %parallel_loop3A_316 : vector<16xf32>
        %parallel_loop3A_324 = arith.mulf %parallel_loop3A_207, %parallel_loop3A_323 : vector<16xf32>
        %parallel_loop3A_325 = arith.addf %parallel_loop3A_316, %parallel_loop3A_324 : vector<16xf32>
        %parallel_loop3A_326 = arith.subf %parallel_loop3A_325, %parallel_loop3A_322 : vector<16xf32>
        %parallel_loop3A_327 = arith.mulf %parallel_loop3A_211, %parallel_loop3A_326 : vector<16xf32>
        %parallel_loop3A_328 = arith.addf %parallel_loop3A_322, %parallel_loop3A_327 : vector<16xf32>
        %parallel_loop3A_329 = arith.index_cast %parallel_loop3A_199 : i32 to index
        %parallel_loop3A_330 = arith.constant 64 : index
        %parallel_loop3A_331 = tpu.vector_load %arg16[%parallel_loop3A_329, %parallel_loop3A_330] {strides = array<i32>} : memref<96x96xf32, #tpu.memory_space<vmem>>, vector<16xf32>,
        tpu.vector_store %arg16[%parallel_loop3A_329, %parallel_loop3A_330], %parallel_loop3A_328 {strides = array<i32>} : memref<96x96xf32, #tpu.memory_space<vmem>>, vector<16xf32>,
        %parallel_loop3A_332 = arith.index_cast %parallel_loop3A_199 : i32 to index
        %parallel_loop3A_333 = arith.constant 80 : index
        %parallel_loop3A_334 = tpu.vector_load %arg11[%parallel_loop3A_332, %parallel_loop3A_333] {strides = array<i32>} : memref<96x128xf32, #tpu.memory_space<vmem>>, vector<16xf32>,
        %parallel_loop3A_335 = arith.index_cast %parallel_loop3A_199 : i32 to index
        %parallel_loop3A_336 = arith.constant 80 : index
        %parallel_loop3A_337 = tpu.vector_load %arg12[%parallel_loop3A_335, %parallel_loop3A_336] {strides = array<i32>} : memref<96x128xf32, #tpu.memory_space<vmem>>, vector<16xf32>,
        %parallel_loop3A_338 = arith.index_cast %parallel_loop3A_199 : i32 to index
        %parallel_loop3A_339 = arith.constant 80 : index
        %parallel_loop3A_340 = tpu.vector_load %arg13[%parallel_loop3A_338, %parallel_loop3A_339] {strides = array<i32>} : memref<96x128xf32, #tpu.memory_space<vmem>>, vector<16xf32>,
        %parallel_loop3A_341 = arith.index_cast %parallel_loop3A_199 : i32 to index
        %parallel_loop3A_342 = arith.constant 80 : index
        %parallel_loop3A_343 = tpu.vector_load %arg14[%parallel_loop3A_341, %parallel_loop3A_342] {strides = array<i32>} : memref<96x128xf32, #tpu.memory_space<vmem>>, vector<16xf32>,
        %parallel_loop3A_344 = arith.subf %parallel_loop3A_337, %parallel_loop3A_334 : vector<16xf32>
        %parallel_loop3A_345 = arith.mulf %parallel_loop3A_207, %parallel_loop3A_344 : vector<16xf32>
        %parallel_loop3A_346 = arith.addf %parallel_loop3A_334, %parallel_loop3A_345 : vector<16xf32>
        %parallel_loop3A_347 = arith.subf %parallel_loop3A_343, %parallel_loop3A_340 : vector<16xf32>
        %parallel_loop3A_348 = arith.mulf %parallel_loop3A_207, %parallel_loop3A_347 : vector<16xf32>
        %parallel_loop3A_349 = arith.addf %parallel_loop3A_340, %parallel_loop3A_348 : vector<16xf32>
        %parallel_loop3A_350 = arith.subf %parallel_loop3A_349, %parallel_loop3A_346 : vector<16xf32>
        %parallel_loop3A_351 = arith.mulf %parallel_loop3A_211, %parallel_loop3A_350 : vector<16xf32>
        %parallel_loop3A_352 = arith.addf %parallel_loop3A_346, %parallel_loop3A_351 : vector<16xf32>
        %parallel_loop3A_353 = arith.index_cast %parallel_loop3A_199 : i32 to index
        %parallel_loop3A_354 = arith.constant 80 : index
        %parallel_loop3A_355 = tpu.vector_load %arg16[%parallel_loop3A_353, %parallel_loop3A_354] {strides = array<i32>} : memref<96x96xf32, #tpu.memory_space<vmem>>, vector<16xf32>,
        tpu.vector_store %arg16[%parallel_loop3A_353, %parallel_loop3A_354], %parallel_loop3A_352 {strides = array<i32>} : memref<96x96xf32, #tpu.memory_space<vmem>>, vector<16xf32>,
      } {sc.loop_unroll_factor = 4 : i64, sc.parallel_access}
      %mul3A_183 = arith.constant 2 : i32
      %mul3A_184 = arith.muli %mul3A_183, %scan3A_62 : i32
      %add3A_185 = arith.constant 1 : i32
      %add3A_186 = arith.addi %mul3A_184, %add3A_185 : i32
      %mul3A_187 = arith.constant 96 : i32
      %mul3A_188 = arith.muli %add3A_186, %mul3A_187 : i32
      %add3A_189 = arith.addi %mul3A_2, %mul3A_188 : i32
      %dma_start3A_190 = arith.constant 0 : i32
      %dma_start3A_191 = tpu.memref_slice %arg4[%add3A_189, %dma_start3A_190] : memref<589824x128xf32, #tpu.memory_space<hbm>> -> memref<96x96xf32, #tpu.memory_space<hbm>>
      %dma_start3A_192 = arith.constant 0 : i32
      %dma_start3A_193 = tpu.memref_slice %arg4[%add3A_189, %dma_start3A_192] : memref<589824x128xf32, #tpu.memory_space<hbm>> -> memref<96x96xf32, #tpu.memory_space<hbm>>
      tpu.enqueue_dma source(%arg16 : memref<96x96xf32, #tpu.memory_space<vmem>>) target(%dma_start3A_193 : memref<96x96xf32, #tpu.memory_space<hbm>>) target_semaphore(%arg22 : memref<!tpu.dma_semaphore, #tpu.memory_space<semaphore_mem>>)
      %lt3A_194 = arith.constant 95 : i32
      %lt3A_195 = arith.cmpi slt, %scan3A_62, %lt3A_194 : i32
      %convert_element_type3A_196 = arith.extui %lt3A_195 : i1 to i32
      %cond3A_197 = arith.constant 0 : i32
      %cond3A_198 = arith.cmpi ne, %convert_element_type3A_196, %cond3A_197 : i32
      scf.if %cond3A_198 {
        %mul3A_199 = arith.constant 2 : i32
        %mul3A_200 = arith.muli %mul3A_199, %scan3A_62 : i32
        %add3A_201 = arith.constant 3 : i32
        %add3A_202 = arith.addi %mul3A_200, %add3A_201 : i32
        %mul3A_203 = arith.constant 96 : i32
        %mul3A_204 = arith.muli %add3A_202, %mul3A_203 : i32
        %add3A_205 = arith.addi %mul3A_2, %mul3A_204 : i32
        %dma_start3A_206 = arith.constant 0 : i32
        %dma_start3A_207 = tpu.memref_slice %arg3[%dma_start3A_206, %add3A_205] : memref<6x589824xi32, #tpu.memory_space<hbm>> -> memref<6x96xi32, #tpu.memory_space<hbm>>
        %dma_start3A_208 = arith.constant 0 : i32
        %dma_start3A_209 = tpu.memref_slice %arg3[%dma_start3A_208, %add3A_205] : memref<6x589824xi32, #tpu.memory_space<hbm>> -> memref<6x96xi32, #tpu.memory_space<hbm>>
        tpu.enqueue_dma source(%dma_start3A_209 : memref<6x96xi32, #tpu.memory_space<hbm>>) target(%arg6 : memref<6x96xi32, #tpu.memory_space<vmem>>) target_semaphore(%arg18 : memref<!tpu.dma_semaphore, #tpu.memory_space<semaphore_mem>>)
      } else {
      }
    }
    %scan3A_49 = arith.constant 96 : i32
    %add3A_50 = arith.constant 0 : i32
    %add3A_51 = arith.addi %mul3A_2, %add3A_50 : i32
    %dma_wait3A_52 = arith.constant 0 : i32
    %dma_wait3A_53 = tpu.memref_slice %arg4[%add3A_51, %dma_wait3A_52] : memref<589824x128xf32, #tpu.memory_space<hbm>> -> memref<96x96xf32, #tpu.memory_space<hbm>>
    %dma_wait3A_54 = arith.constant 0 : i32
    %dma_wait3A_55 = tpu.memref_slice %arg4[%add3A_51, %dma_wait3A_54] : memref<589824x128xf32, #tpu.memory_space<hbm>> -> memref<96x96xf32, #tpu.memory_space<hbm>>
    tpu.wait_dma2 semaphore(%arg21 : memref<!tpu.dma_semaphore, #tpu.memory_space<semaphore_mem>>) src(%dma_wait3A_55 : memref<96x96xf32, #tpu.memory_space<hbm>>) dst(%arg15 : memref<96x96xf32, #tpu.memory_space<vmem>>)
    %add3A_56 = arith.constant 0 : i32
    %add3A_57 = arith.addi %mul3A_2, %add3A_56 : i32
    %dma_wait3A_58 = arith.constant 0 : i32
    %dma_wait3A_59 = tpu.memref_slice %arg4[%add3A_57, %dma_wait3A_58] : memref<589824x128xf32, #tpu.memory_space<hbm>> -> memref<96x96xf32, #tpu.memory_space<hbm>>
    %dma_wait3A_60 = arith.constant 0 : i32
    %dma_wait3A_61 = tpu.memref_slice %arg4[%add3A_57, %dma_wait3A_60] : memref<589824x128xf32, #tpu.memory_space<hbm>> -> memref<96x96xf32, #tpu.memory_space<hbm>>
    tpu.wait_dma2 semaphore(%arg22 : memref<!tpu.dma_semaphore, #tpu.memory_space<semaphore_mem>>) src(%dma_wait3A_61 : memref<96x96xf32, #tpu.memory_space<hbm>>) dst(%arg16 : memref<96x96xf32, #tpu.memory_space<vmem>>)
    return
  }
}

module attributes {stable_mosaic.version = 14 : i64} {
  func.func @_prep_body(%arg0: i32, %arg1: memref<256x384xf32, #tpu.memory_space<vmem>>, %arg2: memref<256x384xf32, #tpu.memory_space<vmem>>, %arg3: memref<6x256x384xi32, #tpu.memory_space<vmem>>) attributes {dimension_semantics = [#tpu.dimension_semantics<arbitrary>], iteration_bounds = array<i64: 6>, scalar_prefetch = 0 : i64, scratch_operands = 0 : i64, tpu.core_type = #tpu.core_type<tc>, window_params = [{transform_indices = @transform_0, window_bounds = array<i64: 256, 384>}, {transform_indices = @transform_1, window_bounds = array<i64: 256, 384>}, {transform_indices = @transform_2, window_bounds = array<i64: 6, 256, 384>}]} {
    %iota3A = tpu.iota {dimensions = array<i32: 0>} : vector<256x384xi32>
    %mul3A = arith.constant 256 : i32
    %mul3A_0 = arith.muli %arg0, %mul3A : i32
    %add3A = vector.broadcast %mul3A_0 : i32 to vector<256x384xi32>
    %add3A_1 = arith.addi %iota3A, %add3A : vector<256x384xi32>
    %iota3A_2 = tpu.iota {dimensions = array<i32: 1>} : vector<256x384xi32>
    %jit3A = arith.constant 384 : i32
    %eq3A = arith.constant 0 : i32
    %eq3A_3 = arith.cmpi eq, %jit3A, %eq3A : i32
    %jit3A_4 = arith.constant 1 : i32
    %select_n3A = arith.select %eq3A_3, %jit3A_4, %jit3A : i32
    %rem3A = vector.broadcast %select_n3A : i32 to vector<256x384xi32>
    %rem3A_5 = arith.remsi %add3A_1, %rem3A : vector<256x384xi32>
    %ne3A = arith.constant 0 : i32
    %ne3A_6 = vector.broadcast %ne3A : i32 to vector<256x384xi32>
    %ne3A_7 = arith.cmpi ne, %rem3A_5, %ne3A_6 : vector<256x384xi32>
    %lt3A = arith.constant 0 : i32
    %lt3A_8 = vector.broadcast %lt3A : i32 to vector<256x384xi32>
    %lt3A_9 = arith.cmpi slt, %rem3A_5, %lt3A_8 : vector<256x384xi32>
    %lt3A_10 = arith.constant 0 : i32
    %lt3A_11 = arith.cmpi slt, %select_n3A, %lt3A_10 : i32
    %ne3A_12 = vector.broadcast %lt3A_11 : i1 to vector<256x384xi1>
    %ne3A_13 = vector.broadcast %ne3A_12 : vector<256x384xi1> to vector<256x384xi1>
    %ne3A_14 = arith.xori %lt3A_9, %ne3A_13 : vector<256x384xi1>
    %and3A = arith.andi %ne3A_14, %ne3A_7 : vector<256x384xi1>
    %add3A_15 = vector.broadcast %select_n3A : i32 to vector<256x384xi32>
    %add3A_16 = arith.addi %rem3A_5, %add3A_15 : vector<256x384xi32>
    %select_n3A_17 = arith.select %and3A, %add3A_16, %rem3A_5 : vector<256x384xi1>, vector<256x384xi32>
    %jit3A_18 = arith.constant 384 : i32
    %div3A = vector.broadcast %jit3A_18 : i32 to vector<256x384xi32>
    %div3A_19 = arith.divsi %add3A_1, %div3A : vector<256x384xi32>
    %sign3A = arith.constant 0 : i32
    %sign3A_20 = vector.broadcast %sign3A : i32 to vector<256x384xi32>
    %sign3A_21 = arith.cmpi sgt, %add3A_1, %sign3A_20 : vector<256x384xi32>
    %sign3A_22 = arith.extui %sign3A_21 : vector<256x384xi1> to vector<256x384xi32>
    %sign3A_23 = arith.constant 0 : i32
    %sign3A_24 = vector.broadcast %sign3A_23 : i32 to vector<256x384xi32>
    %sign3A_25 = arith.cmpi slt, %add3A_1, %sign3A_24 : vector<256x384xi32>
    %sign3A_26 = arith.extui %sign3A_25 : vector<256x384xi1> to vector<256x384xi32>
    %sign3A_27 = arith.subi %sign3A_22, %sign3A_26 : vector<256x384xi32>
    %sign3A_28 = arith.constant 0 : i32
    %sign3A_29 = arith.cmpi sgt, %jit3A_18, %sign3A_28 : i32
    %sign3A_30 = arith.extui %sign3A_29 : i1 to i32
    %sign3A_31 = arith.constant 0 : i32
    %sign3A_32 = arith.cmpi slt, %jit3A_18, %sign3A_31 : i32
    %sign3A_33 = arith.extui %sign3A_32 : i1 to i32
    %sign3A_34 = arith.subi %sign3A_30, %sign3A_33 : i32
    %ne3A_35 = vector.broadcast %sign3A_34 : i32 to vector<256x384xi32>
    %ne3A_36 = arith.cmpi ne, %sign3A_27, %ne3A_35 : vector<256x384xi32>
    %rem3A_37 = vector.broadcast %jit3A_18 : i32 to vector<256x384xi32>
    %rem3A_38 = arith.remsi %add3A_1, %rem3A_37 : vector<256x384xi32>
    %ne3A_39 = arith.constant 0 : i32
    %ne3A_40 = vector.broadcast %ne3A_39 : i32 to vector<256x384xi32>
    %ne3A_41 = arith.cmpi ne, %rem3A_38, %ne3A_40 : vector<256x384xi32>
    %and3A_42 = arith.andi %ne3A_36, %ne3A_41 : vector<256x384xi1>
    %sub3A = arith.constant 1 : i32
    %sub3A_43 = vector.broadcast %sub3A : i32 to vector<256x384xi32>
    %sub3A_44 = arith.subi %div3A_19, %sub3A_43 : vector<256x384xi32>
    %select_n3A_45 = arith.select %and3A_42, %sub3A_44, %div3A_19 : vector<256x384xi1>, vector<256x384xi32>
    %convert_element_type3A = arith.sitofp %select_n3A_17 : vector<256x384xi32> to vector<256x384xf32>
    %get3A = arith.constant 0 : index
    %get3A_46 = arith.constant 0 : index
    %get3A_47 = vector.load %arg1[%get3A, %get3A_46] : memref<256x384xf32, #tpu.memory_space<vmem>>, vector<256x384xf32>
    %sub3A_48 = arith.subf %convert_element_type3A, %get3A_47 : vector<256x384xf32>
    %convert_element_type3A_49 = arith.sitofp %iota3A_2 : vector<256x384xi32> to vector<256x384xf32>
    %get3A_50 = arith.constant 0 : index
    %get3A_51 = arith.constant 0 : index
    %get3A_52 = vector.load %arg2[%get3A_50, %get3A_51] : memref<256x384xf32, #tpu.memory_space<vmem>>, vector<256x384xf32>
    %sub3A_53 = arith.subf %convert_element_type3A_49, %get3A_52 : vector<256x384xf32>
    %floor3A = math.floor %sub3A_48 : vector<256x384xf32>
    %jit3A_54 = arith.constant 0.000000e+00 : f32
    %jit3A_55 = arith.constant 382 : i32
    %max3A = vector.broadcast %jit3A_54 : f32 to vector<256x384xf32>
    %max3A_56 = arith.maximumf %max3A, %floor3A : vector<256x384xf32>
    %convert_element_type3A_57 = arith.sitofp %jit3A_55 : i32 to f32
    %min3A = vector.broadcast %convert_element_type3A_57 : f32 to vector<256x384xf32>
    %min3A_58 = arith.minimumf %min3A, %max3A_56 : vector<256x384xf32>
    %floor3A_59 = math.floor %sub3A_53 : vector<256x384xf32>
    %jit3A_60 = arith.constant 0.000000e+00 : f32
    %jit3A_61 = arith.constant 382 : i32
    %max3A_62 = vector.broadcast %jit3A_60 : f32 to vector<256x384xf32>
    %max3A_63 = arith.maximumf %max3A_62, %floor3A_59 : vector<256x384xf32>
    %convert_element_type3A_64 = arith.sitofp %jit3A_61 : i32 to f32
    %min3A_65 = vector.broadcast %convert_element_type3A_64 : f32 to vector<256x384xf32>
    %min3A_66 = arith.minimumf %min3A_65, %max3A_63 : vector<256x384xf32>
    %sub3A_67 = arith.subf %sub3A_48, %min3A_58 : vector<256x384xf32>
    %jit3A_68 = arith.constant 0.000000e+00 : f32
    %jit3A_69 = arith.constant 1.000000e+00 : f32
    %max3A_70 = vector.broadcast %jit3A_68 : f32 to vector<256x384xf32>
    %max3A_71 = arith.maximumf %max3A_70, %sub3A_67 : vector<256x384xf32>
    %min3A_72 = vector.broadcast %jit3A_69 : f32 to vector<256x384xf32>
    %min3A_73 = arith.minimumf %min3A_72, %max3A_71 : vector<256x384xf32>
    %sub3A_74 = arith.subf %sub3A_53, %min3A_66 : vector<256x384xf32>
    %jit3A_75 = arith.constant 0.000000e+00 : f32
    %jit3A_76 = arith.constant 1.000000e+00 : f32
    %max3A_77 = vector.broadcast %jit3A_75 : f32 to vector<256x384xf32>
    %max3A_78 = arith.maximumf %max3A_77, %sub3A_74 : vector<256x384xf32>
    %min3A_79 = vector.broadcast %jit3A_76 : f32 to vector<256x384xf32>
    %min3A_80 = arith.minimumf %min3A_79, %max3A_78 : vector<256x384xf32>
    %mul3A_81 = arith.constant 147456 : i32
    %mul3A_82 = vector.broadcast %mul3A_81 : i32 to vector<256x384xi32>
    %mul3A_83 = arith.muli %select_n3A_45, %mul3A_82 : vector<256x384xi32>
    %convert_element_type3A_84 = arith.fptosi %min3A_58 : vector<256x384xf32> to vector<256x384xi32>
    %mul3A_85 = arith.constant 384 : i32
    %mul3A_86 = vector.broadcast %mul3A_85 : i32 to vector<256x384xi32>
    %mul3A_87 = arith.muli %convert_element_type3A_84, %mul3A_86 : vector<256x384xi32>
    %add3A_88 = arith.addi %mul3A_83, %mul3A_87 : vector<256x384xi32>
    %convert_element_type3A_89 = arith.fptosi %min3A_66 : vector<256x384xf32> to vector<256x384xi32>
    %add3A_90 = arith.addi %add3A_88, %convert_element_type3A_89 : vector<256x384xi32>
    %swap3A = arith.constant 0 : index
    %swap3A_91 = arith.constant 0 : index
    %swap3A_92 = arith.constant 0 : index
    %swap3A_93 = vector.load %arg3[%swap3A, %swap3A_91, %swap3A_92] : memref<6x256x384xi32, #tpu.memory_space<vmem>>, vector<1x256x384xi32>
    %swap3A_94 = vector.shape_cast %swap3A_93 : vector<1x256x384xi32> to vector<256x384xi32>
    %swap3A_95 = vector.shape_cast %add3A_90 : vector<256x384xi32> to vector<1x256x384xi32>
    tpu.vector_store %arg3[%swap3A, %swap3A_91, %swap3A_92], %swap3A_95 {strides = array<i32>} : memref<6x256x384xi32, #tpu.memory_space<vmem>>, vector<1x256x384xi32>,
    %add3A_96 = arith.constant 1 : i32
    %add3A_97 = vector.broadcast %add3A_96 : i32 to vector<256x384xi32>
    %add3A_98 = arith.addi %add3A_90, %add3A_97 : vector<256x384xi32>
    %swap3A_99 = arith.constant 1 : index
    %swap3A_100 = arith.constant 0 : index
    %swap3A_101 = arith.constant 0 : index
    %swap3A_102 = vector.load %arg3[%swap3A_99, %swap3A_100, %swap3A_101] : memref<6x256x384xi32, #tpu.memory_space<vmem>>, vector<1x256x384xi32>
    %swap3A_103 = vector.shape_cast %swap3A_102 : vector<1x256x384xi32> to vector<256x384xi32>
    %swap3A_104 = vector.shape_cast %add3A_98 : vector<256x384xi32> to vector<1x256x384xi32>
    tpu.vector_store %arg3[%swap3A_99, %swap3A_100, %swap3A_101], %swap3A_104 {strides = array<i32>} : memref<6x256x384xi32, #tpu.memory_space<vmem>>, vector<1x256x384xi32>,
    %add3A_105 = arith.constant 384 : i32
    %add3A_106 = vector.broadcast %add3A_105 : i32 to vector<256x384xi32>
    %add3A_107 = arith.addi %add3A_90, %add3A_106 : vector<256x384xi32>
    %swap3A_108 = arith.constant 2 : index
    %swap3A_109 = arith.constant 0 : index
    %swap3A_110 = arith.constant 0 : index
    %swap3A_111 = vector.load %arg3[%swap3A_108, %swap3A_109, %swap3A_110] : memref<6x256x384xi32, #tpu.memory_space<vmem>>, vector<1x256x384xi32>
    %swap3A_112 = vector.shape_cast %swap3A_111 : vector<1x256x384xi32> to vector<256x384xi32>
    %swap3A_113 = vector.shape_cast %add3A_107 : vector<256x384xi32> to vector<1x256x384xi32>
    tpu.vector_store %arg3[%swap3A_108, %swap3A_109, %swap3A_110], %swap3A_113 {strides = array<i32>} : memref<6x256x384xi32, #tpu.memory_space<vmem>>, vector<1x256x384xi32>,
    %add3A_114 = arith.constant 384 : i32
    %add3A_115 = vector.broadcast %add3A_114 : i32 to vector<256x384xi32>
    %add3A_116 = arith.addi %add3A_90, %add3A_115 : vector<256x384xi32>
    %add3A_117 = arith.constant 1 : i32
    %add3A_118 = vector.broadcast %add3A_117 : i32 to vector<256x384xi32>
    %add3A_119 = arith.addi %add3A_116, %add3A_118 : vector<256x384xi32>
    %swap3A_120 = arith.constant 3 : index
    %swap3A_121 = arith.constant 0 : index
    %swap3A_122 = arith.constant 0 : index
    %swap3A_123 = vector.load %arg3[%swap3A_120, %swap3A_121, %swap3A_122] : memref<6x256x384xi32, #tpu.memory_space<vmem>>, vector<1x256x384xi32>
    %swap3A_124 = vector.shape_cast %swap3A_123 : vector<1x256x384xi32> to vector<256x384xi32>
    %swap3A_125 = vector.shape_cast %add3A_119 : vector<256x384xi32> to vector<1x256x384xi32>
    tpu.vector_store %arg3[%swap3A_120, %swap3A_121, %swap3A_122], %swap3A_125 {strides = array<i32>} : memref<6x256x384xi32, #tpu.memory_space<vmem>>, vector<1x256x384xi32>,
    %bitcast_convert_type3A = tpu.bitcast %min3A_80 : vector<256x384xf32> -> vector<256x384xi32>
    %swap3A_126 = arith.constant 4 : index
    %swap3A_127 = arith.constant 0 : index
    %swap3A_128 = arith.constant 0 : index
    %swap3A_129 = vector.load %arg3[%swap3A_126, %swap3A_127, %swap3A_128] : memref<6x256x384xi32, #tpu.memory_space<vmem>>, vector<1x256x384xi32>
    %swap3A_130 = vector.shape_cast %swap3A_129 : vector<1x256x384xi32> to vector<256x384xi32>
    %swap3A_131 = vector.shape_cast %bitcast_convert_type3A : vector<256x384xi32> to vector<1x256x384xi32>
    tpu.vector_store %arg3[%swap3A_126, %swap3A_127, %swap3A_128], %swap3A_131 {strides = array<i32>} : memref<6x256x384xi32, #tpu.memory_space<vmem>>, vector<1x256x384xi32>,
    %bitcast_convert_type3A_132 = tpu.bitcast %min3A_73 : vector<256x384xf32> -> vector<256x384xi32>
    %swap3A_133 = arith.constant 5 : index
    %swap3A_134 = arith.constant 0 : index
    %swap3A_135 = arith.constant 0 : index
    %swap3A_136 = vector.load %arg3[%swap3A_133, %swap3A_134, %swap3A_135] : memref<6x256x384xi32, #tpu.memory_space<vmem>>, vector<1x256x384xi32>
    %swap3A_137 = vector.shape_cast %swap3A_136 : vector<1x256x384xi32> to vector<256x384xi32>
    %swap3A_138 = vector.shape_cast %bitcast_convert_type3A_132 : vector<256x384xi32> to vector<1x256x384xi32>
    tpu.vector_store %arg3[%swap3A_133, %swap3A_134, %swap3A_135], %swap3A_138 {strides = array<i32>} : memref<6x256x384xi32, #tpu.memory_space<vmem>>, vector<1x256x384xi32>,
    return
  }
  func.func @transform_0(%arg0: i32) -> (i32, i32) {
    %c0_i32 = arith.constant 0 : i32
    %c0_i32_0 = arith.constant 0 : i32
    return %arg0, %c0_i32 : i32, i32
  }
  func.func @transform_1(%arg0: i32) -> (i32, i32) {
    %c0_i32 = arith.constant 0 : i32
    %c0_i32_0 = arith.constant 0 : i32
    return %arg0, %c0_i32 : i32, i32
  }
  func.func @transform_2(%arg0: i32) -> (i32, i32, i32) {
    %c0_i32 = arith.constant 0 : i32
    %c0_i32_0 = arith.constant 0 : i32
    %c0_i32_1 = arith.constant 0 : i32
    return %c0_i32, %arg0, %c0_i32_0 : i32, i32, i32
  }
}

</mosaic_0001>

<sc_bundles>
// kernel: kernel.4.cloned.1.call-start
scs
__scs_entry_jumppad:
0x0: {  	(pc) =	sbr.rel $0x88, $3  }
0x1: {  	(tag) =	ssettag $0x0;
	lr =	simm.s32 $0x1  }
0x2: {  	[smem:$0x3F9F] =	sst lr;
	_ =	strace $0xD0000000  }
0x3: {  	_ = 	snop  }
0x4: {  	_ = 	snop  }
0x5: {  	_ = 	snop  }
0x6: {  	_ = 	snop  }
0x7: {  	_ = 	snop  }
__scs_overlays_trampoline_lowered:
0x8: {  	[smem:$0x3FAE] =	sst s0  }
0x9: {  	[smem:$0x3FAF] =	sst s1  }
0xa: {  	[smem:$0x3FB0] =	sst s2  }
0xb: {  	[smem:$0x3FB1] =	sst s3  }
0xc: {  	[smem:$0x3FB2] =	sst s4  }
0xd: {  	[smem:$0x3FB3] =	sst s5  }
0xe: {  	[smem:$0x3FB4] =	sst s6  }
0xf: {  	[smem:$0x3FB5] =	sst s7  }
0x10: {  	[smem:$0x3FB6] =	sst s8  }
0x11: {  	[smem:$0x3FB7] =	sst s9;
	s0 =	simm.s32 @!p0 $0x0  }
0x12: {  	s1 =	sld [smem:$0x3F9D];
	s0 =	simm.s32 @p0 $0x1  }
0x13: {  	[smem:$0x3FB8] =	sst s0;
	s0 =	simm.s32 @!p1 $0x0  }
0x14: {  	s2 =	sld [smem:$0x3F9C];
	s0 =	simm.s32 @p1 $0x1  }
0x15: {  	[smem:$0x3FB9] =	sst s0;
	s0 =	simm.s32 @!p2 $0x0  }
0x16: {  	s3 =	sld [smem:$0x3FDB];
	s0 =	simm.s32 @p2 $0x1  }
0x17: {  	s4 =	simm.s32 $0x1BF5;
	[smem:$0x3FBB] =	sst s0  }
0x18: {  	s0 =	sld [smem:$0x3F9E];
	_ =	swait.ge [sflag:s4], $0x0  }
0x19: {  	s7 =	sld [smem:$0x3F9F]  }
0x1a: {  	s8 =	sadd.s32 $0xFFFFE003, lr  }
0x1b: {  	s9 =	sadd.s32 $0xFFFFFEF7, lr;
	s5 =	simm.s32 $0xFFFFFFFF;
	p2 =	slt.u32 s8, $0xFFFFF086  }
0x1c: {  	p1 =	slt.u32 s9, $0xF7A;
	s5 =	simm.s32 @!p2 $0x0  }
0x1d: {  	s5 =	simm.s32 @p1 $0x1;
	p0 =	seq.s32 s7, s2  }
0x1e: {  	s7 =	smul.u32 @!p0 $0xF7A, s2;
	p2 =	seq.s32 @!p0 s5, $0x0  }
0x1f: {  	s9 =	smul.u32 $0xF7A, s1;
	s8 =	simm.s32 @!p0 $0x1BF5;
	p2 =	por !p2, p0  }
0x20: {  	[sflag:s8] =	ssyncset.s32 @!p0 $0xFFFFF086;
	s6 =	sadd.s32 @!p0 s3, s7;
	s7 =	simm.s32 @!p0 $0x108  }
0x21: {  	s3 =	sadd.s32 s3, s9;
	s6 =	sadd.s32 @!p0 $0x88, s6;
	s7 =	simm.s32 @p2 $0x1082  }
0x22: {  	[simem:s7], [sflag:s8] =	dma.local @!p0 [hbm:s6], $0xF7A  }
0x23: {  	s9 =	sor.u32 $0xD0000000, s2;
	s6 =	simm.s32 $0x108;
	_ =	swait.ge @!p0 [sflag:s8], $0x0  }
0x24: {  	s3 =	sadd.s32 $0x88, s3;
	s6 =	simm.s32 @!p1 $0x1082;
	[sflag:s4] =	ssyncset.s32 $0xFFFFF086  }
0x25: {  	[simem:s6], [sflag:s4] =	dma.local [hbm:s3], $0xF7A  }
0x26: {  	[smem:$0x3F9F] =	sst s1;
	(tag) =	ssettag s2;
	_ =	strace s9  }
0x27: {  	s1 =	sld [smem:$0x3FAF]  }
0x28: {  	s2 =	sld [smem:$0x3FB0]  }
0x29: {  	s4 =	sld [smem:$0x3FB2]  }
0x2a: {  	p0 =	seq.s32 s5, $0x0;
	s5 =	sld [smem:$0x3FB3]  }
0x2b: {  	s6 =	sld [smem:$0x3FB4]  }
0x2c: {  	s7 =	sld [smem:$0x3FB5]  }
0x2d: {  	s3 =	simm.s32 $0x108;
	s8 =	sld [smem:$0x3FB6]  }
0x2e: {  	s3 =	simm.s32 @!p0 $0x1082;
	s9 =	sld [smem:$0x3FB7]  }
0x2f: {  	lr =	sadd.s32 s0, s3;
	s0 =	sld [smem:$0x3FAE]  }
0x30: {  	s3 =	sld [smem:$0x3FB1]  }
0x31: {  	[smem:$0x3FBA] =	sst s10  }
0x32: {  	s10 =	sld [smem:$0x3FB8];
	_ =	sdelay $0x3  }
0x33: {  	p0 =	seq.s32 s10, $0x1;
	s10 =	sld [smem:$0x3FBA];
	_ =	sdelay $0x3  }
0x34: {  	[smem:$0x3FBA] =	sst s10  }
0x35: {  	s10 =	sld [smem:$0x3FB9];
	_ =	sdelay $0x3  }
0x36: {  	p1 =	seq.s32 s10, $0x1;
	s10 =	sld [smem:$0x3FBA];
	_ =	sdelay $0x3  }
0x37: {  	[smem:$0x3FBA] =	sst s10  }
0x38: {  	s10 =	sld [smem:$0x3FBB]  }
0x39: {  	_ = 	snop;
	(pc) =	sbr.ind lr, $3  }
0x3a: {  	_ = 	snop  }
0x3b: {  	_ = 	snop  }
0x3c: {  	p2 =	seq.s32 s10, $0x1;
	s10 =	sld [smem:$0x3FBA]  }
0x3d: {  	_ =	shalt  }
0x3e: {  	_ =	shalt  }
0x3f: {  	_ =	shalt  }
0x40: {  	_ =	shalt  }
0x41: {  	_ =	shalt  }
0x42: {  	_ =	shalt  }
0x43: {  	_ =	shalt  }
0x44: {  	_ =	shalt  }
0x45: {  	_ =	shalt  }
0x46: {  	_ =	shalt  }
0x47: {  	_ =	shalt  }
0x48: {  	_ =	shalt  }
0x49: {  	_ =	shalt  }
0x4a: {  	_ =	shalt  }
0x4b: {  	_ =	shalt  }
0x4c: {  	_ =	shalt  }
0x4d: {  	_ =	shalt  }
0x4e: {  	_ =	shalt  }
0x4f: {  	_ =	shalt  }
0x50: {  	_ =	shalt  }
0x51: {  	_ =	shalt  }
0x52: {  	_ =	shalt  }
0x53: {  	_ =	shalt  }
0x54: {  	_ =	shalt  }
0x55: {  	_ =	shalt  }
0x56: {  	_ =	shalt  }
0x57: {  	_ =	shalt  }
0x58: {  	_ =	shalt  }
0x59: {  	_ =	shalt  }
0x5a: {  	_ =	shalt  }
0x5b: {  	_ =	shalt  }
0x5c: {  	_ =	shalt  }
0x5d: {  	_ =	shalt  }
0x5e: {  	_ =	shalt  }
0x5f: {  	_ =	shalt  }
0x60: {  	_ =	shalt  }
0x61: {  	_ =	shalt  }
0x62: {  	_ =	shalt  }
0x63: {  	_ =	shalt  }
0x64: {  	_ =	shalt  }
0x65: {  	_ =	shalt  }
0x66: {  	_ =	shalt  }
0x67: {  	_ =	shalt  }
0x68: {  	_ =	shalt  }
0x69: {  	_ =	shalt  }
0x6a: {  	_ =	shalt  }
0x6b: {  	_ =	shalt  }
0x6c: {  	_ =	shalt  }
0x6d: {  	_ =	shalt  }
0x6e: {  	_ =	shalt  }
0x6f: {  	_ =	shalt  }
0x70: {  	_ =	shalt  }
0x71: {  	_ =	shalt  }
0x72: {  	_ =	shalt  }
0x73: {  	_ =	shalt  }
0x74: {  	_ =	shalt  }
0x75: {  	_ =	shalt  }
0x76: {  	_ =	shalt  }
0x77: {  	_ =	shalt  }
0x78: {  	_ =	shalt  }
0x79: {  	_ =	shalt  }
0x7a: {  	_ =	shalt  }
0x7b: {  	_ =	shalt  }
0x7c: {  	_ =	shalt  }
0x7d: {  	_ =	shalt  }
0x7e: {  	_ =	shalt  }
0x7f: {  	_ =	shalt  }
0x80: {  	_ =	shalt  }
0x81: {  	_ =	shalt  }
0x82: {  	_ =	shalt  }
0x83: {  	_ =	shalt  }
0x84: {  	_ =	shalt  }
0x85: {  	_ =	shalt  }
0x86: {  	_ =	shalt  }
0x87: {  	_ =	shalt  }
.Lfunc_end0:
.L_simem_size_0:
called_computation.2_lowered:
.L_overlay_start_0:
0x88: {  	s2 =	sld [smem:$0x3FD9]  }
0x89: {  	s3 =	sld [smem:$0x3FFE];
	_ =	sdelay $0x1  }
0x8a: {  	s1 =	srdreg.scid  }
0x8b: {  	s0 =	sand.u32 $0x1, s1  }
0x8c: {  	s17 =	sshll.u32 s0, $0xA;
	s2 =	sadd.s32 s3, s2  }
0x8d: {  	s2 =	sadd.s32 s2, s17  }
0x8e: {  	[smem:$0x3FC6] =	sst s2  }
0x8f: {  	_ = 	snop  }
0x90: {  	s2 =	sld [smem:$0x3FD0];
	(tm) =	ssettm $0x1  }
0x91: {  	s18 =	sld [smem:$0x3FFB];
	_ =	sdelay $0x3  }
0x92: {  	_ =	strace s18  }
0x93: {  	s3 =	sld [smem:$0x3FFC];
	_ =	sdelay $0x3  }
0x94: {  	_ =	strace s3  }
0x95: {  	s3 =	sld [smem:$0x3FFD];
	_ =	sdelay $0x3  }
0x96: {  	_ =	strace s3  }
0x97: {  	_ =	strace $0x8FFFFFFF  }
0x98: {  	s19 =	sld [smem:$0x3FDB];
	_ =	sdelay $0x1  }
0x99: {  	s4 =	simm.s32 $_scs_section_size  }
0x9a: {  	s5 =	simm.s32 $_size__tile_overlayer_lowered;
	s6 =	simm.s32 $_tile_overlayer_lowered  }
0x9b: {  	s22 =	simm.s32 $0x1BFF;
	s21 =	sshll.u32 s6, $0x1;
	s3 =	sadd.s32 s4, s19  }
0x9c: {  	s7 =	simm.s32 $0x0;
	s20 =	sshll.u32 s5, $0x1;
	s5 =	sadd.s32 s21, s3  }
0x9d: {  	[timem:s7], [sflag:s22] =	dma.local [hbm:s5], s20  }
0x9e: {  	_ =	swait.ge [sflag:s22], s20  }
0x9f: {  	s4 =	ssub.s32 $0x0, s20;
	[sflag:s22] =	ssyncset.done $0x0  }
0xa0: {  	[sflag:s22] =	ssyncadd.s32 s4;
	_ =	sdelay $0x1  }
0xa1: {  	s23 =	simm.s32 $0x1B8B  }
0xa2: {  	_ =	swait.ge [sflag:s23], $0x1  }
0xa3: {  	[sflag:s23] =	ssyncset.done $0x0  }
0xa4: {  	s25 =	simm.s32 $0x1B8E;
	s24 =	sld [smem:$0x3FFE];
	[sflag:s23] =	ssyncadd.s32 $0xFFFFFFFF  }
0xa5: {  	s26 =	simm.s32 $execute0_lowered;
	[smem:$0x3FD2] =	sst s25  }
0xa6: {  	s5 =	sshll.u32 s26, $0x1;
	_ =	strace $0x80000049;
	[dreg:$0x1] =	wrdreg $0xFFFFFFFF  }
0xa7: {  	s28 =	simm.s32 $_size_execute0_lowered;
	s3 =	sadd.s32 s3, s5;
	[dreg:$0x0] =	wrdreg $0x0  }
0xa8: {  	s5 =	sshll.u32 s28, $0x1;
	[dreg:$0x2] =	wrdreg s3  }
0xa9: {  	[dreg:$0x3] =	wrdreg s5  }
0xaa: {  	[dreg:$0x4] =	wrdreg $0xC0  }
0xab: {  	_ =	task [dreg:s7], $0x5FFFF  }
0xac: {  	[dreg:$0x1] =	wrdreg $0xFFFFFFFF  }
0xad: {  	[dreg:$0x0] =	wrdreg $0x60  }
0xae: {  	[dreg:$0x2] =	wrdreg s24  }
0xaf: {  	[dreg:$0x3] =	wrdreg s2  }
0xb0: {  	[dreg:$0x4] =	wrdreg $0x9  }
0xb1: {  	_ =	task.clear_ibuf [dreg:s7], $0x5FFFF;
	_ =	strace $0x90000049  }
0xb2: {  	s29 =	simm.s32 $0x9;
	_ =	strace $0x8000004B  }
0xb3: {  	_ =	swait.ge [sflag:s29], $0x1  }
0xb4: {  	[sflag:s29] =	ssyncadd.s32 $0xFFFFFFFF  }
0xb5: {  	_ =	strace $0x9000004B  }
0xb6: {  	_ =	sfence  }
0xb7: {  	s30 =	sld [smem:$0x0];
	_ =	sdelay $0x2  }
0xb8: {  	s31 =	sshll.u32 s1, $0xD;
	s1 =	sshrl.u32 s1, $0x2  }
0xb9: {  	s3 =	sand.u32 $0x4000, s31;
	s1 =	sadd.s32 s1, s30  }
0xba: {  	s0 =	sor.u32 s3, s0;
	s1 =	sshll.u32 s1, $0x11  }
0xbb: {  	s0 =	sor.u32 s1, s0  }
0xbc: {  	s0 =	sadd.s32 $0x8F2B, s0  }
0xbd: {  	[sflag:s0] =	ssyncadd.remote.s32 $0x1  }
0xbe: {  	_ =	sfence.sel $0xFFFF  }
0xbf: {  	[dreg:$0x0] =	wrdreg $0xFFFFFFFF;
	(pc) =	sbr.abs _section_cstart, $3  }
0xc0: {  	[dreg:$0x1] =	wrdreg $0xFFFFFFFF  }
0xc1: {  	_ =	task.clear_ibuf [dreg:s7], $0x2FFFF;
	_ =	strace $0x9FFFFFFF  }
0xc2: {  	(tm) =	ssettm $0x7FFFFFFF  }
0xc3: {  	_ =	shalt  }
tec
execute0_lowered:
.L_overlay_start_1:
0x0: {  	(tag) =	ssettag $0x1  }
0x1: {  	s0 =	srdreg.scid  }
0x2: {  	s2 =	stileid.u32;
	s1 =	rddreg [dreg:$0x0];
	s13 =	simm.s32 $0x60  }
0x3: {  	s14 =	simm.s32 $0x90000;
	s22 =	simm.s32 $0x240;
	s23 =	simm.s32 $0x2  }
0x4: {  	s16 =	simm.s32 $0x18480;
	s17 =	simm.s32 $0x4;
	s18 =	simm.s32 $0x1A880  }
0x5: {  	s12 =	simm.s32 $0x0;
	s0 =	sand.u32 $0x1, s0;
	s3 =	sshll.u32 s2, $0x1  }
0x6: {  	s2 =	rddreg [dreg:$0x1];
	s5 =	sadd.s32 $0x901000, s1;
	s7 =	sadd.s32 $0x1000, s1  }
0x7: {  	s1 =	simm.s32 $0x3;
	s4 =	sor.u32 s0, s3;
	s0 =	ssub.s32 $0x2, s0  }
0x8: {  	s3 =	simm.s32 $0x0;
	s4 =	smul.u32 $0x4800, s4;
	s8 =	sshrl.u32 s0, $0x1  }
.Ltmp0:
0x9: {  	[smem:$0x7FF] =	sst s3;
	s0 =	ssub.s32 s0, s8;
	(pc) =	sbr.rel .LBB2_1-.Ltmp0, $4  }
0xa: {  	_ =	strace $0x8000004A;
	s6 =	sshrl.u32 s4, $0x3;
	s0 =	smax.u32 s0, $0x1  }
0xb: {  	s9 =	sor.u32 $0xC0, s4;
	s6 =	sadd.s32 s2, s6;
	[dreg:$0x5] =	wrdreg s0  }
0xc: {  	s10 =	sor.u32 $0x60, s4;
	[dreg:$0x3] =	wrdreg s6;
	s31 =	sadd.s32 $0xC, s6  }
0xd: {  	s11 =	sor.u32 $0x120, s4;
	s0 =	simm.s32 $0x80;
	[dreg:$0x4] =	wrdreg s31  }
.LBB2_8:
0xe: {  	s6 =	simm.s32 $0x5  }
0xf: {  	_ =	swait.ge [sflag:s6], $0x2400  }
0x10: {  	[sflag:s6] =	ssyncset.done $0x0  }
0x11: {  	s8 =	simm.s32 $0x6;
	[sflag:s6] =	ssyncadd.s32 $0xFFFFDC00  }
0x12: {  	_ =	swait.ge [sflag:s8], $0x2400  }
0x13: {  	s12 =	rddreg [dreg:$0x6]  }
0x14: {  	s31 =	rddreg [dreg:$0x5];
	s12 =	sadd.s32 $0x1, s12  }
0x15: {  	p0 =	sne.s32 s12, s31  }
.Ltmp1:
0x16: {  	_ = 	snop;
	(pc) =	sbr.rel @!p0 .LBB2_9-.Ltmp1, $3  }
0x17: {  	_ =	sdelay $0x1  }
0x18: {  	[sflag:s8] =	ssyncset.done $0x0  }
0x19: {  	[sflag:s8] =	ssyncadd.s32 $0xFFFFDC00  }
.LBB2_1:
0x1a: {  	[dreg:$0x6] =	wrdreg s12  }
0x1b: {  	s6 =	rddreg [dreg:$0x3];
	s24 =	simm.s32 $0x1  }
0x1c: {  	[tilespmem:s3], [sflag:$0x1] =	stream.strided.gather [hbm4b:s6+s13], $0x240, s14, s13, $0x38;
	[tilespmem:$0x1CC80] =	vst v63  }
0x1d: {  	_ =	swait.ge [sflag:s24], $0x240  }
0x1e: {  	[sflag:s24] =	ssyncset.done $0x0  }
0x1f: {  	s25 =	simm.s32 $0x480;
	[sflag:s24] =	ssyncadd.s32 $0xFFFFFDC0  }
0x20: {  	[tilespmem:s25], [sflag:$0x3] =	stream.indirect.gather [hbm4b:s5+s13], $0x80, s3, s13, $0xb8;
	[tilespmem:$0x1CC80] =	vst v63  }
0x21: {  	s26 =	simm.s32 $0x3480  }
0x22: {  	[tilespmem:s26], [sflag:$0x3] =	stream.indirect.gather [hbm4b:s5+s13], $0x80, s13, s13, $0xb8;
	[tilespmem:$0x1CC80] =	vst v63  }
0x23: {  	s28 =	simm.s32 $0xC0;
	s8 =	simm.s32 $0x6480  }
0x24: {  	[tilespmem:s8], [sflag:$0x3] =	stream.indirect.gather [hbm4b:s5+s13], $0x80, s28, s13, $0xb8;
	[tilespmem:$0x1CC80] =	vst v63  }
0x25: {  	s29 =	simm.s32 $0x120;
	s30 =	simm.s32 $0x9480  }
0x26: {  	[tilespmem:s30], [sflag:$0x3] =	stream.indirect.gather [hbm4b:s5+s13], $0x80, s29, s13, $0xb8;
	[tilespmem:$0x1CC80] =	vst v63  }
0x27: {  	s31 =	rddreg [dreg:$0x4];
	s8 =	simm.s32 $0x0  }
0x28: {  	[tilespmem:s22], [sflag:$0x2] =	stream.strided.gather [hbm4b:s31+s13], $0x240, s14, s13, $0x38;
	[tilespmem:$0x1CC80] =	vst v63  }
.LBB2_2:
0x29: {  	_ =	swait.ge [sflag:s23], $0x240  }
0x2a: {  	[sflag:s23] =	ssyncset.done $0x0  }
0x2b: {  	s6 =	simm.s32 $0xC480;
	[sflag:s23] =	ssyncadd.s32 $0xFFFFFDC0  }
0x2c: {  	[tilespmem:s6], [sflag:$0x4] =	stream.indirect.gather [hbm4b:s5+s13], $0x80, s22, s13, $0xb8;
	[tilespmem:$0x1CC80] =	vst v63  }
0x2d: {  	s26 =	simm.s32 $0x2A0;
	s12 =	simm.s32 $0xF480  }
0x2e: {  	[tilespmem:s12], [sflag:$0x4] =	stream.indirect.gather [hbm4b:s5+s13], $0x80, s26, s13, $0xb8;
	[tilespmem:$0x1CC80] =	vst v63  }
0x2f: {  	s30 =	simm.s32 $0x300;
	s31 =	simm.s32 $0x12480  }
0x30: {  	[tilespmem:s31], [sflag:$0x4] =	stream.indirect.gather [hbm4b:s5+s13], $0x80, s30, s13, $0xb8;
	[tilespmem:$0x1CC80] =	vst v63  }
0x31: {  	s15 =	simm.s32 $0x360;
	s19 =	simm.s32 $0x15480  }
0x32: {  	[tilespmem:s19], [sflag:$0x4] =	stream.indirect.gather [hbm4b:s5+s13], $0x80, s15, s13, $0xb8;
	[tilespmem:$0x1CC80] =	vst v63  }
0x33: {  	_ =	swait.ge [sflag:s1], $0x3000  }
0x34: {  	[sflag:s1] =	ssyncset.done $0x0  }
0x35: {  	[sflag:s1] =	ssyncadd.s32 $0xFFFFD000  }
0x36: {  	_ =	swait.ge [sflag:s1], $0x3000  }
0x37: {  	[sflag:s1] =	ssyncset.done $0x0  }
0x38: {  	[sflag:s1] =	ssyncadd.s32 $0xFFFFD000  }
0x39: {  	_ =	swait.ge [sflag:s1], $0x3000  }
0x3a: {  	s20 =	simm.s32 $0x0;
	[sflag:s1] =	ssyncset.done $0x0  }
0x3b: {  	s21 =	simm.s32 $0x1;
	v0 =	vmov s20;
	[sflag:s1] =	ssyncadd.s32 $0xFFFFD000  }
0x3c: {  	v1 =	vand.u32 $0x7C, v0;
	v0 =	vmov s21;
	_ =	swait.ge [sflag:s1], $0x3000  }
0x3d: {  	p0 =	seq.s32 s8, $0x0;
	v2 =	vor.u32 $0x180, v1;
	v5 =	vand.u32 $0x7D, v0;
	[sflag:s1] =	ssyncset.done $0x0  }
0x3e: {  	s6 =	simm.s32 @!p0 $0x5;
	v3 =	vor.u32 $0x180, v5;
	[sflag:s1] =	ssyncadd.s32 $0xFFFFD000  }
0x3f: {  	_ =	swait.ge @!p0 [sflag:s6], $0x2400  }
0x40: {  	[sflag:s6] =	ssyncset.done @!p0 $0x0  }
0x41: {  	[sflag:s6] =	ssyncadd.s32 @!p0 $0xFFFFDC00  }
0x42: {  	s24 =	simm.s32 $0x3;
	v0 =	vld.idx.msk [tilespmem:v2+s3+$0x0], $0xffff  }
0x43: {  	v4 =	vmov s24;
	s15 =	simm.s32 $0x580;
	v3 =	vld.idx.msk [tilespmem:v3+s3+$0x0], $0xffff  }
0x44: {  	s19 =	simm.s32 $0x3580;
	v2 =	vand.u32 $0x7F, v4;
	v6 =	vld [tilespmem:s15+$0x80]  }
0x45: {  	s6 =	simm.s32 $0x6580;
	v7 =	vld [tilespmem:s19+$0x80];
	v4 =	vor.u32 $0x180, v2  }
0x46: {  	s12 =	simm.s32 $0x9580;
	v8 =	vld [tilespmem:s6+$0x80]  }
0x47: {  	v9 =	vld [tilespmem:s12+$0x80]  }
0x48: {  	v10 =	vld [tilespmem:s15+$0xFFFFFF00]  }
0x49: {  	v11 =	vld [tilespmem:s19+$0xFFFFFF00]  }
0x4a: {  	v2 =	vadd.s32 $0x1E0, v2;
	v17 =	vld.idx.msk [tilespmem:v4+s3+$0x0], $0xffff  }
0x4b: {  	v12 =	vld [tilespmem:s6+$0xFFFFFF00]  }
0x4c: {  	v13 =	vld [tilespmem:s12+$0xFFFFFF00]  }
0x4d: {  	v14 =	vld [tilespmem:s15+$0xFFFFFF80];
	v7 =	vsub.f32 v7, v6;
	v9 =	vsub.f32 v9, v8  }
0x4e: {  	v16 =	vld [tilespmem:s6+$0xFFFFFF80]  }
0x4f: {  	s20 =	simm.s32 $0x2;
	v4 =	vld.idx.msk [tilespmem:v2+s3+$0x0], $0xffff;
	v2 =	vmul.f32 v17, v7;
	v7 =	vmul.f32 v17, v9  }
0x50: {  	v15 =	vmov s20;
	v1 =	vadd.s32 $0x1E0, v1;
	v9 =	vld [tilespmem:s19+$0xFFFFFF80]  }
0x51: {  	v15 =	vand.u32 $0x7E, v15;
	v2 =	vadd.f32 v2, v6;
	v6 =	vadd.f32 v7, v8;
	v7 =	vld [tilespmem:s12+$0xFFFFFF80]  }
0x52: {  	v18 =	vld [tilespmem:s15+$0x0];
	v8 =	vor.u32 $0x180, v15  }
0x53: {  	v5 =	vadd.s32 $0x1E0, v5;
	v19 =	vld [tilespmem:s19+$0x0];
	v6 =	vsub.f32 v6, v2  }
0x54: {  	v20 =	vld [tilespmem:s6+$0x0];
	v11 =	vsub.f32 v11, v10;
	v13 =	vsub.f32 v13, v12;
	v15 =	vadd.s32 $0x1E0, v15  }
0x55: {  	v22 =	vld [tilespmem:s12+$0x0];
	v9 =	vsub.f32 v9, v14;
	v21 =	vmul.f32 v4, v6  }
0x56: {  	v1 =	vld.idx.msk [tilespmem:v1+s3+$0x0], $0xffff;
	v11 =	vmul.f32 v0, v11;
	v13 =	vmul.f32 v0, v13;
	v7 =	vsub.f32 v7, v16  }
0x57: {  	v6 =	vld.idx.msk [tilespmem:v8+s3+$0x0], $0xffff;
	v8 =	vmul.f32 v3, v9;
	v9 =	vadd.f32 v21, v2  }
0x58: {  	s28 =	simm.s32 $0x18540;
	v5 =	vld.idx.msk [tilespmem:v5+s3+$0x0], $0xffff;
	v10 =	vadd.f32 v11, v10;
	v11 =	vadd.f32 v13, v12;
	v7 =	vmul.f32 v3, v7  }
0x59: {  	v12 =	vsub.f32 v19, v18;
	v2 =	vld.idx.msk [tilespmem:v15+s3+$0x0], $0xffff;
	v8 =	vadd.f32 v8, v14;
	[tilespmem:s28+$0x60] =	vst v9  }
0x5a: {  	v9 =	vsub.f32 v22, v20;
	v7 =	vadd.f32 v7, v16;
	v13 =	vld [tilespmem:s15+$0x90]  }
0x5b: {  	v11 =	vsub.f32 v11, v10;
	v14 =	vld [tilespmem:s19+$0x90]  }
0x5c: {  	v15 =	vld [tilespmem:s6+$0x90];
	v12 =	vmul.f32 v6, v12;
	v9 =	vmul.f32 v6, v9;
	v7 =	vsub.f32 v7, v8  }
0x5d: {  	v11 =	vmul.f32 v1, v11;
	v16 =	vld [tilespmem:s12+$0x90]  }
0x5e: {  	v12 =	vadd.f32 v12, v18;
	v9 =	vadd.f32 v9, v20;
	v7 =	vmul.f32 v5, v7  }
0x5f: {  	v10 =	vadd.f32 v11, v10  }
0x60: {  	v7 =	vadd.f32 v7, v8;
	v8 =	vsub.f32 v9, v12  }
0x61: {  	[tilespmem:s28+$0xFFFFFF40] =	vst v10  }
0x62: {  	v19 =	vld [tilespmem:s19+$0xFFFFFF10];
	v10 =	vsub.f32 v16, v15;
	[tilespmem:s28+$0xFFFFFFA0] =	vst v7;
	v7 =	vmul.f32 v2, v8;
	v8 =	vsub.f32 v14, v13  }
0x63: {  	v11 =	vld [tilespmem:s15+$0xFFFFFF90]  }
0x64: {  	v10 =	vmul.f32 v17, v10;
	v14 =	vld [tilespmem:s19+$0xFFFFFF90];
	v7 =	vadd.f32 v7, v12;
	v8 =	vmul.f32 v17, v8  }
0x65: {  	v16 =	vld [tilespmem:s12+$0xFFFFFF90]  }
0x66: {  	v12 =	vld [tilespmem:s6+$0xFFFFFF90];
	[tilespmem:s28+$0x0] =	vst v7;
	v7 =	vadd.f32 v8, v13;
	v8 =	vadd.f32 v10, v15  }
0x67: {  	v10 =	vld [tilespmem:s15+$0x10]  }
0x68: {  	v13 =	vld [tilespmem:s19+$0x10];
	v8 =	vsub.f32 v8, v7  }
0x69: {  	v15 =	vld [tilespmem:s6+$0x10]  }
0x6a: {  	v18 =	vld [tilespmem:s12+$0x10];
	v14 =	vsub.f32 v14, v11;
	v8 =	vmul.f32 v4, v8  }
0x6b: {  	v20 =	vld [tilespmem:s6+$0xFFFFFF10];
	v16 =	vsub.f32 v16, v12  }
0x6c: {  	v9 =	vld [tilespmem:s15+$0xFFFFFF10];
	v14 =	vmul.f32 v3, v14;
	v7 =	vadd.f32 v8, v7  }
0x6d: {  	v16 =	vmul.f32 v3, v16;
	v8 =	vld [tilespmem:s12+$0xFFFFFF10]  }
0x6e: {  	v11 =	vadd.f32 v14, v11;
	v13 =	vsub.f32 v13, v10;
	[tilespmem:s28+$0x70] =	vst v7  }
0x6f: {  	v7 =	vadd.f32 v16, v12;
	v12 =	vsub.f32 v18, v15;
	v14 =	vld [tilespmem:s15+$0xA0]  }
0x70: {  	v16 =	vld [tilespmem:s19+$0xA0]  }
0x71: {  	v13 =	vmul.f32 v6, v13;
	v18 =	vld [tilespmem:s6+$0xA0];
	v7 =	vsub.f32 v7, v11;
	v12 =	vmul.f32 v6, v12  }
0x72: {  	v19 =	vsub.f32 v19, v9;
	v21 =	vld [tilespmem:s12+$0xA0];
	v8 =	vsub.f32 v8, v20  }
0x73: {  	v10 =	vadd.f32 v13, v10;
	v7 =	vmul.f32 v5, v7;
	v12 =	vadd.f32 v12, v15  }
0x74: {  	v13 =	vmul.f32 v0, v19;
	v8 =	vmul.f32 v0, v8  }
0x75: {  	v7 =	vadd.f32 v7, v11;
	v11 =	vsub.f32 v12, v10  }
0x76: {  	v9 =	vadd.f32 v13, v9;
	v8 =	vadd.f32 v8, v20  }
0x77: {  	v12 =	vsub.f32 v21, v18;
	[tilespmem:s28+$0xFFFFFFB0] =	vst v7;
	v7 =	vmul.f32 v2, v11;
	v11 =	vsub.f32 v16, v14  }
0x78: {  	v8 =	vsub.f32 v8, v9;
	v13 =	vld [tilespmem:s15+$0xFFFFFFA0]  }
0x79: {  	v15 =	vld [tilespmem:s19+$0xFFFFFFA0];
	v7 =	vadd.f32 v7, v10;
	v10 =	vmul.f32 v17, v11;
	v11 =	vmul.f32 v17, v12  }
0x7a: {  	v16 =	vld [tilespmem:s12+$0xFFFFFFA0]  }
0x7b: {  	v12 =	vld [tilespmem:s6+$0xFFFFFFA0];
	v8 =	vmul.f32 v1, v8;
	[tilespmem:s28+$0x10] =	vst v7;
	v7 =	vadd.f32 v10, v14;
	v10 =	vadd.f32 v11, v18  }
0x7c: {  	v11 =	vld [tilespmem:s15+$0x20]  }
0x7d: {  	v8 =	vadd.f32 v8, v9;
	v9 =	vld [tilespmem:s19+$0x20];
	v10 =	vsub.f32 v10, v7  }
0x7e: {  	v14 =	vld [tilespmem:s6+$0x20]  }
0x7f: {  	[tilespmem:s28+$0xFFFFFF50] =	vst v8;
	v8 =	vld [tilespmem:s12+$0x20];
	v10 =	vmul.f32 v4, v10  }
0x80: {  	v15 =	vsub.f32 v15, v13;
	v18 =	vld [tilespmem:s15+$0xFFFFFF20]  }
0x81: {  	v16 =	vsub.f32 v16, v12;
	v19 =	vld [tilespmem:s19+$0xFFFFFF20];
	v7 =	vadd.f32 v10, v7  }
0x82: {  	v20 =	vld [tilespmem:s12+$0xFFFFFF20];
	v10 =	vmul.f32 v3, v15  }
0x83: {  	v16 =	vmul.f32 v3, v16;
	v15 =	vld [tilespmem:s6+$0xFFFFFF20];
	[tilespmem:s28+$0x80] =	vst v7  }
0x84: {  	v9 =	vsub.f32 v9, v11;
	v7 =	vadd.f32 v10, v13;
	v10 =	vld [tilespmem:s15+$0xB0]  }
0x85: {  	v12 =	vadd.f32 v16, v12;
	v8 =	vsub.f32 v8, v14;
	v13 =	vld [tilespmem:s19+$0xB0]  }
0x86: {  	v9 =	vmul.f32 v6, v9;
	v16 =	vld [tilespmem:s6+$0xB0]  }
0x87: {  	v21 =	vld [tilespmem:s12+$0xB0];
	v8 =	vmul.f32 v6, v8;
	v12 =	vsub.f32 v12, v7  }
0x88: {  	v19 =	vsub.f32 v19, v18;
	v9 =	vadd.f32 v9, v11  }
0x89: {  	v11 =	vsub.f32 v20, v15;
	v8 =	vadd.f32 v8, v14;
	v12 =	vmul.f32 v5, v12  }
0x8a: {  	v14 =	vmul.f32 v0, v19  }
0x8b: {  	v11 =	vmul.f32 v0, v11;
	v8 =	vsub.f32 v8, v9;
	v7 =	vadd.f32 v12, v7  }
0x8c: {  	v12 =	vsub.f32 v13, v10;
	v13 =	vsub.f32 v21, v16  }
0x8d: {  	v14 =	vadd.f32 v14, v18;
	v11 =	vadd.f32 v11, v15;
	v8 =	vmul.f32 v2, v8  }
0x8e: {  	[tilespmem:s28+$0xFFFFFFC0] =	vst v7;
	v7 =	vmul.f32 v17, v12;
	v12 =	vmul.f32 v17, v13  }
0x8f: {  	v13 =	vld [tilespmem:s15+$0xFFFFFFB0];
	v8 =	vadd.f32 v8, v9;
	v9 =	vsub.f32 v11, v14  }
0x90: {  	v11 =	vld [tilespmem:s19+$0xFFFFFFB0];
	v7 =	vadd.f32 v7, v10;
	v10 =	vadd.f32 v12, v16  }
0x91: {  	v12 =	vld [tilespmem:s6+$0xFFFFFFB0]  }
0x92: {  	s20 =	simm.s32 $0x780;
	[tilespmem:s28+$0x20] =	vst v8;
	v8 =	vmul.f32 v1, v9;
	v9 =	vld [tilespmem:s12+$0xFFFFFFB0];
	v10 =	vsub.f32 v10, v7  }
0x93: {  	v30 =	vld [tilespmem:s20+$0x80]  }
0x94: {  	v15 =	vld [tilespmem:s15+$0x30];
	v10 =	vmul.f32 v4, v10  }
0x95: {  	v16 =	vld [tilespmem:s6+$0x30];
	v8 =	vadd.f32 v8, v14  }
0x96: {  	v18 =	vld [tilespmem:s12+$0x30];
	v7 =	vadd.f32 v10, v7  }
0x97: {  	s25 =	simm.s32 $0x4;
	v14 =	vld [tilespmem:s19+$0x30];
	[tilespmem:s28+$0xFFFFFF60] =	vst v8;
	v10 =	vsub.f32 v11, v13;
	v9 =	vsub.f32 v9, v12  }
0x98: {  	v8 =	vmov s25;
	v19 =	vld [tilespmem:s15+$0xFFFFFF30];
	[tilespmem:s28+$0x90] =	vst v7  }
0x99: {  	v8 =	vand.u32 $0x7C, v8;
	v10 =	vmul.f32 v3, v10;
	v9 =	vmul.f32 v3, v9;
	v20 =	vld [tilespmem:s15+$0xC0]  }
0x9a: {  	s30 =	simm.s32 $0x6;
	v22 =	vadd.s32 $0x1E0, v8;
	v23 =	vld [tilespmem:s19+$0xC0]  }
0x9b: {  	s26 =	simm.s32 $0x5;
	v21 =	vmov s30;
	v24 =	vld [tilespmem:s6+$0xC0];
	v10 =	vadd.f32 v10, v13;
	v9 =	vadd.f32 v9, v12  }
0x9c: {  	v7 =	vmov s26;
	v8 =	vor.u32 $0x180, v8;
	v13 =	vand.u32 $0x7E, v21;
	v21 =	vld [tilespmem:s12+$0xC0]  }
0x9d: {  	v11 =	vld [tilespmem:s19+$0xFFFFFF30];
	v7 =	vand.u32 $0x7D, v7;
	v26 =	vadd.s32 $0x1E0, v13;
	v9 =	vsub.f32 v9, v10  }
0x9e: {  	v25 =	vld [tilespmem:s6+$0xFFFFFF30];
	v28 =	vor.u32 $0x180, v7  }
0x9f: {  	v12 =	vadd.s32 $0x1E0, v7;
	v7 =	vld.idx.msk [tilespmem:v22+s3+$0x0], $0xffff;
	v22 =	vmul.f32 v5, v9  }
0xa0: {  	v27 =	vld [tilespmem:s12+$0xFFFFFF30];
	v23 =	vsub.f32 v23, v20  }
0xa1: {  	v9 =	vld.idx.msk [tilespmem:v8+s3+$0x0], $0xffff;
	v21 =	vsub.f32 v21, v24;
	v10 =	vadd.f32 v22, v10  }
0xa2: {  	v8 =	vld.idx.msk [tilespmem:v26+s3+$0x0], $0xffff  }
0xa3: {  	v23 =	vmul.f32 v17, v23;
	v22 =	vor.u32 $0x180, v13;
	v13 =	vld.idx.msk [tilespmem:v28+s3+$0x0], $0xffff;
	v21 =	vmul.f32 v17, v21;
	[tilespmem:s28+$0xFFFFFFD0] =	vst v10  }
0xa4: {  	v26 =	vld [tilespmem:s15+$0xFFFFFFC0]  }
0xa5: {  	s31 =	simm.s32 $0x7;
	v10 =	vadd.f32 v23, v20;
	v20 =	vadd.f32 v21, v24;
	v21 =	vld [tilespmem:s19+$0xFFFFFFC0]  }
0xa6: {  	v14 =	vsub.f32 v14, v15;
	v23 =	vmov s31;
	v24 =	vld [tilespmem:s6+$0xFFFFFFC0]  }
0xa7: {  	v18 =	vsub.f32 v18, v16;
	v23 =	vand.u32 $0x7F, v23;
	v28 =	vld [tilespmem:s12+$0xFFFFFFC0];
	v20 =	vsub.f32 v20, v10  }
0xa8: {  	s25 =	simm.s32 $0x9780;
	v14 =	vmul.f32 v6, v14;
	v29 =	vsub.f32 v11, v19;
	v11 =	vld.idx.msk [tilespmem:v22+s3+$0x0], $0xffff;
	v22 =	vor.u32 $0x180, v23  }
0xa9: {  	s21 =	simm.s32 $0x3780;
	v31 =	vld [tilespmem:s25+$0x80];
	v18 =	vmul.f32 v6, v18;
	v27 =	vsub.f32 v27, v25;
	v20 =	vmul.f32 v4, v20  }
0xaa: {  	s24 =	simm.s32 $0x6780;
	v14 =	vadd.f32 v14, v15;
	v15 =	vmul.f32 v0, v29;
	v29 =	vld [tilespmem:s21+$0x80]  }
0xab: {  	v16 =	vadd.f32 v18, v16;
	v18 =	vmul.f32 v0, v27;
	v27 =	vld [tilespmem:s24+$0x80];
	v20 =	vadd.f32 v20, v10  }
0xac: {  	v12 =	vld.idx.msk [tilespmem:v12+s3+$0x0], $0xffff;
	v21 =	vsub.f32 v21, v26;
	v28 =	vsub.f32 v28, v24  }
0xad: {  	v19 =	vadd.f32 v15, v19;
	v18 =	vadd.f32 v18, v25;
	v10 =	vld.idx.msk [tilespmem:v22+s3+$0x0], $0xffff;
	[tilespmem:s28+$0xA0] =	vst v20  }
0xae: {  	v20 =	vmul.f32 v3, v21;
	v21 =	vmul.f32 v3, v28;
	v15 =	vld [tilespmem:s15+$0xD0]  }
0xaf: {  	v18 =	vsub.f32 v18, v19;
	v22 =	vsub.f32 v16, v14;
	v16 =	vld [tilespmem:s6+$0xD0]  }
0xb0: {  	v20 =	vadd.f32 v20, v26;
	v24 =	vadd.f32 v21, v24;
	v26 =	vld [tilespmem:s12+$0xD0]  }
0xb1: {  	v28 =	vadd.s32 $0x1E0, v23;
	v25 =	vld [tilespmem:s19+$0xD0]  }
0xb2: {  	v18 =	vmul.f32 v1, v18;
	v22 =	vmul.f32 v2, v22;
	v21 =	vld [tilespmem:s20+$0xFFFFFF00];
	v23 =	vsub.f32 v24, v20  }
0xb3: {  	v29 =	vsub.f32 v29, v30;
	v24 =	vld [tilespmem:s21+$0xFFFFFF00]  }
0xb4: {  	v18 =	vadd.f32 v18, v19;
	v19 =	vld [tilespmem:s24+$0xFFFFFF00];
	v14 =	vadd.f32 v22, v14;
	v22 =	vmul.f32 v5, v23  }
0xb5: {  	v31 =	vsub.f32 v31, v27;
	v23 =	vld [tilespmem:s25+$0xFFFFFF00];
	v33 =	vsub.f32 v26, v16  }
0xb6: {  	[tilespmem:s28+$0x30] =	vst v14;
	v14 =	vld.idx.msk [tilespmem:v28+s3+$0x0], $0xffff;
	v32 =	vadd.f32 v22, v20;
	v22 =	vsub.f32 v25, v15  }
0xb7: {  	v28 =	vmul.f32 v10, v29;
	v29 =	vmul.f32 v10, v31;
	v20 =	vld [tilespmem:s20+$0xFFFFFF80]  }
0xb8: {  	[tilespmem:s28+$0xFFFFFF70] =	vst v18;
	v25 =	vld [tilespmem:s21+$0xFFFFFF80];
	v26 =	vsub.f32 v24, v21;
	v18 =	vmul.f32 v17, v22;
	v17 =	vmul.f32 v17, v33  }
0xb9: {  	s29 =	simm.s32 $0x8;
	s26 =	simm.s32 $0x18540;
	v27 =	vadd.f32 v29, v27;
	v24 =	vadd.f32 v28, v30;
	v22 =	vld [tilespmem:s24+$0xFFFFFF80];
	[tilespmem:s28+$0xFFFFFFE0] =	vst v32  }
.LBB2_3:
0xba: {  	p1 =	slt.u32 s29, $0x5C;
	v26 =	vmul.f32 v9, v26;
	v28 =	vld [tilespmem:s25+$0xFFFFFF80];
	v15 =	vadd.f32 v18, v15;
	v16 =	vadd.f32 v17, v16  }
0xbb: {  	v17 =	vsub.f32 v23, v19;
	v18 =	vld [tilespmem:s20+$0x0];
	v23 =	vsub.f32 v27, v24  }
0xbc: {  	v21 =	vadd.f32 v26, v21;
	v26 =	vld [tilespmem:s21+$0x0];
	v16 =	vsub.f32 v16, v15  }
0xbd: {  	v17 =	vmul.f32 v9, v17;
	v25 =	vsub.f32 v25, v20;
	v27 =	vld [tilespmem:s24+$0x0];
	v23 =	vmul.f32 v14, v23  }
0xbe: {  	v29 =	vld [tilespmem:s25+$0x0];
	v16 =	vmul.f32 v4, v16;
	v4 =	vmov v14  }
0xbf: {  	v14 =	vmul.f32 v13, v25;
	v25 =	vsub.f32 v28, v22;
	v23 =	vadd.f32 v23, v24;
	v24 =	vld [tilespmem:s15+$0x40]  }
0xc0: {  	s28 =	sadd.s32 $0x180, s28;
	v17 =	vadd.f32 v17, v19;
	v19 =	vld [tilespmem:s19+$0x40];
	v15 =	vadd.f32 v16, v15  }
0xc1: {  	v14 =	vadd.f32 v14, v20;
	v16 =	vmul.f32 v13, v25;
	v20 =	vsub.f32 v26, v18;
	[tilespmem:s28+$0x60] =	vst v23;
	v23 =	vld [tilespmem:s6+$0x40]  }
0xc2: {  	v17 =	vsub.f32 v17, v21;
	v25 =	vld [tilespmem:s12+$0x40];
	[tilespmem:s26+$0xB0] =	vst v15  }
0xc3: {  	v15 =	vadd.f32 v16, v22;
	v16 =	vmul.f32 v11, v20;
	v20 =	vsub.f32 v29, v27;
	v22 =	vld [tilespmem:s20+$0x90]  }
0xc4: {  	v17 =	vmul.f32 v7, v17;
	v26 =	vld [tilespmem:s21+$0x90]  }
0xc5: {  	v15 =	vsub.f32 v15, v14;
	v16 =	vadd.f32 v16, v18;
	v18 =	vmul.f32 v11, v20;
	v20 =	vld [tilespmem:s24+$0x90]  }
0xc6: {  	v17 =	vadd.f32 v17, v21;
	v19 =	vsub.f32 v19, v24;
	v21 =	vld [tilespmem:s25+$0x90]  }
0xc7: {  	v15 =	vmul.f32 v12, v15;
	v18 =	vadd.f32 v18, v27;
	v27 =	vld [tilespmem:s15+$0xFFFFFF40];
	v25 =	vsub.f32 v25, v23  }
0xc8: {  	v19 =	vmul.f32 v6, v19;
	[tilespmem:s28+$0xFFFFFF40] =	vst v17;
	v17 =	vld [tilespmem:s19+$0xFFFFFF40]  }
0xc9: {  	v28 =	vld [tilespmem:s20+$0xFFFFFF10];
	v14 =	vadd.f32 v15, v14;
	v15 =	vsub.f32 v18, v16;
	v18 =	vmul.f32 v6, v25  }
0xca: {  	v19 =	vadd.f32 v19, v24;
	v25 =	vld [tilespmem:s21+$0xFFFFFF10]  }
0xcb: {  	v24 =	vld [tilespmem:s24+$0xFFFFFF10];
	[tilespmem:s28+$0xFFFFFFA0] =	vst v14;
	v14 =	vmul.f32 v8, v15;
	v15 =	vsub.f32 v26, v22;
	v21 =	vsub.f32 v21, v20  }
0xcc: {  	v18 =	vadd.f32 v18, v23;
	v26 =	vld [tilespmem:s20+$0xFFFFFF90]  }
0xcd: {  	v23 =	vld [tilespmem:s21+$0xFFFFFF90];
	v14 =	vadd.f32 v14, v16;
	v15 =	vmul.f32 v10, v15;
	v16 =	vmul.f32 v10, v21  }
0xce: {  	v17 =	vsub.f32 v17, v27;
	v18 =	vsub.f32 v18, v19;
	v21 =	vld [tilespmem:s24+$0xFFFFFF90]  }
0xcf: {  	v29 =	vld [tilespmem:s25+$0xFFFFFF90];
	[tilespmem:s28+$0x0] =	vst v14;
	v14 =	vadd.f32 v15, v22;
	v15 =	vadd.f32 v16, v20  }
0xd0: {  	v16 =	vsub.f32 v25, v28;
	v17 =	vmul.f32 v0, v17;
	v18 =	vmul.f32 v2, v18;
	v20 =	vld [tilespmem:s20+$0x10]  }
0xd1: {  	v22 =	vld [tilespmem:s21+$0x10];
	v15 =	vsub.f32 v15, v14  }
0xd2: {  	v16 =	vmul.f32 v9, v16;
	v17 =	vadd.f32 v17, v27;
	v23 =	vsub.f32 v23, v26;
	v25 =	vld [tilespmem:s24+$0x10]  }
0xd3: {  	v18 =	vadd.f32 v18, v19;
	v27 =	vld [tilespmem:s25+$0x10];
	v15 =	vmul.f32 v4, v15  }
0xd4: {  	v16 =	vadd.f32 v16, v28;
	v19 =	vld [tilespmem:s25+$0xFFFFFF10];
	v23 =	vmul.f32 v13, v23;
	v28 =	vsub.f32 v29, v21  }
0xd5: {  	v14 =	vadd.f32 v15, v14;
	v15 =	vld [tilespmem:s6+$0xFFFFFF40];
	[tilespmem:s26+$0x40] =	vst v18  }
0xd6: {  	v18 =	vadd.f32 v23, v26;
	v23 =	vmul.f32 v13, v28;
	v22 =	vsub.f32 v22, v20;
	v26 =	vld [tilespmem:s12+$0xFFFFFF40]  }
0xd7: {  	[tilespmem:s28+$0x70] =	vst v14;
	v14 =	vld [tilespmem:s15+$0xFFFFFFD0]  }
0xd8: {  	v21 =	vadd.f32 v23, v21;
	v22 =	vmul.f32 v11, v22;
	v23 =	vsub.f32 v27, v25;
	v27 =	vld [tilespmem:s20+$0xA0]  }
0xd9: {  	v19 =	vsub.f32 v19, v24;
	v28 =	vld [tilespmem:s21+$0xA0]  }
0xda: {  	v21 =	vsub.f32 v21, v18;
	v20 =	vadd.f32 v22, v20;
	v22 =	vmul.f32 v11, v23;
	v23 =	vld [tilespmem:s24+$0xA0]  }
0xdb: {  	v19 =	vmul.f32 v9, v19;
	v29 =	vld [tilespmem:s25+$0xA0];
	v26 =	vsub.f32 v26, v15  }
0xdc: {  	v21 =	vmul.f32 v12, v21;
	v22 =	vadd.f32 v22, v25;
	v25 =	vld [tilespmem:s19+$0xFFFFFFD0]  }
0xdd: {  	v19 =	vadd.f32 v19, v24;
	v24 =	vmul.f32 v0, v26;
	v26 =	vld [tilespmem:s6+$0xFFFFFFD0]  }
0xde: {  	v18 =	vadd.f32 v21, v18;
	v21 =	vsub.f32 v22, v20;
	v22 =	vld [tilespmem:s12+$0xFFFFFFD0]  }
0xdf: {  	v19 =	vsub.f32 v19, v16;
	v15 =	vadd.f32 v24, v15;
	v24 =	vld [tilespmem:s15+$0x50]  }
0xe0: {  	[tilespmem:s28+$0xFFFFFFB0] =	vst v18;
	v18 =	vmul.f32 v8, v21;
	v21 =	vsub.f32 v28, v27;
	v28 =	vsub.f32 v29, v23;
	v29 =	vld [tilespmem:s19+$0x50]  }
0xe1: {  	v19 =	vmul.f32 v7, v19;
	v30 =	vld [tilespmem:s20+$0xFFFFFFA0];
	v15 =	vsub.f32 v15, v17;
	v25 =	vsub.f32 v25, v14  }
0xe2: {  	v31 =	vld [tilespmem:s21+$0xFFFFFFA0];
	v18 =	vadd.f32 v18, v20;
	v20 =	vmul.f32 v10, v21;
	v21 =	vmul.f32 v10, v28  }
0xe3: {  	v16 =	vadd.f32 v19, v16;
	v19 =	vld [tilespmem:s24+$0xFFFFFFA0];
	v15 =	vmul.f32 v1, v15;
	v22 =	vsub.f32 v22, v26  }
0xe4: {  	v28 =	vld [tilespmem:s25+$0xFFFFFFA0];
	[tilespmem:s28+$0x10] =	vst v18;
	v18 =	vadd.f32 v20, v27;
	v20 =	vadd.f32 v21, v23;
	v21 =	vmul.f32 v3, v25  }
0xe5: {  	[tilespmem:s28+$0xFFFFFF50] =	vst v16;
	v16 =	vld [tilespmem:s20+$0x20];
	v15 =	vadd.f32 v15, v17;
	v17 =	vmul.f32 v3, v22;
	v22 =	vsub.f32 v29, v24  }
0xe6: {  	v3 =	vmov v13;
	v23 =	vld [tilespmem:s21+$0x20];
	v20 =	vsub.f32 v20, v18;
	v14 =	vadd.f32 v21, v14  }
0xe7: {  	v13 =	vsub.f32 v31, v30;
	v21 =	vld [tilespmem:s24+$0x20];
	[tilespmem:s26+$0xFFFFFF80] =	vst v15;
	v15 =	vadd.f32 v17, v26;
	v17 =	vmul.f32 v6, v22  }
0xe8: {  	v22 =	vld [tilespmem:s25+$0x20];
	v20 =	vmul.f32 v4, v20  }
0xe9: {  	v25 =	vld [tilespmem:s20+$0xFFFFFF20];
	v26 =	vmul.f32 v3, v13;
	v27 =	vsub.f32 v28, v19;
	v13 =	vadd.f32 v17, v24  }
0xea: {  	v15 =	vsub.f32 v15, v14;
	v17 =	vld [tilespmem:s21+$0xFFFFFF20];
	v18 =	vadd.f32 v20, v18  }
0xeb: {  	v20 =	vld [tilespmem:s24+$0xFFFFFF20];
	v24 =	vadd.f32 v26, v30;
	v26 =	vmul.f32 v3, v27;
	v23 =	vsub.f32 v23, v16  }
0xec: {  	v15 =	vmul.f32 v5, v15;
	v5 =	vmov v12;
	v27 =	vld [tilespmem:s25+$0xFFFFFF20];
	[tilespmem:s28+$0x80] =	vst v18  }
0xed: {  	v12 =	vadd.f32 v26, v19;
	v18 =	vmul.f32 v11, v23;
	v19 =	vsub.f32 v22, v21;
	v22 =	vld [tilespmem:s20+$0xB0]  }
0xee: {  	v14 =	vadd.f32 v15, v14;
	v23 =	vld [tilespmem:s21+$0xB0]  }
0xef: {  	v15 =	vsub.f32 v17, v25;
	v16 =	vadd.f32 v18, v16;
	v17 =	vmul.f32 v11, v19;
	v18 =	vld [tilespmem:s24+$0xB0]  }
0xf0: {  	v12 =	vsub.f32 v12, v24;
	v19 =	vld [tilespmem:s25+$0xB0];
	[tilespmem:s26+$0xFFFFFFF0] =	vst v14  }
0xf1: {  	v14 =	vmul.f32 v9, v15;
	v15 =	vsub.f32 v27, v20;
	v17 =	vadd.f32 v17, v21;
	v21 =	vld [tilespmem:s6+$0x50]  }
0xf2: {  	v12 =	vmul.f32 v5, v12;
	v26 =	vld [tilespmem:s12+$0x50]  }
0xf3: {  	v14 =	vadd.f32 v14, v25;
	v15 =	vmul.f32 v9, v15;
	v17 =	vsub.f32 v17, v16;
	v25 =	vld [tilespmem:s15+$0xFFFFFF50];
	s15 =	smov.u32 s20  }
0xf4: {  	v12 =	vadd.f32 v12, v24;
	v24 =	vld [tilespmem:s19+$0xFFFFFF50];
	s19 =	smov.u32 s21  }
0xf5: {  	v23 =	vsub.f32 v23, v22;
	v17 =	vmul.f32 v8, v17;
	v19 =	vsub.f32 v19, v18;
	v27 =	vld [tilespmem:s6+$0xFFFFFF50];
	s6 =	smov.u32 s24  }
0xf6: {  	v28 =	vmov s29;
	v15 =	vadd.f32 v15, v20;
	[tilespmem:s28+$0xFFFFFFC0] =	vst v12;
	v12 =	vld [tilespmem:s12+$0xFFFFFF50];
	s12 =	smov.u32 s25  }
0xf7: {  	v20 =	vld [tilespmem:s20+$0xFFFFFFB0];
	v16 =	vadd.f32 v17, v16;
	v17 =	vmul.f32 v10, v23;
	v19 =	vmul.f32 v10, v19  }
0xf8: {  	s30 =	sadd.s32 $0x1, s29;
	v23 =	vand.u32 $0x7C, v28;
	v15 =	vsub.f32 v15, v14;
	v26 =	vsub.f32 v26, v21;
	v28 =	vld [tilespmem:s21+$0xFFFFFFB0]  }
0xf9: {  	v29 =	vmov s30;
	v30 =	vld [tilespmem:s24+$0xFFFFFFB0];
	[tilespmem:s28+$0x20] =	vst v16;
	v16 =	vadd.f32 v17, v22;
	v17 =	vadd.f32 v19, v18  }
0xfa: {  	s30 =	sadd.s32 $0x2, s29;
	v15 =	vmul.f32 v7, v15;
	v19 =	vsub.f32 v24, v25;
	v22 =	vmul.f32 v6, v26;
	v6 =	vmovc v11;
	v18 =	vld [tilespmem:s25+$0xFFFFFFB0]  }
0xfb: {  	v11 =	vmov s30;
	v24 =	vld [tilespmem:s20+$0x30];
	v17 =	vsub.f32 v17, v16;
	v12 =	vsub.f32 v12, v27  }
0xfc: {  	v14 =	vadd.f32 v15, v14;
	v19 =	vmul.f32 v0, v19;
	v21 =	vadd.f32 v22, v21;
	v15 =	vld [tilespmem:s21+$0x30]  }
0xfd: {  	v22 =	vsub.f32 v28, v20;
	v26 =	vld [tilespmem:s24+$0x30];
	v17 =	vmul.f32 v4, v17;
	v12 =	vmul.f32 v0, v12;
	v0 =	vmovc v9  }
0xfe: {  	v9 =	vadd.s32 $0x1E0, v23;
	v19 =	vadd.f32 v19, v25;
	v21 =	vsub.f32 v21, v13;
	[tilespmem:s28+$0xFFFFFF60] =	vst v14;
	v14 =	vld [tilespmem:s25+$0x30]  }
0xff: {  	v25 =	vld [tilespmem:s20+$0xFFFFFF30];
	v22 =	vmul.f32 v3, v22;
	v18 =	vsub.f32 v18, v30;
	v16 =	vadd.f32 v17, v16  }
0x100: {  	v17 =	vor.u32 $0x180, v23;
	v12 =	vadd.f32 v12, v27;
	v21 =	vmul.f32 v2, v21;
	v2 =	vmovc v8;
	v23 =	vld [tilespmem:s21+$0xFFFFFF30]  }
0x101: {  	v27 =	vld [tilespmem:s24+$0xFFFFFF30];
	v20 =	vadd.f32 v22, v20;
	v8 =	vmul.f32 v3, v18;
	v15 =	vsub.f32 v15, v24;
	[tilespmem:s28+$0x90] =	vst v16  }
0x102: {  	v16 =	vand.u32 $0x7D, v29;
	v12 =	vsub.f32 v12, v19;
	v13 =	vadd.f32 v21, v13;
	v18 =	vld [tilespmem:s20+$0xC0]  }
0x103: {  	v8 =	vadd.f32 v8, v30;
	v15 =	vmul.f32 v6, v15;
	v14 =	vsub.f32 v14, v26;
	v21 =	vld [tilespmem:s21+$0xC0]  }
0x104: {  	v11 =	vand.u32 $0x7E, v11;
	v22 =	vadd.s32 $0x1E0, v16;
	v12 =	vmul.f32 v1, v12;
	v1 =	vmovc v7;
	v28 =	vld [tilespmem:s24+$0xC0];
	[tilespmem:s26+$0x50] =	vst v13  }
0x105: {  	v7 =	vsub.f32 v23, v25;
	v15 =	vadd.f32 v15, v24;
	v13 =	vmul.f32 v6, v14;
	v14 =	vld [tilespmem:s25+$0xC0]  }
0x106: {  	v23 =	vadd.s32 $0x1E0, v11;
	v8 =	vsub.f32 v8, v20;
	v12 =	vadd.f32 v12, v19;
	v24 =	vld [tilespmem:s25+$0xFFFFFF30]  }
0x107: {  	v16 =	vor.u32 $0x180, v16;
	v19 =	vmul.f32 v0, v7;
	v13 =	vadd.f32 v13, v26  }
0x108: {  	v11 =	vor.u32 $0x180, v11;
	v26 =	vmul.f32 v5, v8;
	v7 =	vld.idx.msk [tilespmem:v9+s3+$0x0], $0xffff;
	[tilespmem:s26+$0xFFFFFF90] =	vst v12;
	s26 =	smov.u32 s28  }
0x109: {  	v9 =	vld.idx.msk [tilespmem:v17+s3+$0x0], $0xffff;
	v17 =	vadd.f32 v19, v25;
	v13 =	vsub.f32 v13, v15  }
0x10a: {  	v19 =	vsub.f32 v21, v18;
	v12 =	vld.idx.msk [tilespmem:v22+s3+$0x0], $0xffff;
	v14 =	vsub.f32 v14, v28  }
0x10b: {  	v20 =	vadd.f32 v26, v20;
	v8 =	vld.idx.msk [tilespmem:v23+s3+$0x0], $0xffff;
	v21 =	vsub.f32 v24, v27;
	v22 =	vmul.f32 v2, v13  }
0x10c: {  	v13 =	vld.idx.msk [tilespmem:v16+s3+$0x0], $0xffff;
	v16 =	vmul.f32 v10, v19;
	v14 =	vmul.f32 v10, v14  }
0x10d: {  	v11 =	vld.idx.msk [tilespmem:v11+s3+$0x0], $0xffff;
	v19 =	vmul.f32 v0, v21;
	[tilespmem:s28+$0xFFFFFFD0] =	vst v20;
	v15 =	vadd.f32 v22, v15  }
0x10e: {  	s30 =	sadd.s32 $0x3, s29;
	v20 =	vld [tilespmem:s20+$0xFFFFFFC0];
	v16 =	vadd.f32 v16, v18;
	v14 =	vadd.f32 v14, v28  }
0x10f: {  	v18 =	vmov s30;
	v19 =	vadd.f32 v19, v27;
	v21 =	vld [tilespmem:s21+$0xFFFFFFC0];
	[tilespmem:s28+$0x30] =	vst v15  }
0x110: {  	v18 =	vand.u32 $0x7F, v18;
	v22 =	vld [tilespmem:s24+$0xFFFFFFC0];
	v14 =	vsub.f32 v14, v16  }
0x111: {  	s20 =	sadd.s32 $0x200, s20;
	v15 =	vor.u32 $0x180, v18;
	v19 =	vsub.f32 v19, v17;
	v23 =	vld [tilespmem:s25+$0xFFFFFFC0]  }
0x112: {  	s21 =	sadd.s32 $0x200, s21;
	v24 =	vld [tilespmem:s20+$0x80];
	v14 =	vmul.f32 v4, v14  }
0x113: {  	s24 =	sadd.s32 $0x200, s24;
	v25 =	vld [tilespmem:s21+$0x80];
	v19 =	vmul.f32 v1, v19  }
0x114: {  	s25 =	sadd.s32 $0x200, s25;
	v27 =	vld [tilespmem:s24+$0x80];
	v21 =	vsub.f32 v21, v20;
	v14 =	vadd.f32 v14, v16  }
0x115: {  	v26 =	vld [tilespmem:s25+$0x80];
	v16 =	vadd.f32 v19, v17  }
0x116: {  	v28 =	vld.idx.msk [tilespmem:v15+s3+$0x0], $0xffff;
	v17 =	vmul.f32 v3, v21;
	v19 =	vsub.f32 v23, v22;
	[tilespmem:s28+$0xA0] =	vst v14  }
0x117: {  	[tilespmem:s28+$0xFFFFFF70] =	vst v16;
	v15 =	vld [tilespmem:s15+$0xD0]  }
0x118: {  	v17 =	vadd.f32 v17, v20;
	v14 =	vmul.f32 v3, v19;
	v29 =	vld [tilespmem:s19+$0xD0]  }
0x119: {  	v16 =	vld [tilespmem:s6+$0xD0]  }
0x11a: {  	v14 =	vadd.f32 v14, v22;
	v22 =	vld [tilespmem:s12+$0xD0]  }
0x11b: {  	v18 =	vadd.s32 $0x1E0, v18;
	v21 =	vld [tilespmem:s20+$0xFFFFFF00]  }
0x11c: {  	v30 =	vld [tilespmem:s21+$0xFFFFFF00];
	v14 =	vsub.f32 v14, v17  }
0x11d: {  	v19 =	vld [tilespmem:s24+$0xFFFFFF00]  }
.Ltmp2:
0x11e: {  	v25 =	vsub.f32 v25, v24;
	v26 =	vsub.f32 v26, v27;
	v23 =	vld [tilespmem:s25+$0xFFFFFF00];
	v31 =	vmul.f32 v5, v14;
	(pc) =	sbr.rel @p1 .LBB2_3-.Ltmp2, $4  }
0x11f: {  	v29 =	vsub.f32 v29, v15;
	v20 =	vld [tilespmem:s20+$0xFFFFFF80];
	v22 =	vsub.f32 v22, v16  }
0x120: {  	v32 =	vmul.f32 v28, v25;
	v33 =	vmul.f32 v28, v26;
	v14 =	vld.idx.msk [tilespmem:v18+s3+$0x0], $0xffff;
	v31 =	vadd.f32 v31, v17  }
0x121: {  	v18 =	vmul.f32 v10, v29;
	v26 =	vsub.f32 v30, v21;
	v25 =	vld [tilespmem:s21+$0xFFFFFF80];
	v17 =	vmul.f32 v10, v22;
	v10 =	vmovc v28  }
0x122: {  	s29 =	sadd.s32 $0x4, s29;
	v24 =	vadd.f32 v32, v24;
	v27 =	vadd.f32 v33, v27;
	v22 =	vld [tilespmem:s24+$0xFFFFFF80];
	[tilespmem:s28+$0xFFFFFFE0] =	vst v31  }
0x123: {  	v28 =	vld [tilespmem:s25+$0xFFFFFF80]  }
0x124: {  	v29 =	vld [tilespmem:s20+$0x0]  }
0x125: {  	v30 =	vld [tilespmem:s21+$0x0]  }
0x126: {  	v23 =	vsub.f32 v23, v19;
	v31 =	vld [tilespmem:s24+$0x0]  }
0x127: {  	v32 =	vld [tilespmem:s25+$0x0];
	v25 =	vsub.f32 v25, v20  }
0x128: {  	v26 =	vmul.f32 v9, v26;
	v23 =	vmul.f32 v9, v23;
	v28 =	vsub.f32 v28, v22  }
0x129: {  	v27 =	vsub.f32 v27, v24;
	v25 =	vmul.f32 v13, v25  }
0x12a: {  	v21 =	vadd.f32 v26, v21;
	v19 =	vadd.f32 v23, v19;
	v23 =	vmul.f32 v13, v28  }
0x12b: {  	v26 =	vmul.f32 v14, v27;
	v20 =	vadd.f32 v25, v20;
	v25 =	vsub.f32 v30, v29  }
0x12c: {  	v22 =	vadd.f32 v23, v22;
	v23 =	vsub.f32 v32, v31  }
0x12d: {  	v24 =	vadd.f32 v26, v24;
	v19 =	vsub.f32 v19, v21  }
0x12e: {  	s28 =	sadd.s32 $0x180, s28;
	v25 =	vmul.f32 v11, v25;
	v22 =	vsub.f32 v22, v20;
	v23 =	vmul.f32 v11, v23  }
0x12f: {  	[tilespmem:s28+$0x60] =	vst v24;
	v19 =	vmul.f32 v7, v19  }
0x130: {  	v24 =	vld [tilespmem:s20+$0x90];
	v25 =	vadd.f32 v25, v29;
	v22 =	vmul.f32 v12, v22;
	v23 =	vadd.f32 v23, v31  }
0x131: {  	v26 =	vld [tilespmem:s21+$0x90];
	v19 =	vadd.f32 v19, v21  }
0x132: {  	v21 =	vld [tilespmem:s24+$0x90];
	v20 =	vadd.f32 v22, v20;
	v22 =	vsub.f32 v23, v25  }
0x133: {  	[tilespmem:s28+$0xFFFFFF40] =	vst v19;
	v23 =	vld [tilespmem:s25+$0x90]  }
0x134: {  	v19 =	vld [tilespmem:s20+$0xFFFFFF10];
	[tilespmem:s28+$0xFFFFFFA0] =	vst v20;
	v20 =	vmul.f32 v8, v22  }
0x135: {  	v22 =	vld [tilespmem:s20+$0xFFFFFF90]  }
0x136: {  	v27 =	vld [tilespmem:s21+$0xFFFFFF90];
	v20 =	vadd.f32 v20, v25  }
0x137: {  	v28 =	vld [tilespmem:s25+$0xFFFFFF90];
	v25 =	vsub.f32 v26, v24  }
0x138: {  	v26 =	vld [tilespmem:s24+$0xFFFFFF90];
	v23 =	vsub.f32 v23, v21;
	[tilespmem:s28+$0x0] =	vst v20  }
0x139: {  	v20 =	vmul.f32 v10, v25;
	v25 =	vld [tilespmem:s20+$0x10]  }
0x13a: {  	v23 =	vmul.f32 v10, v23;
	v29 =	vld [tilespmem:s21+$0x10]  }
0x13b: {  	v20 =	vadd.f32 v20, v24;
	v24 =	vld [tilespmem:s24+$0x10]  }
0x13c: {  	v21 =	vadd.f32 v23, v21;
	v23 =	vsub.f32 v27, v22;
	v27 =	vld [tilespmem:s25+$0x10]  }
0x13d: {  	v39 =	vld [tilespmem:s21+$0xFFFFFF10];
	v28 =	vsub.f32 v28, v26  }
0x13e: {  	v40 =	vld [tilespmem:s24+$0xFFFFFF10];
	v21 =	vsub.f32 v21, v20;
	v23 =	vmul.f32 v13, v23  }
0x13f: {  	v41 =	vld [tilespmem:s25+$0xFFFFFF10];
	v28 =	vmul.f32 v13, v28  }
0x140: {  	v21 =	vmul.f32 v14, v21;
	v22 =	vadd.f32 v23, v22;
	v23 =	vsub.f32 v29, v25  }
0x141: {  	v26 =	vadd.f32 v28, v26;
	v27 =	vsub.f32 v27, v24  }
0x142: {  	v33 =	vld [tilespmem:s6+$0x40];
	v20 =	vadd.f32 v21, v20  }
0x143: {  	v34 =	vld [tilespmem:s12+$0x40];
	v23 =	vmul.f32 v11, v23;
	v26 =	vsub.f32 v26, v22;
	v27 =	vmul.f32 v11, v27  }
0x144: {  	v37 =	vld [tilespmem:s19+$0xFFFFFF40];
	v30 =	vsub.f32 v39, v19;
	v32 =	vsub.f32 v41, v40  }
0x145: {  	v49 =	vld [tilespmem:s6+$0xFFFFFF40];
	[tilespmem:s28+$0x70] =	vst v20;
	v20 =	vadd.f32 v23, v25;
	v23 =	vmul.f32 v12, v26;
	v24 =	vadd.f32 v27, v24  }
0x146: {  	v25 =	vmul.f32 v9, v30;
	v26 =	vld [tilespmem:s20+$0xA0]  }
0x147: {  	v42 =	vmul.f32 v9, v32;
	v27 =	vld [tilespmem:s21+$0xA0];
	v22 =	vadd.f32 v23, v22;
	v23 =	vsub.f32 v24, v20  }
0x148: {  	v19 =	vadd.f32 v25, v19;
	v25 =	vld [tilespmem:s25+$0xA0]  }
0x149: {  	v30 =	vadd.f32 v42, v40;
	v24 =	vld [tilespmem:s24+$0xA0];
	[tilespmem:s28+$0xFFFFFFB0] =	vst v22;
	v22 =	vmul.f32 v8, v23  }
0x14a: {  	v23 =	vld [tilespmem:s20+$0xFFFFFFA0]  }
0x14b: {  	v30 =	vsub.f32 v30, v19;
	v43 =	vld [tilespmem:s21+$0xFFFFFFA0];
	v20 =	vadd.f32 v22, v20  }
0x14c: {  	v44 =	vld [tilespmem:s25+$0xFFFFFFA0]  }
0x14d: {  	v27 =	vsub.f32 v27, v26;
	v30 =	vmul.f32 v7, v30;
	v22 =	vld [tilespmem:s24+$0xFFFFFFA0];
	[tilespmem:s28+$0x10] =	vst v20  }
0x14e: {  	v20 =	vsub.f32 v25, v24;
	v25 =	vld [tilespmem:s20+$0x20]  }
0x14f: {  	v27 =	vmul.f32 v10, v27;
	v19 =	vadd.f32 v30, v19;
	v45 =	vld [tilespmem:s21+$0x20]  }
0x150: {  	v35 =	vld [tilespmem:s24+$0x20];
	v20 =	vmul.f32 v10, v20  }
0x151: {  	v26 =	vadd.f32 v27, v26;
	[tilespmem:s28+$0xFFFFFF50] =	vst v19;
	v19 =	vsub.f32 v43, v23;
	v27 =	vld [tilespmem:s25+$0x20]  }
0x152: {  	v47 =	vld [tilespmem:s21+$0xFFFFFF20];
	v46 =	vsub.f32 v44, v22;
	v20 =	vadd.f32 v20, v24  }
0x153: {  	v36 =	vld [tilespmem:s24+$0xFFFFFF20];
	v19 =	vmul.f32 v13, v19  }
0x154: {  	v24 =	vld [tilespmem:s20+$0xFFFFFF20];
	v31 =	vmul.f32 v13, v46;
	v20 =	vsub.f32 v20, v26  }
0x155: {  	v48 =	vld [tilespmem:s25+$0xFFFFFF20];
	v23 =	vadd.f32 v19, v23;
	v19 =	vsub.f32 v45, v25  }
0x156: {  	v61 =	vld [tilespmem:s6+$0xFFFFFFD0];
	v27 =	vsub.f32 v27, v35;
	v22 =	vadd.f32 v31, v22;
	v20 =	vmul.f32 v14, v20  }
0x157: {  	v29 =	vld [tilespmem:s15+$0x40];
	v38 =	vmul.f32 v11, v19  }
0x158: {  	v28 =	vld [tilespmem:s19+$0x40];
	v27 =	vmul.f32 v11, v27;
	v22 =	vsub.f32 v22, v23;
	v26 =	vadd.f32 v20, v26  }
0x159: {  	v39 =	vld [tilespmem:s12+$0xFFFFFF40];
	v32 =	vsub.f32 v47, v24;
	v25 =	vadd.f32 v38, v25  }
0x15a: {  	v21 =	vld [tilespmem:s15+$0xFFFFFF40];
	v27 =	vadd.f32 v27, v35;
	v22 =	vmul.f32 v12, v22;
	[tilespmem:s28+$0x80] =	vst v26;
	v26 =	vsub.f32 v48, v36  }
0x15b: {  	v32 =	vmul.f32 v9, v32;
	v50 =	vld [tilespmem:s20+$0xB0]  }
0x15c: {  	v27 =	vsub.f32 v27, v25;
	v51 =	vld [tilespmem:s21+$0xB0];
	v22 =	vadd.f32 v22, v23;
	v26 =	vmul.f32 v9, v26  }
0x15d: {  	v23 =	vsub.f32 v28, v29;
	v28 =	vld [tilespmem:s24+$0xB0]  }
0x15e: {  	v52 =	vld [tilespmem:s25+$0xB0];
	v24 =	vadd.f32 v32, v24;
	v27 =	vmul.f32 v8, v27;
	[tilespmem:s28+$0xFFFFFFC0] =	vst v22;
	v26 =	vadd.f32 v26, v36  }
0x15f: {  	v22 =	vsub.f32 v34, v33;
	v53 =	vld [tilespmem:s20+$0xFFFFFFB0]  }
0x160: {  	v23 =	vmul.f32 v6, v23;
	v25 =	vadd.f32 v27, v25;
	v27 =	vld [tilespmem:s21+$0xFFFFFFB0];
	v26 =	vsub.f32 v26, v24  }
0x161: {  	v54 =	vld [tilespmem:s24+$0xFFFFFFB0];
	v22 =	vmul.f32 v6, v22  }
0x162: {  	v23 =	vadd.f32 v23, v29;
	v29 =	vsub.f32 v51, v50;
	[tilespmem:s28+$0x20] =	vst v25;
	v25 =	vmul.f32 v7, v26;
	v26 =	vld [tilespmem:s25+$0xFFFFFFB0]  }
0x163: {  	v55 =	vsub.f32 v52, v28;
	v22 =	vadd.f32 v22, v33;
	v56 =	vld [tilespmem:s20+$0x30]  }
0x164: {  	v57 =	vld [tilespmem:s24+$0x30];
	v29 =	vmul.f32 v10, v29;
	v24 =	vadd.f32 v25, v24  }
0x165: {  	v33 =	vmul.f32 v10, v55;
	v22 =	vsub.f32 v22, v23;
	v25 =	vld [tilespmem:s21+$0x30]  }
0x166: {  	v27 =	vsub.f32 v27, v53;
	v29 =	vadd.f32 v29, v50;
	[tilespmem:s28+$0xFFFFFF60] =	vst v24;
	v24 =	vld [tilespmem:s25+$0x30]  }
0x167: {  	v28 =	vadd.f32 v33, v28;
	v22 =	vmul.f32 v2, v22;
	v58 =	vld [tilespmem:s20+$0xFFFFFF30];
	v26 =	vsub.f32 v26, v54  }
0x168: {  	v27 =	vmul.f32 v13, v27;
	v59 =	vld [tilespmem:s21+$0xFFFFFF30]  }
0x169: {  	v22 =	vadd.f32 v22, v23;
	v23 =	vsub.f32 v28, v29;
	v28 =	vld [tilespmem:s24+$0xFFFFFF30];
	v26 =	vmul.f32 v13, v26  }
0x16a: {  	v27 =	vadd.f32 v27, v53;
	v60 =	vld [tilespmem:s25+$0xFFFFFF30];
	v25 =	vsub.f32 v25, v56  }
0x16b: {  	v19 =	vld [tilespmem:s15+$0xFFFFFFD0];
	v23 =	vmul.f32 v14, v23;
	v26 =	vadd.f32 v26, v54;
	v24 =	vsub.f32 v24, v57  }
0x16c: {  	v20 =	vld [tilespmem:s19+$0xFFFFFFD0];
	v25 =	vmul.f32 v11, v25  }
0x16d: {  	[tilespmem:s26+$0x40] =	vst v22;
	v22 =	vld [tilespmem:s12+$0xFFFFFFD0];
	v23 =	vadd.f32 v23, v29;
	v24 =	vmul.f32 v11, v24;
	v26 =	vsub.f32 v26, v27  }
0x16e: {  	v62 =	vld [tilespmem:s15+$0x50];
	v33 =	vsub.f32 v59, v58;
	v25 =	vadd.f32 v25, v56  }
0x16f: {  	v63 =	vld [tilespmem:s6+$0x50];
	[tilespmem:s28+$0x90] =	vst v23;
	v23 =	vadd.f32 v24, v57;
	v24 =	vmul.f32 v12, v26;
	v26 =	vsub.f32 v60, v28  }
0x170: {  	v42 =	vld [tilespmem:s20+$0xC0];
	v33 =	vmul.f32 v9, v33  }
0x171: {  	v44 =	vld [tilespmem:s24+$0xC0];
	v23 =	vsub.f32 v23, v25;
	v24 =	vadd.f32 v24, v27;
	v26 =	vmul.f32 v9, v26  }
0x172: {  	v45 =	vld [tilespmem:s25+$0xC0]  }
0x173: {  	v43 =	vld [tilespmem:s21+$0xC0];
	v30 =	vadd.f32 v33, v58;
	v23 =	vmul.f32 v8, v23;
	[tilespmem:s28+$0xFFFFFFD0] =	vst v24;
	v24 =	vadd.f32 v26, v28  }
0x174: {  	v27 =	vsub.f32 v37, v21;
	v26 =	vsub.f32 v39, v49;
	v28 =	vld [tilespmem:s20+$0xFFFFFFC0]  }
0x175: {  	v46 =	vld [tilespmem:s24+$0xFFFFFFC0];
	v23 =	vadd.f32 v23, v25;
	v24 =	vsub.f32 v24, v30  }
0x176: {  	v27 =	vmul.f32 v0, v27;
	v25 =	vld [tilespmem:s21+$0xFFFFFFC0]  }
0x177: {  	v47 =	vsub.f32 v45, v44;
	v26 =	vmul.f32 v0, v26;
	[tilespmem:s28+$0x30] =	vst v23;
	v23 =	vld [tilespmem:s25+$0xFFFFFFC0];
	v24 =	vmul.f32 v7, v24  }
0x178: {  	v21 =	vadd.f32 v27, v21;
	v27 =	vsub.f32 v43, v42;
	v48 =	vld [tilespmem:s20+$0x40]  }
0x179: {  	v26 =	vadd.f32 v26, v49;
	v49 =	vld [tilespmem:s21+$0x40];
	v24 =	vadd.f32 v24, v30  }
0x17a: {  	v31 =	vmul.f32 v10, v47;
	v50 =	vld [tilespmem:s24+$0x40]  }
0x17b: {  	v27 =	vmul.f32 v10, v27;
	v26 =	vsub.f32 v26, v21;
	[tilespmem:s28+$0xFFFFFF70] =	vst v24;
	v24 =	vld [tilespmem:s25+$0x40]  }
0x17c: {  	v31 =	vadd.f32 v31, v44;
	v25 =	vsub.f32 v25, v28;
	v51 =	vld [tilespmem:s20+$0xFFFFFF40]  }
0x17d: {  	v27 =	vadd.f32 v27, v42;
	v26 =	vmul.f32 v1, v26;
	v23 =	vsub.f32 v23, v46;
	v52 =	vld [tilespmem:s21+$0xFFFFFF40]  }
0x17e: {  	v15 =	vadd.f32 v18, v15;
	v16 =	vadd.f32 v17, v16;
	v25 =	vmul.f32 v13, v25;
	v53 =	vld [tilespmem:s24+$0xFFFFFF40]  }
0x17f: {  	v54 =	vld [tilespmem:s25+$0xFFFFFF40];
	v21 =	vadd.f32 v26, v21;
	v26 =	vsub.f32 v31, v27;
	v23 =	vmul.f32 v13, v23  }
0x180: {  	v29 =	vld [tilespmem:s19+$0x50];
	v25 =	vadd.f32 v25, v28;
	v28 =	vsub.f32 v49, v48  }
0x181: {  	[tilespmem:s26+$0xFFFFFF80] =	vst v21;
	v21 =	vld [tilespmem:s12+$0x50];
	v26 =	vmul.f32 v14, v26;
	v23 =	vadd.f32 v23, v46;
	v24 =	vsub.f32 v24, v50  }
0x182: {  	v16 =	vsub.f32 v16, v15;
	v55 =	vld [tilespmem:s15+$0xFFFFFF50];
	v28 =	vmul.f32 v11, v28  }
0x183: {  	v56 =	vld [tilespmem:s6+$0xFFFFFF50];
	v26 =	vadd.f32 v26, v27;
	v23 =	vsub.f32 v23, v25;
	v24 =	vmul.f32 v11, v24  }
0x184: {  	v27 =	vld [tilespmem:s19+$0xFFFFFF50];
	v37 =	vsub.f32 v52, v51;
	v30 =	vsub.f32 v54, v53  }
0x185: {  	v28 =	vadd.f32 v28, v48;
	[tilespmem:s28+$0xA0] =	vst v26;
	v26 =	vld [tilespmem:s12+$0xFFFFFF50];
	v24 =	vadd.f32 v24, v50;
	v23 =	vmul.f32 v12, v23  }
0x186: {  	v4 =	vmul.f32 v4, v16;
	v20 =	vsub.f32 v20, v19;
	v18 =	vmul.f32 v9, v37;
	v17 =	vld [tilespmem:s20+$0xD0]  }
0x187: {  	v30 =	vmul.f32 v9, v30;
	v57 =	vld [tilespmem:s24+$0xD0];
	v23 =	vadd.f32 v23, v25;
	v24 =	vsub.f32 v24, v28  }
0x188: {  	v4 =	vadd.f32 v4, v15;
	v20 =	vmul.f32 v3, v20;
	v16 =	vsub.f32 v22, v61;
	v58 =	vld [tilespmem:s25+$0xD0]  }
0x189: {  	v18 =	vadd.f32 v18, v51;
	v25 =	vld [tilespmem:s21+$0xD0];
	[tilespmem:s28+$0xFFFFFFE0] =	vst v23;
	v23 =	vadd.f32 v30, v53;
	v24 =	vmul.f32 v8, v24  }
0x18a: {  	v19 =	vadd.f32 v20, v19;
	v3 =	vmul.f32 v3, v16;
	v15 =	vsub.f32 v29, v62;
	v22 =	vld [tilespmem:s20+$0xFFFFFFD0]  }
0x18b: {  	v16 =	vld [tilespmem:s24+$0xFFFFFFD0];
	v24 =	vadd.f32 v24, v28;
	v23 =	vsub.f32 v23, v18  }
0x18c: {  	v3 =	vadd.f32 v3, v61;
	v20 =	vsub.f32 v21, v63;
	v21 =	vld [tilespmem:s25+$0xFFFFFFD0]  }
0x18d: {  	v28 =	vld [tilespmem:s21+$0xFFFFFFD0];
	[tilespmem:s28+$0x40] =	vst v24;
	v23 =	vmul.f32 v7, v23  }
0x18e: {  	v15 =	vmul.f32 v6, v15;
	v3 =	vsub.f32 v3, v19;
	v24 =	vsub.f32 v27, v55;
	v27 =	vld [tilespmem:s20+$0x50]  }
0x18f: {  	v6 =	vmul.f32 v6, v20;
	v20 =	vsub.f32 v26, v56;
	v26 =	vld [tilespmem:s24+$0x50];
	v18 =	vadd.f32 v23, v18  }
0x190: {  	v3 =	vmul.f32 v5, v3;
	v5 =	vsub.f32 v25, v17;
	v23 =	vld [tilespmem:s21+$0x50]  }
0x191: {  	v15 =	vadd.f32 v15, v62;
	[tilespmem:s28+$0xFFFFFF80] =	vst v18;
	v18 =	vld [tilespmem:s25+$0x50]  }
0x192: {  	v3 =	vadd.f32 v3, v19;
	v6 =	vadd.f32 v6, v63;
	v5 =	vmul.f32 v10, v5;
	v25 =	vld [tilespmem:s20+$0xFFFFFF50]  }
0x193: {  	v24 =	vmul.f32 v0, v24;
	v0 =	vmul.f32 v0, v20;
	v20 =	vsub.f32 v58, v57;
	v29 =	vld [tilespmem:s21+$0xFFFFFF50]  }
0x194: {  	v5 =	vadd.f32 v5, v17;
	v17 =	vsub.f32 v28, v22;
	v19 =	vld [tilespmem:s24+$0xFFFFFF50]  }
0x195: {  	v21 =	vsub.f32 v21, v16;
	v10 =	vmul.f32 v10, v20;
	v20 =	vld [tilespmem:s25+$0xFFFFFF50]  }
0x196: {  	v6 =	vsub.f32 v6, v15;
	v24 =	vadd.f32 v24, v55;
	v17 =	vmul.f32 v13, v17  }
0x197: {  	v0 =	vadd.f32 v0, v56;
	v13 =	vmul.f32 v13, v21;
	v10 =	vadd.f32 v10, v57  }
0x198: {  	v23 =	vsub.f32 v23, v27;
	v17 =	vadd.f32 v17, v22  }
0x199: {  	v2 =	vmul.f32 v2, v6;
	v13 =	vadd.f32 v13, v16;
	v18 =	vsub.f32 v18, v26  }
0x19a: {  	v21 =	vmul.f32 v11, v23;
	v23 =	vsub.f32 v29, v25;
	v20 =	vsub.f32 v20, v19  }
0x19b: {  	v0 =	vsub.f32 v0, v24;
	v10 =	vsub.f32 v10, v5;
	v11 =	vmul.f32 v11, v18  }
0x19c: {  	v6 =	vsub.f32 v13, v17;
	v18 =	vmul.f32 v9, v23;
	v9 =	vmul.f32 v9, v20  }
0x19d: {  	v16 =	vadd.f32 v21, v27;
	v11 =	vadd.f32 v11, v26  }
0x19e: {  	v0 =	vmul.f32 v1, v0;
	v1 =	vadd.f32 v18, v25;
	v9 =	vadd.f32 v9, v19  }
0x19f: {  	[tilespmem:s26+$0xB0] =	vst v4;
	v2 =	vadd.f32 v2, v15;
	v4 =	vmul.f32 v14, v10;
	v10 =	vsub.f32 v11, v16  }
0x1a0: {  	[tilespmem:s26+$0xFFFFFFF0] =	vst v3;
	v0 =	vadd.f32 v0, v24;
	v3 =	vmul.f32 v12, v6;
	v6 =	vsub.f32 v9, v1  }
0x1a1: {  	[tilespmem:s26+$0x50] =	vst v2;
	v2 =	vadd.f32 v4, v5;
	v4 =	vmul.f32 v8, v10  }
0x1a2: {  	s12 =	smul.u32 $0xC0, s8;
	[tilespmem:s26+$0xFFFFFF90] =	vst v0;
	v0 =	vadd.f32 v3, v17;
	v3 =	vmul.f32 v7, v6  }
0x1a3: {  	[tilespmem:s28+$0xB0] =	vst v2;
	v2 =	vadd.f32 v4, v16  }
0x1a4: {  	s21 =	sadd.s32 s4, s12;
	[tilespmem:s28+$0xFFFFFFF0] =	vst v0;
	v0 =	vadd.f32 v3, v1  }
0x1a5: {  	s6 =	sshll.u32 s21, $0x4;
	[tilespmem:s28+$0x50] =	vst v2  }
0x1a6: {  	p1 =	seq.s32 s8, $0x5F;
	s6 =	sadd.s32 s7, s6;
	[tilespmem:s28+$0xFFFFFF90] =	vst v0  }
0x1a7: {  	[hbm4b:s6+s13] =	stream.strided.scatter [tilespmem:s16], [sflag:$0x5], $0x2400, s0, s13, $0x38;
	[tilespmem:$0x1CC80] =	vst v63  }
0x1a8: {  	s6 =	sadd.s32 @!p1 s12, s9  }
0x1a9: {  	s15 =	simm.s32 @!p1 $0x60;
	s6 =	sshrl.u32 @!p1 s6, $0x3  }
0x1aa: {  	s19 =	simm.s32 @!p1 $0x90000;
	s20 =	simm.s32 @!p1 $0x0;
	s6 =	sadd.s32 @!p1 s2, s6  }
0x1ab: {  	[tilespmem:s20], [sflag:$0x1] =	stream.strided.gather @!p1 [hbm4b:s6+s15], $0x240, s19, s15, $0x38;
	[tilespmem:$0x1CC80] =	vst v63  }
0x1ac: {  	s6 =	simm.s32 @!p1 $0x1  }
0x1ad: {  	_ =	swait.ge @!p1 [sflag:s6], $0x240  }
0x1ae: {  	[sflag:s6] =	ssyncset.done @!p1 $0x0  }
0x1af: {  	[sflag:s6] =	ssyncadd.s32 @!p1 $0xFFFFFDC0;
	s6 =	simm.s32 @!p1 $0x480  }
0x1b0: {  	[tilespmem:s6], [sflag:$0x3] =	stream.indirect.gather @!p1 [hbm4b:s5+s15], $0x80, s20, s15, $0xb8;
	[tilespmem:$0x1CC80] =	vst v63  }
0x1b1: {  	s6 =	simm.s32 @!p1 $0x3480  }
0x1b2: {  	[tilespmem:s6], [sflag:$0x3] =	stream.indirect.gather @!p1 [hbm4b:s5+s15], $0x80, s15, s15, $0xb8;
	[tilespmem:$0x1CC80] =	vst v63  }
0x1b3: {  	s19 =	simm.s32 @!p1 $0x6480;
	s6 =	simm.s32 @!p1 $0xC0  }
0x1b4: {  	[tilespmem:s19], [sflag:$0x3] =	stream.indirect.gather @!p1 [hbm4b:s5+s15], $0x80, s6, s15, $0xb8;
	[tilespmem:$0x1CC80] =	vst v63  }
0x1b5: {  	s6 =	simm.s32 @!p1 $0x120;
	s19 =	simm.s32 @!p1 $0x9480  }
0x1b6: {  	[tilespmem:s19], [sflag:$0x3] =	stream.indirect.gather @!p1 [hbm4b:s5+s15], $0x80, s6, s15, $0xb8;
	[tilespmem:$0x1CC80] =	vst v63  }
0x1b7: {  	_ =	swait.ge [sflag:s17], $0x3000  }
0x1b8: {  	[sflag:s17] =	ssyncset.done $0x0  }
0x1b9: {  	[sflag:s17] =	ssyncadd.s32 $0xFFFFD000  }
0x1ba: {  	_ =	swait.ge [sflag:s17], $0x3000  }
0x1bb: {  	[sflag:s17] =	ssyncset.done $0x0  }
0x1bc: {  	[sflag:s17] =	ssyncadd.s32 $0xFFFFD000  }
0x1bd: {  	_ =	swait.ge [sflag:s17], $0x3000  }
0x1be: {  	s24 =	simm.s32 $0x0;
	[sflag:s17] =	ssyncset.done $0x0  }
0x1bf: {  	s25 =	simm.s32 $0x1;
	v0 =	vmov s24;
	[sflag:s17] =	ssyncadd.s32 $0xFFFFD000  }
0x1c0: {  	v1 =	vand.u32 $0x7C, v0;
	v0 =	vmov s25;
	_ =	swait.ge [sflag:s17], $0x3000  }
0x1c1: {  	v2 =	vor.u32 $0x180, v1;
	v5 =	vand.u32 $0x7D, v0;
	[sflag:s17] =	ssyncset.done $0x0  }
0x1c2: {  	v3 =	vor.u32 $0x180, v5;
	s6 =	simm.s32 @!p0 $0x6;
	[sflag:s17] =	ssyncadd.s32 $0xFFFFD000  }
0x1c3: {  	_ =	swait.ge @!p0 [sflag:s6], $0x2400  }
0x1c4: {  	[sflag:s6] =	ssyncset.done @!p0 $0x0  }
0x1c5: {  	[sflag:s6] =	ssyncadd.s32 @!p0 $0xFFFFDC00  }
0x1c6: {  	s26 =	simm.s32 $0x3;
	v0 =	vld.idx.msk [tilespmem:v2+s22+$0x0], $0xffff  }
0x1c7: {  	v4 =	vmov s26;
	s19 =	simm.s32 $0xC580;
	v3 =	vld.idx.msk [tilespmem:v3+s22+$0x0], $0xffff  }
0x1c8: {  	s20 =	simm.s32 $0xF580;
	v2 =	vand.u32 $0x7F, v4;
	v6 =	vld [tilespmem:s19+$0x80]  }
0x1c9: {  	s15 =	simm.s32 $0x12580;
	v7 =	vld [tilespmem:s20+$0x80];
	v4 =	vor.u32 $0x180, v2  }
0x1ca: {  	s6 =	simm.s32 $0x15580;
	v8 =	vld [tilespmem:s15+$0x80]  }
0x1cb: {  	v9 =	vld [tilespmem:s6+$0x80]  }
0x1cc: {  	v10 =	vld [tilespmem:s19+$0xFFFFFF00]  }
0x1cd: {  	v11 =	vld [tilespmem:s20+$0xFFFFFF00]  }
0x1ce: {  	v2 =	vadd.s32 $0x1E0, v2;
	v17 =	vld.idx.msk [tilespmem:v4+s22+$0x0], $0xffff  }
0x1cf: {  	v12 =	vld [tilespmem:s15+$0xFFFFFF00]  }
0x1d0: {  	v13 =	vld [tilespmem:s6+$0xFFFFFF00]  }
0x1d1: {  	v14 =	vld [tilespmem:s19+$0xFFFFFF80];
	v7 =	vsub.f32 v7, v6;
	v9 =	vsub.f32 v9, v8  }
0x1d2: {  	s31 =	simm.s32 $0x2;
	v16 =	vld [tilespmem:s15+$0xFFFFFF80]  }
0x1d3: {  	v15 =	vmov s31;
	v4 =	vld.idx.msk [tilespmem:v2+s22+$0x0], $0xffff;
	v2 =	vmul.f32 v17, v7;
	v7 =	vmul.f32 v17, v9  }
0x1d4: {  	v15 =	vand.u32 $0x7E, v15;
	v9 =	vld [tilespmem:s20+$0xFFFFFF80]  }
0x1d5: {  	v1 =	vadd.s32 $0x1E0, v1;
	v2 =	vadd.f32 v2, v6;
	v6 =	vadd.f32 v7, v8;
	v7 =	vld [tilespmem:s6+$0xFFFFFF80]  }
0x1d6: {  	v18 =	vld [tilespmem:s19+$0x0];
	v8 =	vor.u32 $0x180, v15  }
0x1d7: {  	v5 =	vadd.s32 $0x1E0, v5;
	v19 =	vld [tilespmem:s20+$0x0];
	v6 =	vsub.f32 v6, v2  }
0x1d8: {  	v20 =	vld [tilespmem:s15+$0x0];
	v11 =	vsub.f32 v11, v10;
	v13 =	vsub.f32 v13, v12;
	v15 =	vadd.s32 $0x1E0, v15  }
0x1d9: {  	v22 =	vld [tilespmem:s6+$0x0];
	v9 =	vsub.f32 v9, v14;
	v21 =	vmul.f32 v4, v6  }
0x1da: {  	v1 =	vld.idx.msk [tilespmem:v1+s22+$0x0], $0xffff;
	v11 =	vmul.f32 v0, v11;
	v13 =	vmul.f32 v0, v13;
	v7 =	vsub.f32 v7, v16  }
0x1db: {  	v6 =	vld.idx.msk [tilespmem:v8+s22+$0x0], $0xffff;
	v8 =	vmul.f32 v3, v9;
	v9 =	vadd.f32 v21, v2  }
0x1dc: {  	s29 =	simm.s32 $0x1A940;
	v5 =	vld.idx.msk [tilespmem:v5+s22+$0x0], $0xffff;
	v10 =	vadd.f32 v11, v10;
	v11 =	vadd.f32 v13, v12;
	v7 =	vmul.f32 v3, v7  }
0x1dd: {  	v12 =	vsub.f32 v19, v18;
	v2 =	vld.idx.msk [tilespmem:v15+s22+$0x0], $0xffff;
	v8 =	vadd.f32 v8, v14;
	[tilespmem:s29+$0x60] =	vst v9  }
0x1de: {  	v9 =	vsub.f32 v22, v20;
	v7 =	vadd.f32 v7, v16;
	v13 =	vld [tilespmem:s19+$0x90]  }
0x1df: {  	v11 =	vsub.f32 v11, v10;
	v14 =	vld [tilespmem:s20+$0x90]  }
0x1e0: {  	v15 =	vld [tilespmem:s15+$0x90];
	v12 =	vmul.f32 v6, v12;
	v9 =	vmul.f32 v6, v9;
	v7 =	vsub.f32 v7, v8  }
0x1e1: {  	v11 =	vmul.f32 v1, v11;
	v16 =	vld [tilespmem:s6+$0x90]  }
0x1e2: {  	v12 =	vadd.f32 v12, v18;
	v9 =	vadd.f32 v9, v20;
	v7 =	vmul.f32 v5, v7  }
0x1e3: {  	v10 =	vadd.f32 v11, v10  }
0x1e4: {  	v7 =	vadd.f32 v7, v8;
	v8 =	vsub.f32 v9, v12  }
0x1e5: {  	[tilespmem:s29+$0xFFFFFF40] =	vst v10  }
0x1e6: {  	v19 =	vld [tilespmem:s20+$0xFFFFFF10];
	v10 =	vsub.f32 v16, v15;
	[tilespmem:s29+$0xFFFFFFA0] =	vst v7;
	v7 =	vmul.f32 v2, v8;
	v8 =	vsub.f32 v14, v13  }
0x1e7: {  	v11 =	vld [tilespmem:s19+$0xFFFFFF90]  }
0x1e8: {  	v10 =	vmul.f32 v17, v10;
	v14 =	vld [tilespmem:s20+$0xFFFFFF90];
	v7 =	vadd.f32 v7, v12;
	v8 =	vmul.f32 v17, v8  }
0x1e9: {  	v16 =	vld [tilespmem:s6+$0xFFFFFF90]  }
0x1ea: {  	v12 =	vld [tilespmem:s15+$0xFFFFFF90];
	[tilespmem:s29+$0x0] =	vst v7;
	v7 =	vadd.f32 v8, v13;
	v8 =	vadd.f32 v10, v15  }
0x1eb: {  	v10 =	vld [tilespmem:s19+$0x10]  }
0x1ec: {  	v13 =	vld [tilespmem:s20+$0x10];
	v8 =	vsub.f32 v8, v7  }
0x1ed: {  	v15 =	vld [tilespmem:s15+$0x10]  }
0x1ee: {  	v18 =	vld [tilespmem:s6+$0x10];
	v14 =	vsub.f32 v14, v11;
	v8 =	vmul.f32 v4, v8  }
0x1ef: {  	v20 =	vld [tilespmem:s15+$0xFFFFFF10];
	v16 =	vsub.f32 v16, v12  }
0x1f0: {  	v9 =	vld [tilespmem:s19+$0xFFFFFF10];
	v14 =	vmul.f32 v3, v14;
	v7 =	vadd.f32 v8, v7  }
0x1f1: {  	v16 =	vmul.f32 v3, v16;
	v8 =	vld [tilespmem:s6+$0xFFFFFF10]  }
0x1f2: {  	v11 =	vadd.f32 v14, v11;
	v13 =	vsub.f32 v13, v10;
	[tilespmem:s29+$0x70] =	vst v7  }
0x1f3: {  	v7 =	vadd.f32 v16, v12;
	v12 =	vsub.f32 v18, v15;
	v14 =	vld [tilespmem:s19+$0xA0]  }
0x1f4: {  	v16 =	vld [tilespmem:s20+$0xA0]  }
0x1f5: {  	v13 =	vmul.f32 v6, v13;
	v18 =	vld [tilespmem:s15+$0xA0];
	v7 =	vsub.f32 v7, v11;
	v12 =	vmul.f32 v6, v12  }
0x1f6: {  	v19 =	vsub.f32 v19, v9;
	v21 =	vld [tilespmem:s6+$0xA0];
	v8 =	vsub.f32 v8, v20  }
0x1f7: {  	v10 =	vadd.f32 v13, v10;
	v7 =	vmul.f32 v5, v7;
	v12 =	vadd.f32 v12, v15  }
0x1f8: {  	v13 =	vmul.f32 v0, v19;
	v8 =	vmul.f32 v0, v8  }
0x1f9: {  	v7 =	vadd.f32 v7, v11;
	v11 =	vsub.f32 v12, v10  }
0x1fa: {  	v9 =	vadd.f32 v13, v9;
	v8 =	vadd.f32 v8, v20  }
0x1fb: {  	v12 =	vsub.f32 v21, v18;
	[tilespmem:s29+$0xFFFFFFB0] =	vst v7;
	v7 =	vmul.f32 v2, v11;
	v11 =	vsub.f32 v16, v14  }
0x1fc: {  	v8 =	vsub.f32 v8, v9;
	v13 =	vld [tilespmem:s19+$0xFFFFFFA0]  }
0x1fd: {  	v15 =	vld [tilespmem:s20+$0xFFFFFFA0];
	v7 =	vadd.f32 v7, v10;
	v10 =	vmul.f32 v17, v11;
	v11 =	vmul.f32 v17, v12  }
0x1fe: {  	v16 =	vld [tilespmem:s6+$0xFFFFFFA0]  }
0x1ff: {  	v12 =	vld [tilespmem:s15+$0xFFFFFFA0];
	v8 =	vmul.f32 v1, v8;
	[tilespmem:s29+$0x10] =	vst v7;
	v7 =	vadd.f32 v10, v14;
	v10 =	vadd.f32 v11, v18  }
0x200: {  	v11 =	vld [tilespmem:s19+$0x20]  }
0x201: {  	v8 =	vadd.f32 v8, v9;
	v9 =	vld [tilespmem:s20+$0x20];
	v10 =	vsub.f32 v10, v7  }
0x202: {  	v14 =	vld [tilespmem:s15+$0x20]  }
0x203: {  	[tilespmem:s29+$0xFFFFFF50] =	vst v8;
	v8 =	vld [tilespmem:s6+$0x20];
	v10 =	vmul.f32 v4, v10  }
0x204: {  	v15 =	vsub.f32 v15, v13;
	v18 =	vld [tilespmem:s19+$0xFFFFFF20]  }
0x205: {  	v16 =	vsub.f32 v16, v12;
	v19 =	vld [tilespmem:s20+$0xFFFFFF20];
	v7 =	vadd.f32 v10, v7  }
0x206: {  	v20 =	vld [tilespmem:s6+$0xFFFFFF20];
	v10 =	vmul.f32 v3, v15  }
0x207: {  	v16 =	vmul.f32 v3, v16;
	v15 =	vld [tilespmem:s15+$0xFFFFFF20];
	[tilespmem:s29+$0x80] =	vst v7  }
0x208: {  	v7 =	vadd.f32 v10, v13;
	v10 =	vld [tilespmem:s19+$0xB0]  }
0x209: {  	v12 =	vadd.f32 v16, v12;
	v13 =	vld [tilespmem:s20+$0xB0]  }
0x20a: {  	v9 =	vsub.f32 v9, v11;
	v16 =	vld [tilespmem:s15+$0xB0]  }
0x20b: {  	v8 =	vsub.f32 v8, v14;
	v21 =	vld [tilespmem:s6+$0xB0];
	v12 =	vsub.f32 v12, v7  }
0x20c: {  	v9 =	vmul.f32 v6, v9  }
0x20d: {  	v19 =	vsub.f32 v19, v18;
	v8 =	vmul.f32 v6, v8;
	v12 =	vmul.f32 v5, v12  }
0x20e: {  	v9 =	vadd.f32 v9, v11;
	v11 =	vsub.f32 v20, v15  }
0x20f: {  	v8 =	vadd.f32 v8, v14;
	v7 =	vadd.f32 v12, v7  }
0x210: {  	v12 =	vsub.f32 v13, v10;
	v13 =	vsub.f32 v21, v16  }
0x211: {  	v14 =	vmul.f32 v0, v19;
	v11 =	vmul.f32 v0, v11;
	v8 =	vsub.f32 v8, v9  }
0x212: {  	s21 =	simm.s32 $0xC780;
	[tilespmem:s29+$0xFFFFFFC0] =	vst v7;
	v7 =	vmul.f32 v17, v12;
	v12 =	vmul.f32 v17, v13  }
0x213: {  	v59 =	vld [tilespmem:s21+$0x80];
	v14 =	vadd.f32 v14, v18;
	v11 =	vadd.f32 v11, v15;
	v8 =	vmul.f32 v2, v8  }
0x214: {  	v13 =	vld [tilespmem:s19+$0xFFFFFFB0];
	v7 =	vadd.f32 v7, v10;
	v10 =	vadd.f32 v12, v16  }
0x215: {  	v8 =	vadd.f32 v8, v9;
	v9 =	vsub.f32 v11, v14;
	v11 =	vld [tilespmem:s20+$0xFFFFFFB0]  }
0x216: {  	v12 =	vld [tilespmem:s15+$0xFFFFFFB0];
	v10 =	vsub.f32 v10, v7  }
0x217: {  	[tilespmem:s29+$0x20] =	vst v8;
	v8 =	vmul.f32 v1, v9;
	v9 =	vld [tilespmem:s6+$0xFFFFFFB0]  }
0x218: {  	v15 =	vld [tilespmem:s19+$0x30];
	v10 =	vmul.f32 v4, v10  }
0x219: {  	v16 =	vld [tilespmem:s15+$0x30];
	v8 =	vadd.f32 v8, v14  }
0x21a: {  	v18 =	vld [tilespmem:s6+$0x30];
	v7 =	vadd.f32 v10, v7  }
0x21b: {  	s24 =	simm.s32 $0x4;
	v14 =	vld [tilespmem:s20+$0x30];
	[tilespmem:s29+$0xFFFFFF60] =	vst v8  }
0x21c: {  	s25 =	simm.s32 $0x5;
	v8 =	vsub.f32 v11, v13;
	v10 =	vmov s24;
	v19 =	vld [tilespmem:s19+$0xFFFFFF30];
	v9 =	vsub.f32 v9, v12;
	[tilespmem:s29+$0x90] =	vst v7  }
0x21d: {  	v7 =	vand.u32 $0x7C, v10;
	v10 =	vmov s25;
	v21 =	vld [tilespmem:s19+$0xC0]  }
0x21e: {  	s26 =	simm.s32 $0x6;
	v8 =	vmul.f32 v3, v8;
	v22 =	vadd.s32 $0x1E0, v7;
	v9 =	vmul.f32 v3, v9;
	v23 =	vld [tilespmem:s20+$0xC0]  }
0x21f: {  	v11 =	vmov s26;
	v24 =	vor.u32 $0x180, v7;
	v7 =	vand.u32 $0x7D, v10;
	v10 =	vld [tilespmem:s15+$0xC0]  }
0x220: {  	v13 =	vadd.f32 v8, v13;
	v8 =	vadd.f32 v9, v12;
	v9 =	vand.u32 $0x7E, v11;
	v11 =	vld [tilespmem:s6+$0xC0]  }
0x221: {  	v20 =	vld [tilespmem:s20+$0xFFFFFF30];
	v26 =	vadd.s32 $0x1E0, v9  }
0x222: {  	v25 =	vld [tilespmem:s15+$0xFFFFFF30];
	v28 =	vor.u32 $0x180, v7;
	v8 =	vsub.f32 v8, v13  }
0x223: {  	v12 =	vadd.s32 $0x1E0, v7;
	v7 =	vld.idx.msk [tilespmem:v22+s22+$0x0], $0xffff;
	v22 =	vor.u32 $0x180, v9  }
0x224: {  	v27 =	vld [tilespmem:s6+$0xFFFFFF30];
	v29 =	vmul.f32 v5, v8  }
0x225: {  	v9 =	vld.idx.msk [tilespmem:v24+s22+$0x0], $0xffff;
	v23 =	vsub.f32 v23, v21;
	v11 =	vsub.f32 v11, v10  }
0x226: {  	v8 =	vld.idx.msk [tilespmem:v26+s22+$0x0], $0xffff;
	v24 =	vadd.f32 v29, v13  }
0x227: {  	v23 =	vmul.f32 v17, v23;
	v13 =	vld.idx.msk [tilespmem:v28+s22+$0x0], $0xffff;
	v26 =	vmul.f32 v17, v11  }
0x228: {  	v11 =	vld.idx.msk [tilespmem:v22+s22+$0x0], $0xffff;
	[tilespmem:s29+$0xFFFFFFD0] =	vst v24  }
0x229: {  	s31 =	simm.s32 $0x7;
	v21 =	vadd.f32 v23, v21;
	v22 =	vld [tilespmem:s19+$0xFFFFFFC0];
	v10 =	vadd.f32 v26, v10  }
0x22a: {  	v18 =	vsub.f32 v18, v16;
	v23 =	vmov s31;
	v24 =	vld [tilespmem:s20+$0xFFFFFFC0]  }
0x22b: {  	v14 =	vsub.f32 v14, v15;
	v23 =	vand.u32 $0x7F, v23;
	v26 =	vld [tilespmem:s15+$0xFFFFFFC0];
	v10 =	vsub.f32 v10, v21  }
0x22c: {  	s24 =	simm.s32 $0xF780;
	v18 =	vmul.f32 v6, v18;
	v28 =	vor.u32 $0x180, v23;
	v29 =	vld [tilespmem:s6+$0xFFFFFFC0]  }
0x22d: {  	v60 =	vld [tilespmem:s24+$0x80];
	s25 =	simm.s32 $0x12780;
	v14 =	vmul.f32 v6, v14;
	v27 =	vsub.f32 v27, v25;
	v10 =	vmul.f32 v4, v10  }
0x22e: {  	s26 =	simm.s32 $0x15780;
	v61 =	vld [tilespmem:s25+$0x80];
	v20 =	vsub.f32 v20, v19;
	v16 =	vadd.f32 v18, v16  }
0x22f: {  	v14 =	vadd.f32 v14, v15;
	v18 =	vmul.f32 v0, v27;
	v27 =	vld [tilespmem:s26+$0x80];
	v15 =	vadd.f32 v10, v21  }
0x230: {  	v20 =	vmul.f32 v0, v20;
	v12 =	vld.idx.msk [tilespmem:v12+s22+$0x0], $0xffff  }
0x231: {  	v21 =	vsub.f32 v24, v22;
	v10 =	vld.idx.msk [tilespmem:v28+s22+$0x0], $0xffff;
	v24 =	vsub.f32 v29, v26;
	[tilespmem:s29+$0xA0] =	vst v15  }
0x232: {  	v19 =	vadd.f32 v20, v19;
	v18 =	vadd.f32 v18, v25;
	v15 =	vld [tilespmem:s19+$0xD0]  }
0x233: {  	v20 =	vmul.f32 v3, v21;
	v21 =	vmul.f32 v3, v24;
	v24 =	vld [tilespmem:s20+$0xD0]  }
0x234: {  	v25 =	vsub.f32 v16, v14;
	v18 =	vsub.f32 v18, v19;
	v16 =	vld [tilespmem:s15+$0xD0]  }
0x235: {  	v28 =	vadd.s32 $0x1E0, v23;
	v22 =	vadd.f32 v20, v22;
	v20 =	vadd.f32 v21, v26;
	v26 =	vld [tilespmem:s6+$0xD0]  }
0x236: {  	v25 =	vmul.f32 v2, v25;
	v18 =	vmul.f32 v1, v18;
	v29 =	vld [tilespmem:s24+$0xFFFFFF00]  }
0x237: {  	v21 =	vld [tilespmem:s21+$0xFFFFFF00];
	v20 =	vsub.f32 v20, v22  }
0x238: {  	v14 =	vadd.f32 v25, v14;
	v18 =	vadd.f32 v18, v19;
	v19 =	vld [tilespmem:s25+$0xFFFFFF00]  }
0x239: {  	v27 =	vsub.f32 v27, v61;
	v25 =	vsub.f32 v60, v59;
	v23 =	vld [tilespmem:s26+$0xFFFFFF00];
	v62 =	vmul.f32 v5, v20  }
0x23a: {  	[tilespmem:s29+$0x30] =	vst v14;
	v14 =	vld.idx.msk [tilespmem:v28+s22+$0x0], $0xffff;
	v24 =	vsub.f32 v24, v15;
	v63 =	vsub.f32 v26, v16  }
0x23b: {  	v28 =	vmul.f32 v10, v25;
	v27 =	vmul.f32 v10, v27;
	v25 =	vld [tilespmem:s24+$0xFFFFFF80];
	v31 =	vadd.f32 v62, v22  }
0x23c: {  	[tilespmem:s29+$0xFFFFFF70] =	vst v18;
	v20 =	vld [tilespmem:s21+$0xFFFFFF80];
	v26 =	vsub.f32 v29, v21;
	v18 =	vmul.f32 v17, v24;
	v17 =	vmul.f32 v17, v63  }
0x23d: {  	s30 =	simm.s32 $0x8;
	s28 =	simm.s32 $0x1A940;
	v27 =	vadd.f32 v27, v61;
	v22 =	vld [tilespmem:s25+$0xFFFFFF80];
	v24 =	vadd.f32 v28, v59;
	[tilespmem:s29+$0xFFFFFFE0] =	vst v31  }
.LBB2_5:
0x23e: {  	p0 =	slt.u32 s30, $0x5C;
	v26 =	vmul.f32 v9, v26;
	v28 =	vld [tilespmem:s26+$0xFFFFFF80];
	v15 =	vadd.f32 v18, v15;
	v16 =	vadd.f32 v17, v16  }
0x23f: {  	v17 =	vsub.f32 v23, v19;
	v18 =	vld [tilespmem:s21+$0x0];
	v23 =	vsub.f32 v27, v24  }
0x240: {  	v21 =	vadd.f32 v26, v21;
	v26 =	vld [tilespmem:s24+$0x0];
	v16 =	vsub.f32 v16, v15  }
0x241: {  	v17 =	vmul.f32 v9, v17;
	v25 =	vsub.f32 v25, v20;
	v27 =	vld [tilespmem:s25+$0x0];
	v23 =	vmul.f32 v14, v23  }
0x242: {  	v29 =	vld [tilespmem:s26+$0x0];
	v16 =	vmul.f32 v4, v16;
	v4 =	vmov v14  }
0x243: {  	v14 =	vmul.f32 v13, v25;
	v25 =	vsub.f32 v28, v22;
	v23 =	vadd.f32 v23, v24;
	v24 =	vld [tilespmem:s19+$0x40]  }
0x244: {  	s29 =	sadd.s32 $0x180, s29;
	v17 =	vadd.f32 v17, v19;
	v19 =	vld [tilespmem:s20+$0x40];
	v15 =	vadd.f32 v16, v15  }
0x245: {  	v14 =	vadd.f32 v14, v20;
	v16 =	vmul.f32 v13, v25;
	v20 =	vsub.f32 v26, v18;
	[tilespmem:s29+$0x60] =	vst v23;
	v23 =	vld [tilespmem:s15+$0x40]  }
0x246: {  	v17 =	vsub.f32 v17, v21;
	v25 =	vld [tilespmem:s6+$0x40];
	[tilespmem:s28+$0xB0] =	vst v15  }
0x247: {  	v15 =	vadd.f32 v16, v22;
	v16 =	vmul.f32 v11, v20;
	v20 =	vsub.f32 v29, v27;
	v22 =	vld [tilespmem:s21+$0x90]  }
0x248: {  	v17 =	vmul.f32 v7, v17;
	v26 =	vld [tilespmem:s24+$0x90]  }
0x249: {  	v15 =	vsub.f32 v15, v14;
	v16 =	vadd.f32 v16, v18;
	v18 =	vmul.f32 v11, v20;
	v20 =	vld [tilespmem:s25+$0x90]  }
0x24a: {  	v17 =	vadd.f32 v17, v21;
	v19 =	vsub.f32 v19, v24;
	v21 =	vld [tilespmem:s26+$0x90]  }
0x24b: {  	v15 =	vmul.f32 v12, v15;
	v18 =	vadd.f32 v18, v27;
	v27 =	vld [tilespmem:s19+$0xFFFFFF40];
	v25 =	vsub.f32 v25, v23  }
0x24c: {  	v19 =	vmul.f32 v6, v19;
	[tilespmem:s29+$0xFFFFFF40] =	vst v17;
	v17 =	vld [tilespmem:s20+$0xFFFFFF40]  }
0x24d: {  	v28 =	vld [tilespmem:s21+$0xFFFFFF10];
	v14 =	vadd.f32 v15, v14;
	v15 =	vsub.f32 v18, v16;
	v18 =	vmul.f32 v6, v25  }
0x24e: {  	v19 =	vadd.f32 v19, v24;
	v25 =	vld [tilespmem:s24+$0xFFFFFF10]  }
0x24f: {  	v24 =	vld [tilespmem:s25+$0xFFFFFF10];
	[tilespmem:s29+$0xFFFFFFA0] =	vst v14;
	v14 =	vmul.f32 v8, v15;
	v15 =	vsub.f32 v26, v22;
	v21 =	vsub.f32 v21, v20  }
0x250: {  	v18 =	vadd.f32 v18, v23;
	v26 =	vld [tilespmem:s21+$0xFFFFFF90]  }
0x251: {  	v23 =	vld [tilespmem:s24+$0xFFFFFF90];
	v14 =	vadd.f32 v14, v16;
	v15 =	vmul.f32 v10, v15;
	v16 =	vmul.f32 v10, v21  }
0x252: {  	v17 =	vsub.f32 v17, v27;
	v18 =	vsub.f32 v18, v19;
	v21 =	vld [tilespmem:s25+$0xFFFFFF90]  }
0x253: {  	v29 =	vld [tilespmem:s26+$0xFFFFFF90];
	[tilespmem:s29+$0x0] =	vst v14;
	v14 =	vadd.f32 v15, v22;
	v15 =	vadd.f32 v16, v20  }
0x254: {  	v16 =	vsub.f32 v25, v28;
	v17 =	vmul.f32 v0, v17;
	v18 =	vmul.f32 v2, v18;
	v20 =	vld [tilespmem:s21+$0x10]  }
0x255: {  	v22 =	vld [tilespmem:s24+$0x10];
	v15 =	vsub.f32 v15, v14  }
0x256: {  	v16 =	vmul.f32 v9, v16;
	v17 =	vadd.f32 v17, v27;
	v23 =	vsub.f32 v23, v26;
	v25 =	vld [tilespmem:s25+$0x10]  }
0x257: {  	v18 =	vadd.f32 v18, v19;
	v27 =	vld [tilespmem:s26+$0x10];
	v15 =	vmul.f32 v4, v15  }
0x258: {  	v16 =	vadd.f32 v16, v28;
	v19 =	vld [tilespmem:s26+$0xFFFFFF10];
	v23 =	vmul.f32 v13, v23;
	v28 =	vsub.f32 v29, v21  }
0x259: {  	v14 =	vadd.f32 v15, v14;
	v15 =	vld [tilespmem:s15+$0xFFFFFF40];
	[tilespmem:s28+$0x40] =	vst v18  }
0x25a: {  	v18 =	vadd.f32 v23, v26;
	v23 =	vmul.f32 v13, v28;
	v22 =	vsub.f32 v22, v20;
	v26 =	vld [tilespmem:s6+$0xFFFFFF40]  }
0x25b: {  	[tilespmem:s29+$0x70] =	vst v14;
	v14 =	vld [tilespmem:s19+$0xFFFFFFD0]  }
0x25c: {  	v21 =	vadd.f32 v23, v21;
	v22 =	vmul.f32 v11, v22;
	v23 =	vsub.f32 v27, v25;
	v27 =	vld [tilespmem:s21+$0xA0]  }
0x25d: {  	v19 =	vsub.f32 v19, v24;
	v28 =	vld [tilespmem:s24+$0xA0]  }
0x25e: {  	v21 =	vsub.f32 v21, v18;
	v20 =	vadd.f32 v22, v20;
	v22 =	vmul.f32 v11, v23;
	v23 =	vld [tilespmem:s25+$0xA0]  }
0x25f: {  	v19 =	vmul.f32 v9, v19;
	v29 =	vld [tilespmem:s26+$0xA0];
	v26 =	vsub.f32 v26, v15  }
0x260: {  	v21 =	vmul.f32 v12, v21;
	v22 =	vadd.f32 v22, v25;
	v25 =	vld [tilespmem:s20+$0xFFFFFFD0]  }
0x261: {  	v19 =	vadd.f32 v19, v24;
	v24 =	vmul.f32 v0, v26;
	v26 =	vld [tilespmem:s15+$0xFFFFFFD0]  }
0x262: {  	v18 =	vadd.f32 v21, v18;
	v21 =	vsub.f32 v22, v20;
	v22 =	vld [tilespmem:s6+$0xFFFFFFD0]  }
0x263: {  	v19 =	vsub.f32 v19, v16;
	v15 =	vadd.f32 v24, v15;
	v24 =	vld [tilespmem:s19+$0x50]  }
0x264: {  	[tilespmem:s29+$0xFFFFFFB0] =	vst v18;
	v18 =	vmul.f32 v8, v21;
	v21 =	vsub.f32 v28, v27;
	v28 =	vsub.f32 v29, v23;
	v29 =	vld [tilespmem:s20+$0x50]  }
0x265: {  	v19 =	vmul.f32 v7, v19;
	v30 =	vld [tilespmem:s21+$0xFFFFFFA0];
	v15 =	vsub.f32 v15, v17;
	v25 =	vsub.f32 v25, v14  }
0x266: {  	v31 =	vld [tilespmem:s24+$0xFFFFFFA0];
	v18 =	vadd.f32 v18, v20;
	v20 =	vmul.f32 v10, v21;
	v21 =	vmul.f32 v10, v28  }
0x267: {  	v16 =	vadd.f32 v19, v16;
	v19 =	vld [tilespmem:s25+$0xFFFFFFA0];
	v15 =	vmul.f32 v1, v15;
	v22 =	vsub.f32 v22, v26  }
0x268: {  	v28 =	vld [tilespmem:s26+$0xFFFFFFA0];
	[tilespmem:s29+$0x10] =	vst v18;
	v18 =	vadd.f32 v20, v27;
	v20 =	vadd.f32 v21, v23;
	v21 =	vmul.f32 v3, v25  }
0x269: {  	[tilespmem:s29+$0xFFFFFF50] =	vst v16;
	v16 =	vld [tilespmem:s21+$0x20];
	v15 =	vadd.f32 v15, v17;
	v17 =	vmul.f32 v3, v22;
	v22 =	vsub.f32 v29, v24  }
0x26a: {  	v3 =	vmov v13;
	v23 =	vld [tilespmem:s24+$0x20];
	v20 =	vsub.f32 v20, v18;
	v14 =	vadd.f32 v21, v14  }
0x26b: {  	v13 =	vsub.f32 v31, v30;
	v21 =	vld [tilespmem:s25+$0x20];
	[tilespmem:s28+$0xFFFFFF80] =	vst v15;
	v15 =	vadd.f32 v17, v26;
	v17 =	vmul.f32 v6, v22  }
0x26c: {  	v22 =	vld [tilespmem:s26+$0x20];
	v20 =	vmul.f32 v4, v20  }
0x26d: {  	v25 =	vld [tilespmem:s21+$0xFFFFFF20];
	v26 =	vmul.f32 v3, v13;
	v27 =	vsub.f32 v28, v19;
	v13 =	vadd.f32 v17, v24  }
0x26e: {  	v15 =	vsub.f32 v15, v14;
	v17 =	vld [tilespmem:s24+$0xFFFFFF20];
	v18 =	vadd.f32 v20, v18  }
0x26f: {  	v20 =	vld [tilespmem:s25+$0xFFFFFF20];
	v24 =	vadd.f32 v26, v30;
	v26 =	vmul.f32 v3, v27;
	v23 =	vsub.f32 v23, v16  }
0x270: {  	v15 =	vmul.f32 v5, v15;
	v5 =	vmov v12;
	v27 =	vld [tilespmem:s26+$0xFFFFFF20];
	[tilespmem:s29+$0x80] =	vst v18  }
0x271: {  	v12 =	vadd.f32 v26, v19;
	v18 =	vmul.f32 v11, v23;
	v19 =	vsub.f32 v22, v21;
	v22 =	vld [tilespmem:s21+$0xB0]  }
0x272: {  	v14 =	vadd.f32 v15, v14;
	v23 =	vld [tilespmem:s24+$0xB0]  }
0x273: {  	v15 =	vsub.f32 v17, v25;
	v16 =	vadd.f32 v18, v16;
	v17 =	vmul.f32 v11, v19;
	v18 =	vld [tilespmem:s25+$0xB0]  }
0x274: {  	v12 =	vsub.f32 v12, v24;
	v19 =	vld [tilespmem:s26+$0xB0];
	[tilespmem:s28+$0xFFFFFFF0] =	vst v14  }
0x275: {  	v14 =	vmul.f32 v9, v15;
	v15 =	vsub.f32 v27, v20;
	v17 =	vadd.f32 v17, v21;
	v21 =	vld [tilespmem:s15+$0x50]  }
0x276: {  	v12 =	vmul.f32 v5, v12;
	v26 =	vld [tilespmem:s6+$0x50]  }
0x277: {  	v14 =	vadd.f32 v14, v25;
	v15 =	vmul.f32 v9, v15;
	v17 =	vsub.f32 v17, v16;
	v25 =	vld [tilespmem:s19+$0xFFFFFF50];
	s19 =	smov.u32 s21  }
0x278: {  	v12 =	vadd.f32 v12, v24;
	v24 =	vld [tilespmem:s20+$0xFFFFFF50];
	s20 =	smov.u32 s24  }
0x279: {  	v23 =	vsub.f32 v23, v22;
	v17 =	vmul.f32 v8, v17;
	v19 =	vsub.f32 v19, v18;
	v27 =	vld [tilespmem:s15+$0xFFFFFF50];
	s15 =	smov.u32 s25  }
0x27a: {  	v28 =	vmov s30;
	v15 =	vadd.f32 v15, v20;
	[tilespmem:s29+$0xFFFFFFC0] =	vst v12;
	v12 =	vld [tilespmem:s6+$0xFFFFFF50];
	s6 =	smov.u32 s26  }
0x27b: {  	v20 =	vld [tilespmem:s21+$0xFFFFFFB0];
	v16 =	vadd.f32 v17, v16;
	v17 =	vmul.f32 v10, v23;
	v19 =	vmul.f32 v10, v19  }
0x27c: {  	s31 =	sadd.s32 $0x1, s30;
	v23 =	vand.u32 $0x7C, v28;
	v15 =	vsub.f32 v15, v14;
	v26 =	vsub.f32 v26, v21;
	v28 =	vld [tilespmem:s24+$0xFFFFFFB0]  }
0x27d: {  	v29 =	vmov s31;
	v30 =	vld [tilespmem:s25+$0xFFFFFFB0];
	[tilespmem:s29+$0x20] =	vst v16;
	v16 =	vadd.f32 v17, v22;
	v17 =	vadd.f32 v19, v18  }
0x27e: {  	s31 =	sadd.s32 $0x2, s30;
	v15 =	vmul.f32 v7, v15;
	v19 =	vsub.f32 v24, v25;
	v22 =	vmul.f32 v6, v26;
	v6 =	vmovc v11;
	v18 =	vld [tilespmem:s26+$0xFFFFFFB0]  }
0x27f: {  	v11 =	vmov s31;
	v24 =	vld [tilespmem:s21+$0x30];
	v17 =	vsub.f32 v17, v16;
	v12 =	vsub.f32 v12, v27  }
0x280: {  	v14 =	vadd.f32 v15, v14;
	v19 =	vmul.f32 v0, v19;
	v21 =	vadd.f32 v22, v21;
	v15 =	vld [tilespmem:s24+$0x30]  }
0x281: {  	v22 =	vsub.f32 v28, v20;
	v26 =	vld [tilespmem:s25+$0x30];
	v17 =	vmul.f32 v4, v17;
	v12 =	vmul.f32 v0, v12;
	v0 =	vmovc v9  }
0x282: {  	v9 =	vadd.s32 $0x1E0, v23;
	v19 =	vadd.f32 v19, v25;
	v21 =	vsub.f32 v21, v13;
	[tilespmem:s29+$0xFFFFFF60] =	vst v14;
	v14 =	vld [tilespmem:s26+$0x30]  }
0x283: {  	v25 =	vld [tilespmem:s21+$0xFFFFFF30];
	v22 =	vmul.f32 v3, v22;
	v18 =	vsub.f32 v18, v30;
	v16 =	vadd.f32 v17, v16  }
0x284: {  	v17 =	vor.u32 $0x180, v23;
	v12 =	vadd.f32 v12, v27;
	v21 =	vmul.f32 v2, v21;
	v2 =	vmovc v8;
	v23 =	vld [tilespmem:s24+$0xFFFFFF30]  }
0x285: {  	v27 =	vld [tilespmem:s25+$0xFFFFFF30];
	v20 =	vadd.f32 v22, v20;
	v8 =	vmul.f32 v3, v18;
	v15 =	vsub.f32 v15, v24;
	[tilespmem:s29+$0x90] =	vst v16  }
0x286: {  	v16 =	vand.u32 $0x7D, v29;
	v12 =	vsub.f32 v12, v19;
	v13 =	vadd.f32 v21, v13;
	v18 =	vld [tilespmem:s21+$0xC0]  }
0x287: {  	v8 =	vadd.f32 v8, v30;
	v15 =	vmul.f32 v6, v15;
	v14 =	vsub.f32 v14, v26;
	v21 =	vld [tilespmem:s24+$0xC0]  }
0x288: {  	v11 =	vand.u32 $0x7E, v11;
	v22 =	vadd.s32 $0x1E0, v16;
	v12 =	vmul.f32 v1, v12;
	v1 =	vmovc v7;
	v28 =	vld [tilespmem:s25+$0xC0];
	[tilespmem:s28+$0x50] =	vst v13  }
0x289: {  	v7 =	vsub.f32 v23, v25;
	v15 =	vadd.f32 v15, v24;
	v13 =	vmul.f32 v6, v14;
	v14 =	vld [tilespmem:s26+$0xC0]  }
0x28a: {  	v23 =	vadd.s32 $0x1E0, v11;
	v8 =	vsub.f32 v8, v20;
	v12 =	vadd.f32 v12, v19;
	v24 =	vld [tilespmem:s26+$0xFFFFFF30]  }
0x28b: {  	v16 =	vor.u32 $0x180, v16;
	v19 =	vmul.f32 v0, v7;
	v13 =	vadd.f32 v13, v26  }
0x28c: {  	v11 =	vor.u32 $0x180, v11;
	v26 =	vmul.f32 v5, v8;
	v7 =	vld.idx.msk [tilespmem:v9+s22+$0x0], $0xffff;
	[tilespmem:s28+$0xFFFFFF90] =	vst v12;
	s28 =	smov.u32 s29  }
0x28d: {  	v9 =	vld.idx.msk [tilespmem:v17+s22+$0x0], $0xffff;
	v17 =	vadd.f32 v19, v25;
	v13 =	vsub.f32 v13, v15  }
0x28e: {  	v19 =	vsub.f32 v21, v18;
	v12 =	vld.idx.msk [tilespmem:v22+s22+$0x0], $0xffff;
	v14 =	vsub.f32 v14, v28  }
0x28f: {  	v20 =	vadd.f32 v26, v20;
	v8 =	vld.idx.msk [tilespmem:v23+s22+$0x0], $0xffff;
	v21 =	vsub.f32 v24, v27;
	v22 =	vmul.f32 v2, v13  }
0x290: {  	v13 =	vld.idx.msk [tilespmem:v16+s22+$0x0], $0xffff;
	v16 =	vmul.f32 v10, v19;
	v14 =	vmul.f32 v10, v14  }
0x291: {  	v11 =	vld.idx.msk [tilespmem:v11+s22+$0x0], $0xffff;
	v19 =	vmul.f32 v0, v21;
	[tilespmem:s29+$0xFFFFFFD0] =	vst v20;
	v15 =	vadd.f32 v22, v15  }
0x292: {  	s31 =	sadd.s32 $0x3, s30;
	v20 =	vld [tilespmem:s21+$0xFFFFFFC0];
	v16 =	vadd.f32 v16, v18;
	v14 =	vadd.f32 v14, v28  }
0x293: {  	v18 =	vmov s31;
	v19 =	vadd.f32 v19, v27;
	v21 =	vld [tilespmem:s24+$0xFFFFFFC0];
	[tilespmem:s29+$0x30] =	vst v15  }
0x294: {  	v18 =	vand.u32 $0x7F, v18;
	v22 =	vld [tilespmem:s25+$0xFFFFFFC0];
	v14 =	vsub.f32 v14, v16  }
0x295: {  	s21 =	sadd.s32 $0x200, s21;
	v15 =	vor.u32 $0x180, v18;
	v19 =	vsub.f32 v19, v17;
	v23 =	vld [tilespmem:s26+$0xFFFFFFC0]  }
0x296: {  	s24 =	sadd.s32 $0x200, s24;
	v24 =	vld [tilespmem:s21+$0x80];
	v14 =	vmul.f32 v4, v14  }
0x297: {  	s25 =	sadd.s32 $0x200, s25;
	v25 =	vld [tilespmem:s24+$0x80];
	v19 =	vmul.f32 v1, v19  }
0x298: {  	s26 =	sadd.s32 $0x200, s26;
	v27 =	vld [tilespmem:s25+$0x80];
	v21 =	vsub.f32 v21, v20;
	v14 =	vadd.f32 v14, v16  }
0x299: {  	v26 =	vld [tilespmem:s26+$0x80];
	v16 =	vadd.f32 v19, v17  }
0x29a: {  	v28 =	vld.idx.msk [tilespmem:v15+s22+$0x0], $0xffff;
	v17 =	vmul.f32 v3, v21;
	v19 =	vsub.f32 v23, v22;
	[tilespmem:s29+$0xA0] =	vst v14  }
0x29b: {  	[tilespmem:s29+$0xFFFFFF70] =	vst v16;
	v15 =	vld [tilespmem:s19+$0xD0]  }
0x29c: {  	v17 =	vadd.f32 v17, v20;
	v14 =	vmul.f32 v3, v19;
	v29 =	vld [tilespmem:s20+$0xD0]  }
0x29d: {  	v16 =	vld [tilespmem:s15+$0xD0]  }
0x29e: {  	v14 =	vadd.f32 v14, v22;
	v22 =	vld [tilespmem:s6+$0xD0]  }
0x29f: {  	v18 =	vadd.s32 $0x1E0, v18;
	v21 =	vld [tilespmem:s21+$0xFFFFFF00]  }
0x2a0: {  	v30 =	vld [tilespmem:s24+$0xFFFFFF00];
	v14 =	vsub.f32 v14, v17  }
0x2a1: {  	v19 =	vld [tilespmem:s25+$0xFFFFFF00]  }
.Ltmp3:
0x2a2: {  	v25 =	vsub.f32 v25, v24;
	v26 =	vsub.f32 v26, v27;
	v23 =	vld [tilespmem:s26+$0xFFFFFF00];
	v31 =	vmul.f32 v5, v14;
	(pc) =	sbr.rel @p0 .LBB2_5-.Ltmp3, $4  }
0x2a3: {  	v29 =	vsub.f32 v29, v15;
	v20 =	vld [tilespmem:s21+$0xFFFFFF80];
	v22 =	vsub.f32 v22, v16  }
0x2a4: {  	v32 =	vmul.f32 v28, v25;
	v33 =	vmul.f32 v28, v26;
	v14 =	vld.idx.msk [tilespmem:v18+s22+$0x0], $0xffff;
	v31 =	vadd.f32 v31, v17  }
0x2a5: {  	v18 =	vmul.f32 v10, v29;
	v26 =	vsub.f32 v30, v21;
	v25 =	vld [tilespmem:s24+$0xFFFFFF80];
	v17 =	vmul.f32 v10, v22;
	v10 =	vmovc v28  }
0x2a6: {  	s30 =	sadd.s32 $0x4, s30;
	v24 =	vadd.f32 v32, v24;
	v27 =	vadd.f32 v33, v27;
	v22 =	vld [tilespmem:s25+$0xFFFFFF80];
	[tilespmem:s29+$0xFFFFFFE0] =	vst v31  }
0x2a7: {  	v28 =	vld [tilespmem:s26+$0xFFFFFF80]  }
0x2a8: {  	v29 =	vld [tilespmem:s21+$0x0]  }
0x2a9: {  	v30 =	vld [tilespmem:s24+$0x0]  }
0x2aa: {  	v31 =	vld [tilespmem:s25+$0x0]  }
0x2ab: {  	v32 =	vld [tilespmem:s26+$0x0]  }
0x2ac: {  	v23 =	vsub.f32 v23, v19  }
0x2ad: {  	v25 =	vsub.f32 v25, v20;
	v28 =	vsub.f32 v28, v22  }
0x2ae: {  	v27 =	vsub.f32 v27, v24;
	v23 =	vmul.f32 v9, v23  }
0x2af: {  	v25 =	vmul.f32 v13, v25;
	v36 =	vmul.f32 v13, v28  }
0x2b0: {  	v37 =	vmul.f32 v14, v27;
	v39 =	vsub.f32 v30, v29;
	v41 =	vsub.f32 v32, v31  }
0x2b1: {  	v38 =	vadd.f32 v25, v20;
	v40 =	vadd.f32 v36, v22  }
0x2b2: {  	v35 =	vadd.f32 v23, v19;
	v42 =	vadd.f32 v37, v24  }
0x2b3: {  	v25 =	vmul.f32 v11, v39;
	v23 =	vmul.f32 v11, v41;
	v22 =	vsub.f32 v40, v38  }
0x2b4: {  	s29 =	sadd.s32 $0x180, s29  }
0x2b5: {  	[tilespmem:s29+$0x60] =	vst v42;
	v25 =	vadd.f32 v25, v29;
	v23 =	vadd.f32 v23, v31;
	v22 =	vmul.f32 v12, v22  }
0x2b6: {  	v24 =	vld [tilespmem:s21+$0x90]  }
0x2b7: {  	v43 =	vld [tilespmem:s24+$0x90];
	v45 =	vsub.f32 v23, v25;
	v20 =	vadd.f32 v22, v38  }
0x2b8: {  	v44 =	vld [tilespmem:s25+$0x90]  }
0x2b9: {  	v26 =	vmul.f32 v9, v26;
	v46 =	vld [tilespmem:s26+$0x90];
	v47 =	vmul.f32 v8, v45;
	[tilespmem:s29+$0xFFFFFFA0] =	vst v20  }
0x2ba: {  	v48 =	vld [tilespmem:s21+$0xFFFFFF90]  }
0x2bb: {  	v21 =	vadd.f32 v26, v21;
	v20 =	vadd.f32 v47, v25;
	v49 =	vld [tilespmem:s24+$0xFFFFFF90]  }
0x2bc: {  	v51 =	vld [tilespmem:s25+$0xFFFFFF90]  }
0x2bd: {  	v19 =	vsub.f32 v35, v21;
	v52 =	vld [tilespmem:s26+$0xFFFFFF90];
	[tilespmem:s29+$0x0] =	vst v20  }
0x2be: {  	v50 =	vsub.f32 v43, v24;
	v23 =	vsub.f32 v46, v44;
	v54 =	vld [tilespmem:s21+$0x10]  }
0x2bf: {  	v19 =	vmul.f32 v7, v19;
	v55 =	vld [tilespmem:s24+$0x10]  }
0x2c0: {  	v53 =	vmul.f32 v10, v50;
	v23 =	vmul.f32 v10, v23;
	v56 =	vld [tilespmem:s25+$0x10]  }
0x2c1: {  	v19 =	vadd.f32 v19, v21;
	v58 =	vld [tilespmem:s26+$0x10]  }
0x2c2: {  	v21 =	vadd.f32 v23, v44;
	v20 =	vadd.f32 v53, v24  }
0x2c3: {  	[tilespmem:s29+$0xFFFFFF40] =	vst v19;
	v57 =	vsub.f32 v49, v48;
	v28 =	vsub.f32 v52, v51  }
0x2c4: {  	v19 =	vld [tilespmem:s21+$0xFFFFFF10];
	v21 =	vsub.f32 v21, v20  }
0x2c5: {  	v59 =	vld [tilespmem:s24+$0xFFFFFF10];
	v23 =	vmul.f32 v13, v57;
	v28 =	vmul.f32 v13, v28  }
0x2c6: {  	v60 =	vld [tilespmem:s25+$0xFFFFFF10];
	v21 =	vmul.f32 v14, v21;
	v62 =	vsub.f32 v55, v54;
	v27 =	vsub.f32 v58, v56  }
0x2c7: {  	v61 =	vld [tilespmem:s26+$0xFFFFFF10];
	v22 =	vadd.f32 v23, v48;
	v26 =	vadd.f32 v28, v51  }
0x2c8: {  	v20 =	vadd.f32 v21, v20  }
0x2c9: {  	v23 =	vmul.f32 v11, v62;
	v27 =	vmul.f32 v11, v27;
	v26 =	vsub.f32 v26, v22  }
0x2ca: {  	v63 =	vld [tilespmem:s20+$0x40]  }
0x2cb: {  	v33 =	vld [tilespmem:s15+$0x40];
	[tilespmem:s29+$0x70] =	vst v20;
	v36 =	vadd.f32 v23, v54;
	v24 =	vadd.f32 v27, v56;
	v37 =	vmul.f32 v12, v26  }
0x2cc: {  	v30 =	vsub.f32 v59, v19;
	v32 =	vsub.f32 v61, v60;
	v39 =	vld [tilespmem:s21+$0xA0]  }
0x2cd: {  	v40 =	vld [tilespmem:s24+$0xA0];
	v42 =	vsub.f32 v24, v36;
	v22 =	vadd.f32 v37, v22  }
0x2ce: {  	v38 =	vmul.f32 v9, v30;
	v43 =	vld [tilespmem:s25+$0xA0]  }
0x2cf: {  	v41 =	vmul.f32 v9, v32;
	v44 =	vld [tilespmem:s26+$0xA0];
	v45 =	vmul.f32 v8, v42;
	[tilespmem:s29+$0xFFFFFFB0] =	vst v22  }
0x2d0: {  	v19 =	vadd.f32 v38, v19;
	v46 =	vld [tilespmem:s21+$0xFFFFFFA0]  }
0x2d1: {  	v30 =	vadd.f32 v41, v60;
	v20 =	vadd.f32 v45, v36;
	v47 =	vld [tilespmem:s24+$0xFFFFFFA0]  }
0x2d2: {  	v48 =	vld [tilespmem:s25+$0xFFFFFFA0]  }
0x2d3: {  	v30 =	vsub.f32 v30, v19;
	v49 =	vld [tilespmem:s26+$0xFFFFFFA0];
	[tilespmem:s29+$0x10] =	vst v20  }
0x2d4: {  	v27 =	vsub.f32 v40, v39;
	v50 =	vsub.f32 v44, v43;
	v51 =	vld [tilespmem:s21+$0x20]  }
0x2d5: {  	v30 =	vmul.f32 v7, v30;
	v52 =	vld [tilespmem:s24+$0x20]  }
0x2d6: {  	v27 =	vmul.f32 v10, v27;
	v20 =	vmul.f32 v10, v50;
	v35 =	vld [tilespmem:s25+$0x20]  }
0x2d7: {  	v19 =	vadd.f32 v30, v19;
	v54 =	vld [tilespmem:s26+$0x20]  }
0x2d8: {  	v34 =	vld [tilespmem:s6+$0x40];
	v26 =	vadd.f32 v27, v39;
	v20 =	vadd.f32 v20, v43  }
0x2d9: {  	v29 =	vld [tilespmem:s19+$0x40];
	[tilespmem:s29+$0xFFFFFF50] =	vst v19;
	v53 =	vsub.f32 v47, v46;
	v56 =	vsub.f32 v49, v48  }
0x2da: {  	v55 =	vld [tilespmem:s21+$0xFFFFFF20]  }
0x2db: {  	v57 =	vld [tilespmem:s24+$0xFFFFFF20];
	v20 =	vsub.f32 v20, v26;
	v19 =	vmul.f32 v13, v53;
	v31 =	vmul.f32 v13, v56  }
0x2dc: {  	v59 =	vld [tilespmem:s26+$0xFFFFFF20];
	v58 =	vsub.f32 v52, v51;
	v27 =	vsub.f32 v54, v35  }
0x2dd: {  	v36 =	vld [tilespmem:s25+$0xFFFFFF20];
	v20 =	vmul.f32 v14, v20;
	v23 =	vadd.f32 v19, v46;
	v22 =	vadd.f32 v31, v48  }
0x2de: {  	v21 =	vld [tilespmem:s19+$0xFFFFFF40];
	v38 =	vmul.f32 v11, v58  }
0x2df: {  	v37 =	vld [tilespmem:s20+$0xFFFFFF40];
	v26 =	vadd.f32 v20, v26;
	v27 =	vmul.f32 v11, v27;
	v22 =	vsub.f32 v22, v23  }
0x2e0: {  	v39 =	vld [tilespmem:s6+$0xFFFFFF40]  }
0x2e1: {  	v31 =	vld [tilespmem:s15+$0xFFFFFF40];
	v25 =	vadd.f32 v38, v51;
	[tilespmem:s29+$0x80] =	vst v26;
	v27 =	vadd.f32 v27, v35;
	v22 =	vmul.f32 v12, v22  }
0x2e2: {  	v32 =	vsub.f32 v57, v55;
	v60 =	vsub.f32 v59, v36;
	v61 =	vld [tilespmem:s21+$0xB0]  }
0x2e3: {  	v62 =	vld [tilespmem:s24+$0xB0];
	v27 =	vsub.f32 v27, v25;
	v22 =	vadd.f32 v22, v23  }
0x2e4: {  	v32 =	vmul.f32 v9, v32;
	v40 =	vld [tilespmem:s25+$0xB0]  }
0x2e5: {  	v63 =	vsub.f32 v63, v29;
	v26 =	vmul.f32 v9, v60;
	v41 =	vld [tilespmem:s26+$0xB0];
	v27 =	vmul.f32 v8, v27;
	[tilespmem:s29+$0xFFFFFFC0] =	vst v22  }
0x2e6: {  	v42 =	vsub.f32 v34, v33;
	v24 =	vadd.f32 v32, v55;
	v43 =	vld [tilespmem:s21+$0xFFFFFFB0]  }
0x2e7: {  	v26 =	vadd.f32 v26, v36;
	v25 =	vadd.f32 v27, v25;
	v44 =	vld [tilespmem:s24+$0xFFFFFFB0]  }
0x2e8: {  	v45 =	vld [tilespmem:s25+$0xFFFFFFB0]  }
0x2e9: {  	v23 =	vmul.f32 v6, v63;
	v26 =	vsub.f32 v26, v24;
	v22 =	vmul.f32 v6, v42;
	v48 =	vld [tilespmem:s26+$0xFFFFFFB0];
	[tilespmem:s29+$0x20] =	vst v25  }
0x2ea: {  	v46 =	vsub.f32 v62, v61;
	v49 =	vsub.f32 v41, v40;
	v50 =	vld [tilespmem:s21+$0x30]  }
0x2eb: {  	v23 =	vadd.f32 v23, v29;
	v47 =	vmul.f32 v7, v26;
	v22 =	vadd.f32 v22, v33;
	v51 =	vld [tilespmem:s24+$0x30]  }
0x2ec: {  	v29 =	vmul.f32 v10, v46;
	v33 =	vmul.f32 v10, v49;
	v52 =	vld [tilespmem:s25+$0x30]  }
0x2ed: {  	v24 =	vadd.f32 v47, v24;
	v53 =	vld [tilespmem:s26+$0x30];
	v22 =	vsub.f32 v22, v23  }
0x2ee: {  	v19 =	vld [tilespmem:s19+$0xFFFFFFD0];
	v29 =	vadd.f32 v29, v61;
	v28 =	vadd.f32 v33, v40  }
0x2ef: {  	v20 =	vld [tilespmem:s20+$0xFFFFFFD0];
	[tilespmem:s29+$0xFFFFFF60] =	vst v24;
	v27 =	vsub.f32 v44, v43;
	v22 =	vmul.f32 v2, v22;
	v26 =	vsub.f32 v48, v45  }
0x2f0: {  	v54 =	vld [tilespmem:s21+$0xFFFFFF30];
	v56 =	vsub.f32 v28, v29  }
0x2f1: {  	v55 =	vld [tilespmem:s24+$0xFFFFFF30];
	v27 =	vmul.f32 v13, v27;
	v22 =	vadd.f32 v22, v23;
	v26 =	vmul.f32 v13, v26  }
0x2f2: {  	v57 =	vld [tilespmem:s25+$0xFFFFFF30];
	v25 =	vsub.f32 v51, v50;
	v24 =	vsub.f32 v53, v52  }
0x2f3: {  	v58 =	vld [tilespmem:s26+$0xFFFFFF30];
	v23 =	vmul.f32 v14, v56;
	v27 =	vadd.f32 v27, v43;
	v26 =	vadd.f32 v26, v45  }
0x2f4: {  	v38 =	vld [tilespmem:s15+$0xFFFFFFD0];
	v25 =	vmul.f32 v11, v25  }
0x2f5: {  	[tilespmem:s28+$0x40] =	vst v22;
	v22 =	vld [tilespmem:s6+$0xFFFFFFD0];
	v23 =	vadd.f32 v23, v29;
	v24 =	vmul.f32 v11, v24;
	v26 =	vsub.f32 v26, v27  }
0x2f6: {  	v34 =	vld [tilespmem:s19+$0x50]  }
0x2f7: {  	v29 =	vld [tilespmem:s20+$0x50];
	v25 =	vadd.f32 v25, v50;
	[tilespmem:s29+$0x90] =	vst v23;
	v59 =	vadd.f32 v24, v52;
	v60 =	vmul.f32 v12, v26  }
0x2f8: {  	v33 =	vsub.f32 v55, v54;
	v61 =	vsub.f32 v58, v57;
	v62 =	vld [tilespmem:s21+$0xC0]  }
0x2f9: {  	v63 =	vld [tilespmem:s24+$0xC0];
	v23 =	vsub.f32 v59, v25;
	v24 =	vadd.f32 v60, v27  }
0x2fa: {  	v33 =	vmul.f32 v9, v33;
	v43 =	vld [tilespmem:s25+$0xC0];
	v26 =	vmul.f32 v9, v61  }
0x2fb: {  	v42 =	vsub.f32 v37, v21;
	v46 =	vsub.f32 v39, v31;
	v44 =	vld [tilespmem:s26+$0xC0];
	v23 =	vmul.f32 v8, v23;
	[tilespmem:s29+$0xFFFFFFD0] =	vst v24  }
0x2fc: {  	v30 =	vadd.f32 v33, v54;
	v45 =	vadd.f32 v26, v57;
	v47 =	vld [tilespmem:s21+$0xFFFFFFC0]  }
0x2fd: {  	v27 =	vmul.f32 v0, v42;
	v23 =	vadd.f32 v23, v25;
	v48 =	vld [tilespmem:s24+$0xFFFFFFC0]  }
0x2fe: {  	v26 =	vmul.f32 v0, v46;
	v24 =	vsub.f32 v45, v30;
	v49 =	vld [tilespmem:s25+$0xFFFFFFC0]  }
0x2ff: {  	v21 =	vadd.f32 v27, v21;
	v50 =	vsub.f32 v63, v62;
	v51 =	vld [tilespmem:s26+$0xFFFFFFC0];
	[tilespmem:s29+$0x30] =	vst v23  }
0x300: {  	v26 =	vadd.f32 v26, v31;
	v52 =	vsub.f32 v44, v43;
	v24 =	vmul.f32 v7, v24;
	v53 =	vld [tilespmem:s21+$0x40]  }
0x301: {  	v27 =	vmul.f32 v10, v50;
	v54 =	vld [tilespmem:s24+$0x40]  }
0x302: {  	v26 =	vsub.f32 v26, v21;
	v31 =	vmul.f32 v10, v52;
	v55 =	vld [tilespmem:s25+$0x40];
	v24 =	vadd.f32 v24, v30  }
0x303: {  	v56 =	vld [tilespmem:s26+$0x40]  }
0x304: {  	v35 =	vld [tilespmem:s15+$0x50];
	v27 =	vadd.f32 v27, v62;
	v26 =	vmul.f32 v1, v26;
	v31 =	vadd.f32 v31, v43;
	[tilespmem:s29+$0xFFFFFF70] =	vst v24  }
0x305: {  	v25 =	vsub.f32 v48, v47;
	v23 =	vsub.f32 v51, v49;
	v57 =	vld [tilespmem:s21+$0xFFFFFF40]  }
0x306: {  	v21 =	vadd.f32 v26, v21;
	v58 =	vld [tilespmem:s24+$0xFFFFFF40]  }
0x307: {  	v59 =	vsub.f32 v31, v27;
	v60 =	vld [tilespmem:s25+$0xFFFFFF40];
	v25 =	vmul.f32 v13, v25;
	v23 =	vmul.f32 v13, v23  }
0x308: {  	v62 =	vld [tilespmem:s26+$0xFFFFFF40];
	v61 =	vsub.f32 v54, v53;
	v24 =	vsub.f32 v56, v55  }
0x309: {  	v63 =	vld [tilespmem:s6+$0x50];
	[tilespmem:s28+$0xFFFFFF80] =	vst v21;
	v26 =	vmul.f32 v14, v59;
	v25 =	vadd.f32 v25, v47;
	v23 =	vadd.f32 v23, v49  }
0x30a: {  	v39 =	vld [tilespmem:s19+$0xFFFFFF50];
	v28 =	vmul.f32 v11, v61  }
0x30b: {  	v41 =	vld [tilespmem:s20+$0xFFFFFF50];
	v26 =	vadd.f32 v26, v27;
	v24 =	vmul.f32 v11, v24;
	v23 =	vsub.f32 v23, v25  }
0x30c: {  	v42 =	vld [tilespmem:s15+$0xFFFFFF50];
	v28 =	vadd.f32 v28, v53;
	v37 =	vsub.f32 v58, v57  }
0x30d: {  	v43 =	vld [tilespmem:s6+$0xFFFFFF50];
	[tilespmem:s29+$0xA0] =	vst v26;
	v24 =	vadd.f32 v24, v55;
	v30 =	vsub.f32 v62, v60;
	v23 =	vmul.f32 v12, v23  }
0x30e: {  	v15 =	vadd.f32 v18, v15;
	v16 =	vadd.f32 v17, v16;
	v44 =	vld [tilespmem:s21+$0xD0];
	v45 =	vmul.f32 v9, v37  }
0x30f: {  	v46 =	vld [tilespmem:s24+$0xD0];
	v24 =	vsub.f32 v24, v28;
	v30 =	vmul.f32 v9, v30;
	v23 =	vadd.f32 v23, v25  }
0x310: {  	v16 =	vsub.f32 v16, v15;
	v20 =	vsub.f32 v20, v19;
	v47 =	vld [tilespmem:s25+$0xD0]  }
0x311: {  	v49 =	vld [tilespmem:s26+$0xD0];
	v18 =	vadd.f32 v45, v57;
	v48 =	vadd.f32 v30, v60;
	v24 =	vmul.f32 v8, v24;
	[tilespmem:s29+$0xFFFFFFE0] =	vst v23  }
0x312: {  	v4 =	vmul.f32 v4, v16;
	v50 =	vsub.f32 v22, v38;
	v54 =	vsub.f32 v29, v34;
	v51 =	vld [tilespmem:s21+$0xFFFFFFD0]  }
0x313: {  	v20 =	vmul.f32 v3, v20;
	v24 =	vadd.f32 v24, v28;
	v23 =	vsub.f32 v48, v18;
	v52 =	vld [tilespmem:s24+$0xFFFFFFD0]  }
0x314: {  	v4 =	vadd.f32 v4, v15;
	v15 =	vmul.f32 v6, v54;
	v53 =	vmul.f32 v3, v50;
	v55 =	vld [tilespmem:s25+$0xFFFFFFD0]  }
0x315: {  	v19 =	vadd.f32 v20, v19;
	v56 =	vsub.f32 v63, v35;
	v57 =	vld [tilespmem:s26+$0xFFFFFFD0];
	[tilespmem:s29+$0x40] =	vst v24;
	v23 =	vmul.f32 v7, v23  }
0x316: {  	v15 =	vadd.f32 v15, v34;
	v3 =	vadd.f32 v53, v38;
	v59 =	vld [tilespmem:s21+$0x50]  }
0x317: {  	v58 =	vsub.f32 v41, v39;
	v60 =	vmul.f32 v6, v56;
	v62 =	vld [tilespmem:s24+$0x50];
	v18 =	vadd.f32 v23, v18  }
0x318: {  	v61 =	vsub.f32 v43, v42;
	v3 =	vsub.f32 v3, v19;
	v63 =	vld [tilespmem:s25+$0x50]  }
0x319: {  	v6 =	vadd.f32 v60, v35;
	v36 =	vsub.f32 v46, v44;
	v24 =	vmul.f32 v0, v58;
	v35 =	vld [tilespmem:s26+$0x50];
	[tilespmem:s29+$0xFFFFFF80] =	vst v18  }
0x31a: {  	v34 =	vmul.f32 v0, v61;
	v3 =	vmul.f32 v5, v3;
	v37 =	vsub.f32 v49, v47;
	v38 =	vld [tilespmem:s21+$0xFFFFFF50]  }
0x31b: {  	v5 =	vmul.f32 v10, v36;
	v24 =	vadd.f32 v24, v39;
	v39 =	vld [tilespmem:s24+$0xFFFFFF50]  }
0x31c: {  	v0 =	vadd.f32 v34, v42;
	v3 =	vadd.f32 v3, v19;
	v40 =	vmul.f32 v10, v37;
	v41 =	vld [tilespmem:s25+$0xFFFFFF50]  }
0x31d: {  	v6 =	vsub.f32 v6, v15;
	v5 =	vadd.f32 v5, v44;
	v42 =	vld [tilespmem:s26+$0xFFFFFF50]  }
0x31e: {  	v10 =	vadd.f32 v40, v47;
	v0 =	vsub.f32 v0, v24  }
0x31f: {  	v43 =	vsub.f32 v52, v51;
	v21 =	vsub.f32 v57, v55  }
0x320: {  	v10 =	vsub.f32 v10, v5;
	v23 =	vsub.f32 v62, v59  }
0x321: {  	v17 =	vmul.f32 v13, v43;
	v44 =	vmul.f32 v13, v21;
	v18 =	vsub.f32 v35, v63  }
0x322: {  	v45 =	vmul.f32 v11, v23;
	v46 =	vsub.f32 v39, v38;
	v20 =	vsub.f32 v42, v41  }
0x323: {  	v17 =	vadd.f32 v17, v51;
	v13 =	vadd.f32 v44, v55;
	v47 =	vmul.f32 v11, v18  }
0x324: {  	v48 =	vadd.f32 v45, v59;
	v49 =	vmul.f32 v9, v46;
	v50 =	vmul.f32 v9, v20  }
0x325: {  	v0 =	vmul.f32 v1, v0;
	v52 =	vsub.f32 v13, v17;
	v11 =	vadd.f32 v47, v63  }
0x326: {  	v54 =	vmul.f32 v14, v10;
	v53 =	vadd.f32 v49, v38;
	v9 =	vadd.f32 v50, v41  }
0x327: {  	[tilespmem:s28+$0xB0] =	vst v4;
	v51 =	vmul.f32 v2, v6;
	v0 =	vadd.f32 v0, v24;
	v55 =	vsub.f32 v11, v48  }
0x328: {  	[tilespmem:s28+$0xFFFFFFF0] =	vst v3;
	v58 =	vadd.f32 v54, v5;
	v56 =	vmul.f32 v12, v52;
	v57 =	vsub.f32 v9, v53  }
0x329: {  	v2 =	vadd.f32 v51, v15;
	[tilespmem:s28+$0xFFFFFF90] =	vst v0;
	v59 =	vmul.f32 v8, v55  }
0x32a: {  	[tilespmem:s29+$0xB0] =	vst v58;
	v60 =	vadd.f32 v56, v17;
	v61 =	vmul.f32 v7, v57  }
.Ltmp4:
0x32b: {  	s31 =	sadd.s32 s12, s10;
	[tilespmem:s28+$0x50] =	vst v2;
	v62 =	vadd.f32 v59, v48;
	(pc) =	sbr.rel @p1 .LBB2_8-.Ltmp4, $4  }
0x32c: {  	s6 =	sshll.u32 s31, $0x4;
	[tilespmem:s29+$0xFFFFFFF0] =	vst v60;
	v63 =	vadd.f32 v61, v53  }
0x32d: {  	s6 =	sand.u32 $0x1FFFFE00, s6;
	[tilespmem:s29+$0x50] =	vst v62  }
0x32e: {  	s6 =	sadd.s32 s7, s6;
	[tilespmem:s29+$0xFFFFFF90] =	vst v63  }
0x32f: {  	[hbm4b:s6+s13] =	stream.strided.scatter [tilespmem:s18], [sflag:$0x6], $0x2400, s0, s13, $0x38;
	[tilespmem:$0x1CC80] =	vst v63  }
.Ltmp5:
0x330: {  	(pc) =	sbr.rel .LBB2_2-.Ltmp5, $4  }
0x331: {  	s6 =	sadd.s32 s12, s11  }
0x332: {  	s6 =	sshrl.u32 s6, $0x3  }
0x333: {  	s8 =	sadd.s32 $0x1, s8;
	s6 =	sadd.s32 s2, s6  }
0x334: {  	[tilespmem:s22], [sflag:$0x2] =	stream.strided.gather [hbm4b:s6+s13], $0x240, s14, s13, $0x38;
	[tilespmem:$0x1CC80] =	vst v63  }
.LBB2_9:
0x335: {  	_ =	sfence.sel $0x180000  }
0x336: {  	[bflag:$0x0] =	sbarrier.arrive $0xFFFF  }
0x337: {  	_ =	strace $0x9000004A  }
0x338: {  	s0 =	stileid.u32;
	[bflag:$0x2] =	sbarrier.arrive $0xFFFF  }
0x339: {  	p0 =	sne.s32 s0, $0x0;
	s0 =	rddreg [dreg:$0x2]  }
0x33a: {  	s0 =	sadd.s32 @!p0 $0x100000, s0  }
0x33b: {  	[sflag:s0] =	ssyncadd.tile.s32 @!p0 $0x1;
	_ =	shalt  }
.Lfunc_end2:
_tile_overlayer_lowered:
.L_overlay_start_2:
0x33c: {  	(tag) =	ssettag $0x2  }
0x33d: {  	s0 =	rddreg [dreg:$0x0];
	s2 =	stileid.u32  }
0x33e: {  	s1 =	rddreg [dreg:$0x1];
	p0 =	sne.s32 s2, $0x0  }
0x33f: {  	s3 =	rddreg [dreg:$0x2];
	[bflag:$0x3] =	sbarrier.arrive $0xFFFF;
	s2 =	simm.s32 @!p0 $0x1C07  }
0x340: {  	[timem:s3], [sflag:s2] =	dma.local @!p0 [hbm:s0], s1  }
0x341: {  	s0 =	simm.s32 @!p0 $0x7  }
0x342: {  	_ =	swait.ge @!p0 [sflag:s0], s1  }
0x343: {  	s1 =	ssub.s32 @!p0 $0x0, s1;
	[sflag:s0] =	ssyncset.done @!p0 $0x0  }
0x344: {  	[sflag:s0] =	ssyncadd.s32 @!p0 s1  }
0x345: {  	[bflag:$0x3] =	sbarrier.arrive $0xFFFF  }
0x346: {  	_ =	shalt  }

// kernel: sparse-core-data-format-call.1.cloned.1.call-start
scs
called_computation.1_lowered:
.L_overlay_start_0:
0x0: {  	s2 =	sld [smem:$0x3FD9]  }
0x1: {  	s3 =	sld [smem:$0x3FFE];
	_ =	sdelay $0x1  }
0x2: {  	s1 =	srdreg.scid  }
0x3: {  	s0 =	sand.u32 $0x1, s1  }
0x4: {  	s18 =	sshll.u32 s0, $0xA;
	s2 =	sadd.s32 s3, s2  }
0x5: {  	s2 =	sadd.s32 s2, s18  }
0x6: {  	[smem:$0x3FC6] =	sst s2  }
0x7: {  	_ = 	snop  }
0x8: {  	s2 =	sld [smem:$0x3FC9];
	(tm) =	ssettm $0x1  }
0x9: {  	s19 =	sld [smem:$0x3FFB];
	_ =	sdelay $0x3  }
0xa: {  	_ =	strace s19  }
0xb: {  	s3 =	sld [smem:$0x3FFC];
	_ =	sdelay $0x3  }
0xc: {  	_ =	strace s3  }
0xd: {  	s3 =	sld [smem:$0x3FFD];
	_ =	sdelay $0x3  }
0xe: {  	_ =	strace s3  }
0xf: {  	_ =	strace $0x8FFFFFFF  }
0x10: {  	s20 =	sld [smem:$0x3FDB];
	_ =	sdelay $0x1  }
0x11: {  	s4 =	simm.s32 $_scs_section_size  }
0x12: {  	s5 =	simm.s32 $_size__tile_overlayer_lowered;
	s6 =	simm.s32 $_tile_overlayer_lowered  }
0x13: {  	s23 =	simm.s32 $0x1BFF;
	s22 =	sshll.u32 s6, $0x1;
	s3 =	sadd.s32 s4, s20  }
0x14: {  	s7 =	simm.s32 $0x0;
	s21 =	sshll.u32 s5, $0x1;
	s5 =	sadd.s32 s22, s3  }
0x15: {  	[timem:s7], [sflag:s23] =	dma.local [hbm:s5], s21  }
0x16: {  	_ =	swait.ge [sflag:s23], s21  }
0x17: {  	s4 =	ssub.s32 $0x0, s21;
	[sflag:s23] =	ssyncset.done $0x0  }
0x18: {  	[sflag:s23] =	ssyncadd.s32 s4;
	_ =	sdelay $0x1  }
0x19: {  	s24 =	simm.s32 $0x1B8B  }
0x1a: {  	_ =	swait.ge [sflag:s24], $0x1  }
0x1b: {  	[sflag:s24] =	ssyncset.done $0x0  }
0x1c: {  	s26 =	simm.s32 $0x1B8E;
	s25 =	sld [smem:$0x3FFE];
	[sflag:s24] =	ssyncadd.s32 $0xFFFFFFFF  }
0x1d: {  	s27 =	simm.s32 $execute0_lowered;
	[smem:$0x3FD2] =	sst s26  }
0x1e: {  	s5 =	sshll.u32 s27, $0x1;
	_ =	strace $0x80000046;
	[dreg:$0x1] =	wrdreg $0xFFFFFFFF  }
0x1f: {  	s28 =	simm.s32 $_size_execute0_lowered;
	s3 =	sadd.s32 s3, s5;
	[dreg:$0x0] =	wrdreg $0x0  }
0x20: {  	s5 =	sshll.u32 s28, $0x1;
	[dreg:$0x2] =	wrdreg s3  }
0x21: {  	[dreg:$0x3] =	wrdreg s5  }
0x22: {  	[dreg:$0x4] =	wrdreg $0xC0  }
0x23: {  	_ =	task [dreg:s7], $0x5FFFF  }
0x24: {  	[dreg:$0x1] =	wrdreg $0xFFFFFFFF  }
0x25: {  	[dreg:$0x0] =	wrdreg $0x60  }
0x26: {  	[dreg:$0x2] =	wrdreg s2  }
0x27: {  	[dreg:$0x3] =	wrdreg s25  }
0x28: {  	[dreg:$0x4] =	wrdreg $0x9  }
0x29: {  	_ =	task.clear_ibuf [dreg:s7], $0x5FFFF;
	_ =	strace $0x90000046  }
0x2a: {  	s29 =	simm.s32 $0x9;
	_ =	strace $0x80000048  }
0x2b: {  	_ =	swait.ge [sflag:s29], $0x1  }
0x2c: {  	[sflag:s29] =	ssyncadd.s32 $0xFFFFFFFF  }
0x2d: {  	_ =	strace $0x90000048  }
0x2e: {  	_ =	sfence  }
0x2f: {  	s30 =	sld [smem:$0x0];
	_ =	sdelay $0x2  }
0x30: {  	s31 =	sshll.u32 s1, $0xD;
	s1 =	sshrl.u32 s1, $0x2  }
0x31: {  	s3 =	sand.u32 $0x4000, s31;
	s1 =	sadd.s32 s1, s30  }
0x32: {  	s0 =	sor.u32 s3, s0;
	s1 =	sshll.u32 s1, $0x11  }
0x33: {  	s0 =	sor.u32 s1, s0  }
0x34: {  	s0 =	sadd.s32 $0x8F2B, s0  }
0x35: {  	[sflag:s0] =	ssyncadd.remote.s32 $0x1  }
0x36: {  	_ =	sfence.sel $0xFFFF  }
0x37: {  	[dreg:$0x0] =	wrdreg $0xFFFFFFFF;
	(pc) =	sbr.abs _section_cstart, $3  }
0x38: {  	[dreg:$0x1] =	wrdreg $0xFFFFFFFF  }
0x39: {  	_ =	task.clear_ibuf [dreg:s7], $0x2FFFF;
	_ =	strace $0x9FFFFFFF  }
0x3a: {  	(tm) =	ssettm $0x7FFFFFFF  }
0x3b: {  	_ =	shalt  }
tec
execute0_lowered:
.L_overlay_start_1:
0x0: {  	(tag) =	ssettag $0x1  }
0x1: {  	s2 =	rddreg [dreg:$0x0]  }
0x2: {  	s1 =	rddreg [dreg:$0x1]  }
0x3: {  	s0 =	rddreg [dreg:$0x2];
	s4 =	srdreg.scid  }
0x4: {  	_ =	strace $0x80000047;
	s7 =	simm.s32 $0x2;
	s16 =	simm.s32 $0x0  }
0x5: {  	p0 =	por $0x0, $0x0;
	s13 =	simm.s32 $0x0;
	s14 =	simm.s32 $0x0  }
0x6: {  	s15 =	simm.s32 $0x0;
	s9 =	simm.s32 $0x0;
	s10 =	simm.s32 $0x0  }
.Ltmp0:
0x7: {  	s3 =	sadd.s32 $0x1000, s1;
	s4 =	sshll.u32 s4, $0x4;
	(pc) =	sbr.rel .LBB1_1-.Ltmp0, $4  }
0x8: {  	s1 =	stileid.u32;
	s5 =	sand.u32 $0x10, s4;
	s4 =	simm.s32 $0x1  }
0x9: {  	s8 =	simm.s32 $0x0;
	s6 =	sor.u32 s1, s5;
	[sflag:s4] =	ssyncpa.u1 $0x0  }
0xa: {  	s5 =	sand.u32 $0x3, s1;
	s6 =	sshrl.u32 s6, $0x2;
	[sflag:s7] =	ssyncpa.u1 $0x0  }
0xb: {  	s7 =	simm.s32 $0xC00;
	s12 =	smov.u32 s5;
	s11 =	smov.u32 s6  }
.LBB1_3:
0xc: {  	p1 =	seq.s32 s8, $0x0  }
0xd: {  	p2 =	seq.s32 @!p1 s8, $0x91  }
0xe: {  	p1 =	por p1, p2  }
.Ltmp1:
0xf: {  	_ = 	snop;
	(pc) =	sbr.rel @!p1 .LBB1_4-.Ltmp1, $1  }
0x10: {  	_ =	sdelay $0x3  }
.LBB1_7:
0x11: {  	s17 =	sadd.s32 $0x80, s9  }
0x12: {  	s13 =	sadd.s32 $0x80, s10;
	s18 =	smov.u32 s10;
	p2 =	sgt.s32 s17, $0x17F  }
0x13: {  	s18 =	smov.u32 @p2 s13  }
0x14: {  	s19 =	smov.u32 s11;
	s13 =	sadd.s32 $0x8, s11;
	p3 =	sgt.s32 s18, $0x5F  }
0x15: {  	s19 =	smov.u32 @p3 s13  }
0x16: {  	s20 =	smov.u32 s12;
	s13 =	sadd.s32 $0x4, s12;
	p4 =	sgt.s32 s19, $0x17F  }
0x17: {  	p1 =	slt.u32 s8, $0x2;
	s20 =	smov.u32 @p4 s13  }
0x18: {  	s8 =	sadd.s32 $0x1, s8;
	s17 =	simm.s32 @p2 $0x0;
	p2 =	sgt.s32 s20, $0x3  }
0x19: {  	s16 =	smov.u32 s9;
	s20 =	smov.u32 @p2 s5;
	p2 =	sne.s32 s8, $0x92  }
.Ltmp2:
0x1a: {  	s14 =	smov.u32 s11;
	s21 =	simm.s32 @!p1 $0x2;
	(pc) =	sbr.rel @!p2 .LBB1_8-.Ltmp2, $4  }
0x1b: {  	s15 =	smov.u32 s12;
	p0 =	por !p0, !p0;
	_ =	swait.ge @!p1 [sflag:s21], $0x4000  }
0x1c: {  	[sflag:s21] =	ssyncset.done @!p1 $0x0;
	s9 =	smov.u32 s17;
	s18 =	simm.s32 @p3 $0x0  }
0x1d: {  	[sflag:s21] =	ssyncadd.s32 @!p1 $0xFFFFC000;
	s19 =	smov.u32 @p4 s6;
	s13 =	smov.u32 s10  }
0x1e: {  	s10 =	smov.u32 s18;
	s11 =	smov.u32 s19;
	s12 =	smov.u32 s20  }
.LBB1_1:
0x1f: {  	p1 =	sgt.u32 s8, $0x8F  }
.Ltmp3:
0x20: {  	_ = 	snop;
	(pc) =	sbr.rel @p1 .LBB1_3-.Ltmp3, $1  }
0x21: {  	_ =	sdelay $0x3  }
0x22: {  	s17 =	sshrl.u32 s10, $0x3  }
0x23: {  	s18 =	sshll.u32 s9, $0x3;
	s17 =	smul.u32 $0xC00, s17  }
0x24: {  	s19 =	sshll.u32 s10, $0x7;
	s18 =	sand.u32 $0xFFFFFC00, s18  }
0x25: {  	s24 =	sand.u32 $0x380, s19;
	s17 =	sadd.s32 s17, s18  }
0x26: {  	s25 =	sand.u32 $0x7F, s9;
	s17 =	sor.u32 s24, s17  }
0x27: {  	p1 =	sgt.s32 s12, $0x3;
	s20 =	smov.u32 s12;
	s18 =	sor.u32 s25, s17  }
0x28: {  	s21 =	sshra.s32 s12, $0x1F;
	s22 =	sxor.u32 $0xFFFFFFFF, s8;
	s19 =	smulhi.u32 $0xAAAAAAAB, s18  }
0x29: {  	s28 =	sshra.s32 s11, $0x1F;
	s20 =	simm.s32 @!p1 $0x3;
	s21 =	sand.u32 s21, s12  }
0x2a: {  	s23 =	sshra.s32 s10, $0x1F;
	s20 =	ssub.s32 s20, s21;
	s19 =	sshrl.u32 s19, $0x8  }
0x2b: {  	s31 =	sshra.s32 s9, $0x1F;
	s27 =	sadd.s32 $0xFFFFFFFD, s20;
	s19 =	smul.u32 $0x180, s19  }
0x2c: {  	s26 =	sshll.u32 s22, $0xE;
	s22 =	sand.u32 s28, s11;
	p1 =	sgt.s32 s27, $0x0  }
0x2d: {  	s17 =	smulhi.u32 $0xAAAAAAAB, s17;
	s18 =	ssub.s32 s18, s19;
	s19 =	ssub.s32 $0x4, s20  }
0x2e: {  	s20 =	smov.u32 s11;
	s19 =	simm.s32 @p1 $0x0;
	p1 =	sgt.s32 s11, $0x17F  }
0x2f: {  	s23 =	sand.u32 s23, s10;
	s17 =	sshrl.u32 s17, $0x8;
	s20 =	simm.s32 @!p1 $0x17F  }
0x30: {  	p1 =	sgt.s32 s10, $0xFFFFFFE0;
	s20 =	ssub.s32 s20, s22;
	s22 =	smov.u32 s10  }
0x31: {  	s29 =	smulhi.u32 $0x2AAAAAB, s17;
	s24 =	sadd.s32 $0xFFFFFE81, s20;
	s22 =	simm.s32 @!p1 $0xFFFFFFE0  }
0x32: {  	s20 =	ssub.s32 $0x180, s20;
	p1 =	sgt.s32 s24, $0x0;
	s22 =	ssub.s32 s22, s23  }
0x33: {  	s23 =	smul.u32 $0x60, s29;
	s20 =	simm.s32 @p1 $0x0;
	s30 =	sadd.s32 $0x20, s22  }
0x34: {  	s19 =	smul.u32 s19, s20;
	p1 =	sgt.s32 s30, $0x7F;
	s20 =	ssub.s32 $0x60, s22  }
0x35: {  	s22 =	smov.u32 s9;
	s20 =	simm.s32 @p1 $0x0;
	p1 =	sgt.s32 s9, $0x100  }
0x36: {  	s27 =	smul.u32 $0x1200, s11;
	s24 =	sand.u32 s31, s9;
	s22 =	simm.s32 @!p1 $0x100  }
0x37: {  	s17 =	ssub.s32 s17, s23;
	s19 =	smul.u32 s20, s19;
	s25 =	ssub.s32 s22, s24  }
0x38: {  	s20 =	sand.u32 $0x4000, s26;
	s26 =	smul.u32 $0x1B0000, s12;
	s22 =	sadd.s32 $0xFFFFFF00, s25  }
0x39: {  	s17 =	smul.u32 $0x30, s17;
	s21 =	ssub.s32 $0x180, s25;
	p1 =	sgt.s32 s22, $0x7F  }
.Ltmp4:
0x3a: {  	s23 =	sadd.s32 s2, s26;
	s21 =	simm.s32 @p1 $0x0;
	(pc) =	sbr.rel .LBB1_3-.Ltmp4, $4  }
0x3b: {  	s29 =	sand.u32 $0x7, s18;
	s28 =	sadd.s32 s27, s23;
	s19 =	smul.u32 s21, s19  }
0x3c: {  	s18 =	sshrl.u32 s18, $0x3;
	s30 =	sshll.u32 s29, $0x12;
	s17 =	sadd.s32 s17, s28  }
0x3d: {  	s31 =	sor.u32 $0x400, s30;
	s17 =	sadd.s32 s18, s17;
	s19 =	sand.u32 $0x3FFFFFFF, s19  }
0x3e: {  	[tilespmem:s20], [sflag:$0x1] =	stream.strided.gather [hbm4b:s17+s31], s19, s7, s31, $0x38;
	[tilespmem:$0x10100] =	vst v63  }
.LBB1_4:
0x3f: {  	p1 =	sgt.s32 s15, $0x3;
	s17 =	smov.u32 s15;
	s18 =	sshra.s32 s15, $0x1F  }
0x40: {  	s19 =	smov.u32 s14;
	s20 =	sshra.s32 s14, $0x1F;
	s25 =	sshra.s32 s13, $0x1F  }
0x41: {  	s17 =	simm.s32 @!p1 $0x3;
	s18 =	sand.u32 s18, s15;
	p1 =	sgt.s32 s14, $0x17F  }
0x42: {  	s23 =	sand.u32 s20, s14;
	s17 =	ssub.s32 s17, s18;
	s19 =	simm.s32 @!p1 $0x17F  }
0x43: {  	s27 =	sshra.s32 s16, $0x1F;
	s24 =	sadd.s32 $0xFFFFFFFD, s17;
	s18 =	ssub.s32 s19, s23  }
0x44: {  	s17 =	ssub.s32 $0x4, s17;
	p1 =	sgt.s32 s24, $0x0;
	s19 =	sadd.s32 $0xFFFFFE81, s18  }
0x45: {  	s18 =	ssub.s32 $0x180, s18;
	s17 =	simm.s32 @p1 $0x0;
	p1 =	sgt.s32 s19, $0x0  }
0x46: {  	s19 =	smov.u32 s13;
	s18 =	simm.s32 @p1 $0x0;
	p1 =	sgt.s32 s13, $0xFFFFFFE0  }
0x47: {  	s26 =	sand.u32 s25, s13;
	s17 =	smul.u32 s17, s18;
	s19 =	simm.s32 @!p1 $0xFFFFFFE0  }
0x48: {  	p1 =	sgt.s32 s16, $0x100;
	s18 =	ssub.s32 s19, s26;
	s19 =	smov.u32 s16  }
0x49: {  	s20 =	sand.u32 s27, s16;
	s21 =	sadd.s32 $0x20, s18;
	s19 =	simm.s32 @!p1 $0x100  }
0x4a: {  	s18 =	ssub.s32 $0x60, s18;
	p1 =	sgt.s32 s21, $0x7F;
	s19 =	ssub.s32 s19, s20  }
0x4b: {  	s18 =	simm.s32 @p1 $0x0;
	s20 =	sadd.s32 $0xFFFFFF00, s19  }
0x4c: {  	s17 =	smul.u32 s18, s17;
	p1 =	sgt.s32 s20, $0x7F;
	s18 =	ssub.s32 $0x180, s19  }
0x4d: {  	s18 =	simm.s32 @p1 $0x0  }
0x4e: {  	s17 =	smul.u32 s18, s17;
	_ =	sdelay $0x1  }
0x4f: {  	s18 =	simm.s32 $0x1;
	s17 =	sand.u32 $0x3FFFFFFF, s17  }
0x50: {  	s18 =	simm.s32 @!p0 $0x0;
	_ =	swait.ge [sflag:s4], s17  }
0x51: {  	s28 =	sshll.u32 s18, $0xE;
	s17 =	ssub.s32 $0x0, s17;
	[sflag:s4] =	ssyncset.done $0x0  }
0x52: {  	s29 =	sor.u32 $0x40, s28;
	[sflag:s4] =	ssyncadd.s32 s17  }
0x53: {  	s30 =	smul.u32 $0x10200, s18;
	v0 =	vld [tilespmem:s29+$0x30]  }
0x54: {  	v1 =	vld [tilespmem:s29+$0xFFFFFFD0]  }
0x55: {  	s17 =	sshrl.u32 s30, $0x2;
	v5 =	vld [tilespmem:s29+$0xFFFFFFE0]  }
0x56: {  	s18 =	sor.u32 $0x8000, s17;
	v6 =	vld [tilespmem:s29+$0xFFFFFFF0]  }
0x57: {  	s31 =	sand.u32 $0x1, s8;
	v4 =	vld [tilespmem:s29+$0x0];
	s19 =	sadd.s32 $0x0, s18  }
0x58: {  	s17 =	smul.u32 $0x10200, s31;
	v2 =	vld [tilespmem:s29+$0x10];
	[tilespmem:s19+$0x3870 ss:$0x81] =	vst.msk $0xffff, v0  }
0x59: {  	v3 =	vld [tilespmem:s29+$0x20];
	[tilespmem:s19+$0x810 ss:$0x81] =	vst.msk $0xffff, v1  }
0x5a: {  	s20 =	sadd.s32 $0x80, s29;
	s17 =	sshrl.u32 s17, $0x2;
	v0 =	vld [tilespmem:s29+$0xFFFFFFC0];
	[tilespmem:s19+$0x1020 ss:$0x81] =	vst.msk $0xffff, v5  }
0x5b: {  	s22 =	simm.s32 $0x8;
	s21 =	simm.s32 $0x4;
	s17 =	sor.u32 $0x8000, s17;
	v1 =	vld [tilespmem:s20+$0x30];
	[tilespmem:s19+$0x1830 ss:$0x81] =	vst.msk $0xffff, v6  }
.LBB1_5:
0x5c: {  	p1 =	sne.s32 s22, $0x1FC;
	v5 =	vld [tilespmem:s20+$0xFFFFFFD0];
	[tilespmem:s19+$0x2040 ss:$0x81] =	vst.msk $0xffff, v4  }
0x5d: {  	v6 =	vld [tilespmem:s20+$0xFFFFFFE0];
	[tilespmem:s19+$0x2850 ss:$0x81] =	vst.msk $0xffff, v2  }
0x5e: {  	s23 =	sshra.s32 s21, $0x2;
	s21 =	smov.u32 s22;
	v7 =	vld [tilespmem:s20+$0xFFFFFFF0];
	[tilespmem:s19+$0x3060 ss:$0x81] =	vst.msk $0xffff, v3  }
.Ltmp5:
0x5f: {  	v4 =	vld [tilespmem:s20+$0x0];
	[tilespmem:s19+$0x0 ss:$0x81] =	vst.msk $0xffff, v0;
	s19 =	sadd.s32 s23, s18;
	(pc) =	sbr.rel @p1 .LBB1_5-.Ltmp5, $4  }
0x60: {  	v2 =	vld [tilespmem:s20+$0x10];
	[tilespmem:s19+$0x3870 ss:$0x81] =	vst.msk $0xffff, v1  }
0x61: {  	[tilespmem:s19+$0x810 ss:$0x81] =	vst.msk $0xffff, v5;
	v3 =	vld [tilespmem:s20+$0x20]  }
0x62: {  	v0 =	vld [tilespmem:s20+$0xFFFFFFC0];
	[tilespmem:s19+$0x1020 ss:$0x81] =	vst.msk $0xffff, v6;
	s20 =	sadd.s32 $0x80, s20  }
0x63: {  	s22 =	sadd.s32 $0x4, s22;
	v1 =	vld [tilespmem:s20+$0x30];
	[tilespmem:s19+$0x1830 ss:$0x81] =	vst.msk $0xffff, v7  }
0x64: {  	s16 =	sshll.u32 s16, $0x7;
	s22 =	sshll.u32 s13, $0x3;
	v5 =	vld [tilespmem:s20+$0xFFFFFFD0];
	[tilespmem:s19+$0x2040 ss:$0x81] =	vst.msk $0xffff, v4  }
0x65: {  	v58 =	vld [tilespmem:s20+$0xFFFFFFE0];
	s23 =	sand.u32 $0xFFFFFC00, s16;
	s22 =	sand.u32 $0xFFFFFC00, s22;
	[tilespmem:s19+$0x2850 ss:$0x81] =	vst.msk $0xffff, v2  }
0x66: {  	s21 =	sshra.s32 s21, $0x2;
	v59 =	vld [tilespmem:s20+$0xFFFFFFF0];
	s16 =	sand.u32 $0x380, s16;
	s22 =	sadd.s32 s22, s23;
	[tilespmem:s19+$0x3060 ss:$0x81] =	vst.msk $0xffff, v3  }
0x67: {  	v60 =	vld [tilespmem:s20+$0x0];
	s18 =	sadd.s32 s21, s18;
	s16 =	sor.u32 s16, s22;
	[tilespmem:s19+$0x0 ss:$0x81] =	vst.msk $0xffff, v0  }
0x68: {  	v61 =	vld [tilespmem:s20+$0x10];
	s15 =	smul.u32 $0x240000, s15;
	s16 =	sshrl.u32 s16, $0x7;
	[tilespmem:s18+$0x3870 ss:$0x81] =	vst.msk $0xffff, v1  }
0x69: {  	v62 =	vld [tilespmem:s20+$0x20];
	s27 =	smulhi.u32 $0xAAAAAB, s16;
	[tilespmem:s18+$0x810 ss:$0x81] =	vst.msk $0xffff, v5  }
0x6a: {  	v63 =	vld [tilespmem:s20+$0xFFFFFFC0];
	s14 =	smul.u32 $0x1800, s14;
	[tilespmem:s18+$0x1020 ss:$0x81] =	vst.msk $0xffff, v58  }
0x6b: {  	[tilespmem:s18+$0x1830 ss:$0x81] =	vst.msk $0xffff, v59;
	s19 =	smul.u32 $0x180, s27  }
.Ltmp6:
0x6c: {  	s28 =	sshrl.u32 s13, $0x3;
	s15 =	sadd.s32 s3, s15;
	[tilespmem:s18+$0x2040 ss:$0x81] =	vst.msk $0xffff, v60;
	(pc) =	sbr.rel .LBB1_7-.Ltmp6, $4  }
0x6d: {  	s29 =	sand.u32 $0xF, s28;
	s14 =	sadd.s32 s14, s15;
	[tilespmem:s18+$0x2850 ss:$0x81] =	vst.msk $0xffff, v61;
	s16 =	ssub.s32 s16, s19  }
0x6e: {  	s14 =	sadd.s32 s29, s14;
	[tilespmem:s18+$0x3060 ss:$0x81] =	vst.msk $0xffff, v62;
	s30 =	sshll.u32 s16, $0x4  }
0x6f: {  	s31 =	sand.u32 $0x7, s13;
	[tilespmem:s18+$0x0 ss:$0x81] =	vst.msk $0xffff, v63;
	s14 =	sadd.s32 s30, s14  }
0x70: {  	[hbm4b:s14+s31] =	stream.linear.scatter [tilespmem:s17], [sflag:$0x2], $0x4000, $0x20;
	[tilespmem:$0x10100] =	vst v63  }
.LBB1_8:
0x71: {  	_ =	sfence.sel $0x180000  }
0x72: {  	s2 =	simm.s32 $0x1;
	[bflag:$0x0] =	sbarrier.arrive $0xFFFF  }
0x73: {  	s31 =	simm.s32 $0x2;
	[sflag:s2] =	ssyncpa.u1 $0x1  }
0x74: {  	[sflag:s31] =	ssyncpa.u1 $0x1  }
0x75: {  	p0 =	sne.s32 s1, $0x0;
	_ =	strace $0x90000047  }
0x76: {  	s0 =	sadd.s32 @!p0 $0x100000, s0;
	[bflag:$0x2] =	sbarrier.arrive $0xFFFF  }
0x77: {  	[sflag:s0] =	ssyncadd.tile.s32 @!p0 $0x1;
	_ =	shalt  }
.Lfunc_end1:
_tile_overlayer_lowered:
.L_overlay_start_2:
0x78: {  	(tag) =	ssettag $0x2  }
0x79: {  	s0 =	rddreg [dreg:$0x0];
	s2 =	stileid.u32  }
0x7a: {  	s1 =	rddreg [dreg:$0x1];
	p0 =	sne.s32 s2, $0x0  }
0x7b: {  	s3 =	rddreg [dreg:$0x2];
	[bflag:$0x3] =	sbarrier.arrive $0xFFFF;
	s2 =	simm.s32 @!p0 $0x1C01  }
0x7c: {  	[timem:s3], [sflag:s2] =	dma.local @!p0 [hbm:s0], s1  }
0x7d: {  	s0 =	simm.s32 @!p0 $0x1  }
0x7e: {  	_ =	swait.ge @!p0 [sflag:s0], s1  }
0x7f: {  	s1 =	ssub.s32 @!p0 $0x0, s1;
	[sflag:s0] =	ssyncset.done @!p0 $0x0  }
0x80: {  	[sflag:s0] =	ssyncadd.s32 @!p0 s1  }
0x81: {  	[bflag:$0x3] =	sbarrier.arrive $0xFFFF  }
0x82: {  	_ =	shalt  }

// kernel: sparse-core-data-format-call.cloned.1.call-start
scs
called_computation_lowered:
.L_overlay_start_0:
0x0: {  	s2 =	sld [smem:$0x3FD9]  }
0x1: {  	s3 =	sld [smem:$0x3FFE];
	_ =	sdelay $0x1  }
0x2: {  	s1 =	srdreg.scid  }
0x3: {  	s0 =	sand.u32 $0x1, s1  }
0x4: {  	s18 =	sshll.u32 s0, $0xA;
	s2 =	sadd.s32 s3, s2  }
0x5: {  	s2 =	sadd.s32 s2, s18  }
0x6: {  	[smem:$0x3FC6] =	sst s2  }
0x7: {  	_ = 	snop  }
0x8: {  	s2 =	sld [smem:$0x3FD0];
	(tm) =	ssettm $0x1  }
0x9: {  	s19 =	sld [smem:$0x3FFB];
	_ =	sdelay $0x3  }
0xa: {  	_ =	strace s19  }
0xb: {  	s3 =	sld [smem:$0x3FFC];
	_ =	sdelay $0x3  }
0xc: {  	_ =	strace s3  }
0xd: {  	s3 =	sld [smem:$0x3FFD];
	_ =	sdelay $0x3  }
0xe: {  	_ =	strace s3  }
0xf: {  	_ =	strace $0x8FFFFFFF  }
0x10: {  	s20 =	sld [smem:$0x3FDB];
	_ =	sdelay $0x1  }
0x11: {  	s4 =	simm.s32 $_scs_section_size  }
0x12: {  	s5 =	simm.s32 $_size__tile_overlayer_lowered;
	s6 =	simm.s32 $_tile_overlayer_lowered  }
0x13: {  	s23 =	simm.s32 $0x1BFF;
	s22 =	sshll.u32 s6, $0x1;
	s3 =	sadd.s32 s4, s20  }
0x14: {  	s7 =	simm.s32 $0x0;
	s21 =	sshll.u32 s5, $0x1;
	s5 =	sadd.s32 s22, s3  }
0x15: {  	[timem:s7], [sflag:s23] =	dma.local [hbm:s5], s21  }
0x16: {  	_ =	swait.ge [sflag:s23], s21  }
0x17: {  	s4 =	ssub.s32 $0x0, s21;
	[sflag:s23] =	ssyncset.done $0x0  }
0x18: {  	[sflag:s23] =	ssyncadd.s32 s4;
	_ =	sdelay $0x1  }
0x19: {  	s24 =	simm.s32 $0x1B8B  }
0x1a: {  	_ =	swait.ge [sflag:s24], $0x1  }
0x1b: {  	[sflag:s24] =	ssyncset.done $0x0  }
0x1c: {  	s26 =	simm.s32 $0x1B8E;
	s25 =	sld [smem:$0x3FFE];
	[sflag:s24] =	ssyncadd.s32 $0xFFFFFFFF  }
0x1d: {  	s27 =	simm.s32 $execute0_lowered;
	[smem:$0x3FD2] =	sst s26  }
0x1e: {  	s5 =	sshll.u32 s27, $0x1;
	_ =	strace $0x8000004C;
	[dreg:$0x1] =	wrdreg $0xFFFFFFFF  }
0x1f: {  	s28 =	simm.s32 $_size_execute0_lowered;
	s3 =	sadd.s32 s3, s5;
	[dreg:$0x0] =	wrdreg $0x0  }
0x20: {  	s5 =	sshll.u32 s28, $0x1;
	[dreg:$0x2] =	wrdreg s3  }
0x21: {  	[dreg:$0x3] =	wrdreg s5  }
0x22: {  	[dreg:$0x4] =	wrdreg $0xC0  }
0x23: {  	_ =	task [dreg:s7], $0x5FFFF  }
0x24: {  	[dreg:$0x1] =	wrdreg $0xFFFFFFFF  }
0x25: {  	[dreg:$0x0] =	wrdreg $0x60  }
0x26: {  	[dreg:$0x2] =	wrdreg s25  }
0x27: {  	[dreg:$0x3] =	wrdreg s2  }
0x28: {  	[dreg:$0x4] =	wrdreg $0x9  }
0x29: {  	_ =	task.clear_ibuf [dreg:s7], $0x5FFFF;
	_ =	strace $0x9000004C  }
0x2a: {  	s29 =	simm.s32 $0x9;
	_ =	strace $0x8000004E  }
0x2b: {  	_ =	swait.ge [sflag:s29], $0x1  }
0x2c: {  	[sflag:s29] =	ssyncadd.s32 $0xFFFFFFFF  }
0x2d: {  	_ =	strace $0x9000004E  }
0x2e: {  	_ =	sfence  }
0x2f: {  	s30 =	sld [smem:$0x0];
	_ =	sdelay $0x2  }
0x30: {  	s31 =	sshll.u32 s1, $0xD;
	s1 =	sshrl.u32 s1, $0x2  }
0x31: {  	s3 =	sand.u32 $0x4000, s31;
	s1 =	sadd.s32 s1, s30  }
0x32: {  	s0 =	sor.u32 s3, s0;
	s1 =	sshll.u32 s1, $0x11  }
0x33: {  	s0 =	sor.u32 s1, s0  }
0x34: {  	s0 =	sadd.s32 $0x8F2B, s0  }
0x35: {  	[sflag:s0] =	ssyncadd.remote.s32 $0x1  }
0x36: {  	_ =	sfence.sel $0xFFFF  }
0x37: {  	[dreg:$0x0] =	wrdreg $0xFFFFFFFF;
	(pc) =	sbr.abs _section_cstart, $3  }
0x38: {  	[dreg:$0x1] =	wrdreg $0xFFFFFFFF  }
0x39: {  	_ =	task.clear_ibuf [dreg:s7], $0x2FFFF;
	_ =	strace $0x9FFFFFFF  }
0x3a: {  	(tm) =	ssettm $0x7FFFFFFF  }
0x3b: {  	_ =	shalt  }
tec
execute0_lowered:
.L_overlay_start_1:
0x0: {  	(tag) =	ssettag $0x1  }
0x1: {  	s3 =	rddreg [dreg:$0x0]  }
0x2: {  	s2 =	rddreg [dreg:$0x1]  }
0x3: {  	s1 =	srdreg.scid;
	s0 =	rddreg [dreg:$0x2];
	_ =	strace $0x8000004D  }
0x4: {  	s7 =	simm.s32 $0x2;
	s15 =	simm.s32 $0x0;
	p0 =	por $0x0, $0x0  }
0x5: {  	s16 =	simm.s32 $0x0;
	s17 =	simm.s32 $0x0;
	s8 =	simm.s32 $0x0  }
0x6: {  	s10 =	simm.s32 $0x0;
	s11 =	simm.s32 $0x0;
	s12 =	simm.s32 $0x0  }
.Ltmp0:
0x7: {  	s9 =	simm.s32 $0x0;
	s4 =	sshll.u32 s1, $0x4;
	(pc) =	sbr.rel .LBB1_1-.Ltmp0, $4  }
0x8: {  	s1 =	stileid.u32;
	s3 =	sadd.s32 $0x1000, s3;
	s4 =	sand.u32 $0x10, s4  }
0x9: {  	s5 =	sand.u32 $0x3, s1;
	s6 =	sor.u32 s1, s4;
	s4 =	simm.s32 $0x1  }
0xa: {  	s14 =	smov.u32 s5;
	[sflag:s4] =	ssyncpa.u1 $0x0;
	s6 =	sshrl.u32 s6, $0x2  }
0xb: {  	[sflag:s7] =	ssyncpa.u1 $0x0;
	s7 =	simm.s32 $0xC00;
	s13 =	smov.u32 s6  }
.LBB1_5:
0xc: {  	p1 =	slt.u32 s9, $0x2;
	s18 =	smov.u32 s17  }
0xd: {  	p2 =	sgt.s32 @!p1 s17, $0x3;
	s19 =	sshra.s32 @!p1 s17, $0x1F;
	s20 =	sshra.s32 @!p1 s16, $0x1F  }
0xe: {  	p2 =	por !p2, p1;
	s17 =	sand.u32 @!p1 s19, s17;
	s19 =	smov.u32 s16  }
0xf: {  	s18 =	simm.s32 @p2 $0x3;
	p2 =	sgt.s32 @!p1 s16, $0x17F;
	s16 =	sand.u32 @!p1 s20, s16  }
0x10: {  	s20 =	sshra.s32 @!p1 s15, $0x1F;
	s17 =	ssub.s32 @!p1 s18, s17;
	p3 =	por !p2, p1  }
0x11: {  	s18 =	sadd.s32 @!p1 $0xFFFFFFFD, s17;
	s19 =	simm.s32 @p3 $0x17F;
	s17 =	ssub.s32 @!p1 $0x4, s17  }
0x12: {  	p3 =	sgt.s32 @!p1 s15, $0x100;
	p2 =	sgt.s32 @!p1 s18, $0x0;
	s16 =	ssub.s32 @!p1 s19, s16  }
0x13: {  	p3 =	por !p3, p1;
	s19 =	smov.u32 s15;
	s15 =	sand.u32 @!p1 s20, s15  }
0x14: {  	s17 =	smul.u32 @!p1 $0x60, s17;
	s18 =	sadd.s32 @!p1 $0xFFFFFE81, s16;
	s19 =	simm.s32 @p3 $0x100  }
0x15: {  	s16 =	ssub.s32 @!p1 $0x180, s16;
	p3 =	sgt.s32 @!p1 s18, $0x0;
	s15 =	ssub.s32 @!p1 s19, s15  }
0x16: {  	p2 =	por !p2, p1;
	p3 =	por !p3, p1;
	s18 =	sadd.s32 @!p1 $0xFFFFFF00, s15  }
0x17: {  	s17 =	simm.s32 @!p2 $0x0;
	s16 =	simm.s32 @!p3 $0x0;
	p3 =	sgt.s32 @!p1 s18, $0x7F  }
0x18: {  	s15 =	ssub.s32 @!p1 $0x180, s15;
	p2 =	por !p3, p1;
	s16 =	smul.u32 @!p1 s16, s17  }
0x19: {  	s19 =	smov.u32 s13;
	s18 =	sadd.s32 $0x80, s12;
	s15 =	simm.s32 @!p2 $0x0  }
0x1a: {  	p2 =	sgt.s32 s18, $0x17F;
	s15 =	smul.u32 @!p1 s15, s16;
	s16 =	sadd.s32 $0x8, s13  }
0x1b: {  	s19 =	smov.u32 @p2 s16  }
0x1c: {  	s21 =	smov.u32 s14;
	s16 =	sadd.s32 $0x4, s14;
	p3 =	sgt.s32 s19, $0x17F  }
0x1d: {  	s9 =	sadd.s32 $0x1, s9;
	p0 =	por !p0, !p0;
	s21 =	smov.u32 @p3 s16  }
0x1e: {  	s20 =	simm.s32 @!p1 $0x2;
	s18 =	simm.s32 @p2 $0x0;
	p2 =	sgt.s32 s21, $0x3  }
0x1f: {  	s17 =	smov.u32 s11;
	s21 =	smov.u32 @p2 s5;
	p2 =	sne.s32 s9, $0x92  }
.Ltmp1:
0x20: {  	s11 =	smov.u32 s14;
	s15 =	sand.u32 @!p1 $0x3FFFFFE0, s15;
	(pc) =	sbr.rel @!p2 .LBB1_6-.Ltmp1, $4  }
0x21: {  	_ =	swait.ge @!p1 [sflag:s20], s15;
	s22 =	ssub.s32 @!p1 $0x0, s15;
	s15 =	smov.u32 s8  }
0x22: {  	s16 =	smov.u32 s10;
	s19 =	smov.u32 @p3 s6;
	s8 =	smov.u32 s12  }
0x23: {  	s10 =	smov.u32 s13;
	s12 =	smov.u32 s18;
	[sflag:s20] =	ssyncset.done @!p1 $0x0  }
0x24: {  	s13 =	smov.u32 s19;
	[sflag:s20] =	ssyncadd.s32 @!p1 s22;
	s14 =	smov.u32 s21  }
.LBB1_1:
0x25: {  	p1 =	sgt.u32 s9, $0x8F  }
0x26: {  	s18 =	sand.u32 @!p1 $0x1FFFFFF, s12  }
0x27: {  	s19 =	smulhi.u32 @!p1 $0xAAAAAB, s18  }
0x28: {  	s20 =	smul.u32 @!p1 $0x240000, s14  }
0x29: {  	s19 =	smul.u32 @!p1 $0x180, s19  }
0x2a: {  	s21 =	smul.u32 @!p1 $0x1800, s13  }
0x2b: {  	s20 =	sadd.s32 @!p1 s3, s20;
	s18 =	ssub.s32 @!p1 s18, s19;
	s19 =	sxor.u32 @!p1 $0xFFFFFFFF, s9  }
0x2c: {  	s20 =	sadd.s32 @!p1 s21, s20;
	s19 =	sshll.u32 @!p1 s19, $0xE;
	s18 =	sshll.u32 @!p1 s18, $0x4  }
0x2d: {  	s19 =	sand.u32 @!p1 $0x4000, s19;
	s18 =	sadd.s32 @!p1 s18, s20;
	s20 =	simm.s32 @!p1 $0x0  }
0x2e: {  	[tilespmem:s19], [sflag:$0x1] =	stream.linear.gather @!p1 [hbm4b:s18+s20], $0x4000, $0x38;
	[tilespmem:$0x10100] =	vst v63  }
0x2f: {  	p1 =	seq.s32 s9, $0x0  }
0x30: {  	p2 =	seq.s32 @!p1 s9, $0x91  }
0x31: {  	p1 =	por p1, p2  }
.Ltmp2:
0x32: {  	_ = 	snop;
	(pc) =	sbr.rel @p1 .LBB1_5-.Ltmp2, $1  }
0x33: {  	_ =	sdelay $0x3  }
0x34: {  	s18 =	simm.s32 $0x1  }
0x35: {  	_ =	swait.ge [sflag:s4], $0x4000;
	s18 =	simm.s32 @!p0 $0x0  }
0x36: {  	[sflag:s4] =	ssyncset.done $0x0;
	s19 =	sshll.u32 s18, $0xE  }
0x37: {  	[sflag:s4] =	ssyncadd.s32 $0xFFFFC000;
	s19 =	sor.u32 $0x40, s19  }
0x38: {  	s18 =	smul.u32 $0x10200, s18;
	v0 =	vld [tilespmem:s19+$0x30]  }
0x39: {  	v1 =	vld [tilespmem:s19+$0xFFFFFFD0]  }
0x3a: {  	s18 =	sshrl.u32 s18, $0x2;
	v5 =	vld [tilespmem:s19+$0xFFFFFFE0]  }
0x3b: {  	v6 =	vld [tilespmem:s19+$0xFFFFFFF0];
	s21 =	sor.u32 $0x8000, s18  }
0x3c: {  	s31 =	sand.u32 $0x1, s9;
	v4 =	vld [tilespmem:s19+$0x0];
	s20 =	sadd.s32 $0x0, s21  }
0x3d: {  	v3 =	vld [tilespmem:s19+$0x10];
	s18 =	smul.u32 $0x10200, s31;
	[tilespmem:s20+$0x3870 ss:$0x81] =	vst.msk $0xffff, v0  }
0x3e: {  	v2 =	vld [tilespmem:s19+$0x20];
	[tilespmem:s20+$0x810 ss:$0x81] =	vst.msk $0xffff, v1  }
0x3f: {  	s18 =	sshrl.u32 s18, $0x2;
	v1 =	vld [tilespmem:s19+$0xFFFFFFC0];
	[tilespmem:s20+$0x1020 ss:$0x81] =	vst.msk $0xffff, v5;
	s19 =	sadd.s32 $0x80, s19  }
0x40: {  	s22 =	simm.s32 $0x4;
	s23 =	simm.s32 $0x8;
	s18 =	sor.u32 $0x8000, s18;
	[tilespmem:s20+$0x1830 ss:$0x81] =	vst.msk $0xffff, v6;
	v0 =	vld [tilespmem:s19+$0x30]  }
.LBB1_3:
0x41: {  	p1 =	sne.s32 s23, $0x1FC;
	v5 =	vld [tilespmem:s19+$0xFFFFFFD0];
	[tilespmem:s20+$0x2040 ss:$0x81] =	vst.msk $0xffff, v4  }
0x42: {  	v6 =	vld [tilespmem:s19+$0xFFFFFFE0];
	[tilespmem:s20+$0x2850 ss:$0x81] =	vst.msk $0xffff, v3  }
0x43: {  	s24 =	sshra.s32 s22, $0x2;
	s22 =	smov.u32 s23;
	v7 =	vld [tilespmem:s19+$0xFFFFFFF0];
	[tilespmem:s20+$0x3060 ss:$0x81] =	vst.msk $0xffff, v2  }
.Ltmp3:
0x44: {  	v4 =	vld [tilespmem:s19+$0x0];
	[tilespmem:s20+$0x0 ss:$0x81] =	vst.msk $0xffff, v1;
	s20 =	sadd.s32 s24, s21;
	(pc) =	sbr.rel @p1 .LBB1_3-.Ltmp3, $4  }
0x45: {  	v3 =	vld [tilespmem:s19+$0x10];
	[tilespmem:s20+$0x3870 ss:$0x81] =	vst.msk $0xffff, v0  }
0x46: {  	[tilespmem:s20+$0x810 ss:$0x81] =	vst.msk $0xffff, v5;
	v2 =	vld [tilespmem:s19+$0x20]  }
0x47: {  	v1 =	vld [tilespmem:s19+$0xFFFFFFC0];
	[tilespmem:s20+$0x1020 ss:$0x81] =	vst.msk $0xffff, v6;
	s19 =	sadd.s32 $0x80, s19  }
0x48: {  	s23 =	sadd.s32 $0x4, s23;
	v0 =	vld [tilespmem:s19+$0x30];
	[tilespmem:s20+$0x1830 ss:$0x81] =	vst.msk $0xffff, v7  }
0x49: {  	s23 =	sshll.u32 s8, $0x3  }
0x4a: {  	s24 =	sand.u32 $0x7F, s8;
	s22 =	sshra.s32 s22, $0x2;
	s23 =	sand.u32 $0xFFFFFC00, s23  }
0x4b: {  	p1 =	sgt.s32 s11, $0x3;
	s24 =	sor.u32 s24, s23;
	s23 =	smulhi.u32 $0xAAAAAAAB, s23  }
0x4c: {  	s26 =	sshra.s32 s11, $0x1F;
	s28 =	sshra.s32 s10, $0x1F;
	s25 =	smulhi.u32 $0xAAAAAAAB, s24  }
0x4d: {  	s21 =	sadd.s32 s22, s21;
	s26 =	sand.u32 s26, s11;
	s28 =	sand.u32 s28, s10  }
0x4e: {  	[tilespmem:s20+$0x2040 ss:$0x81] =	vst.msk $0xffff, v4;
	s23 =	sshrl.u32 s23, $0x8;
	s30 =	sshrl.u32 s25, $0x8;
	s25 =	smov.u32 s11  }
0x4f: {  	[tilespmem:s20+$0x2850 ss:$0x81] =	vst.msk $0xffff, v3;
	s27 =	smulhi.u32 $0x2AAAAAB, s23;
	s25 =	simm.s32 @!p1 $0x3;
	p1 =	sgt.s32 s10, $0x17F  }
0x50: {  	[tilespmem:s20+$0x3060 ss:$0x81] =	vst.msk $0xffff, v2;
	s22 =	smul.u32 $0x180, s30;
	s25 =	ssub.s32 s25, s26;
	s26 =	smov.u32 s10  }
0x51: {  	[tilespmem:s20+$0x0 ss:$0x81] =	vst.msk $0xffff, v1;
	s20 =	smov.u32 s8;
	s27 =	smul.u32 $0x60, s27;
	s26 =	simm.s32 @!p1 $0x17F  }
0x52: {  	v5 =	vld [tilespmem:s19+$0xFFFFFFD0];
	s31 =	sadd.s32 $0xFFFFFFFD, s25;
	s25 =	ssub.s32 $0x4, s25;
	s26 =	ssub.s32 s26, s28  }
0x53: {  	v58 =	vld [tilespmem:s19+$0xFFFFFFE0];
	s30 =	sshra.s32 s8, $0x1F;
	s25 =	smul.u32 $0x60, s25;
	s29 =	sadd.s32 $0xFFFFFE81, s26  }
0x54: {  	v59 =	vld [tilespmem:s19+$0xFFFFFFF0];
	p1 =	sgt.s32 s31, $0x0;
	s26 =	ssub.s32 $0x180, s26;
	p2 =	sgt.s32 s29, $0x0  }
0x55: {  	v60 =	vld [tilespmem:s19+$0x0];
	s25 =	simm.s32 @p1 $0x0;
	s26 =	simm.s32 @p2 $0x0;
	p2 =	sgt.s32 s8, $0x100  }
0x56: {  	v61 =	vld [tilespmem:s19+$0x10];
	[tilespmem:s21+$0x3870 ss:$0x81] =	vst.msk $0xffff, v0;
	s28 =	sand.u32 s30, s8;
	s20 =	simm.s32 @!p2 $0x100;
	s31 =	smul.u32 s26, s25  }
0x57: {  	v62 =	vld [tilespmem:s19+$0x20];
	[tilespmem:s21+$0x810 ss:$0x81] =	vst.msk $0xffff, v5;
	s25 =	ssub.s32 s23, s27;
	s27 =	smul.u32 $0x1B0000, s11;
	s20 =	ssub.s32 s20, s28  }
0x58: {  	v63 =	vld [tilespmem:s19+$0xFFFFFFC0];
	[tilespmem:s21+$0x1020 ss:$0x81] =	vst.msk $0xffff, v58;
	s22 =	ssub.s32 s24, s22;
	s28 =	smul.u32 $0x1200, s10;
	s26 =	sadd.s32 $0xFFFFFF00, s20  }
0x59: {  	[tilespmem:s21+$0x1830 ss:$0x81] =	vst.msk $0xffff, v59;
	s19 =	smul.u32 $0x30, s25;
	s20 =	ssub.s32 $0x180, s20;
	p1 =	sgt.s32 s26, $0x7F  }
.Ltmp4:
0x5a: {  	[tilespmem:s21+$0x2040 ss:$0x81] =	vst.msk $0xffff, v60;
	s25 =	sadd.s32 s2, s27;
	s20 =	simm.s32 @p1 $0x0;
	(pc) =	sbr.rel .LBB1_5-.Ltmp4, $4  }
0x5b: {  	[tilespmem:s21+$0x2850 ss:$0x81] =	vst.msk $0xffff, v61;
	s29 =	sand.u32 $0x7, s22;
	s23 =	sadd.s32 s28, s25;
	s20 =	smul.u32 s20, s31  }
0x5c: {  	[tilespmem:s21+$0x3060 ss:$0x81] =	vst.msk $0xffff, v62;
	s22 =	sshrl.u32 s22, $0x3;
	s30 =	sshll.u32 s29, $0x12;
	s19 =	sadd.s32 s19, s23  }
0x5d: {  	[tilespmem:s21+$0x0 ss:$0x81] =	vst.msk $0xffff, v63;
	s19 =	sadd.s32 s22, s19;
	s31 =	sor.u32 $0x400, s30;
	s20 =	sand.u32 $0x3FFFFFE0, s20  }
0x5e: {  	[hbm4b:s19+s31] =	stream.strided.scatter [tilespmem:s18], [sflag:$0x2], s20, s7, s31, $0x20;
	[tilespmem:$0x10100] =	vst v63  }
.LBB1_6:
0x5f: {  	_ =	sfence.sel $0x180000  }
0x60: {  	s2 =	simm.s32 $0x1;
	[bflag:$0x0] =	sbarrier.arrive $0xFFFF  }
0x61: {  	s31 =	simm.s32 $0x2;
	[sflag:s2] =	ssyncpa.u1 $0x1  }
0x62: {  	[sflag:s31] =	ssyncpa.u1 $0x1  }
0x63: {  	p0 =	sne.s32 s1, $0x0;
	_ =	strace $0x9000004D  }
0x64: {  	s0 =	sadd.s32 @!p0 $0x100000, s0;
	[bflag:$0x2] =	sbarrier.arrive $0xFFFF  }
0x65: {  	[sflag:s0] =	ssyncadd.tile.s32 @!p0 $0x1;
	_ =	shalt  }
.Lfunc_end1:
_tile_overlayer_lowered:
.L_overlay_start_2:
0x66: {  	(tag) =	ssettag $0x2  }
0x67: {  	s0 =	rddreg [dreg:$0x0];
	s2 =	stileid.u32  }
0x68: {  	s1 =	rddreg [dreg:$0x1];
	p0 =	sne.s32 s2, $0x0  }
0x69: {  	s3 =	rddreg [dreg:$0x2];
	[bflag:$0x3] =	sbarrier.arrive $0xFFFF;
	s2 =	simm.s32 @!p0 $0x1C01  }
0x6a: {  	[timem:s3], [sflag:s2] =	dma.local @!p0 [hbm:s0], s1  }
0x6b: {  	s0 =	simm.s32 @!p0 $0x1  }
0x6c: {  	_ =	swait.ge @!p0 [sflag:s0], s1  }
0x6d: {  	s1 =	ssub.s32 @!p0 $0x0, s1;
	[sflag:s0] =	ssyncset.done @!p0 $0x0  }
0x6e: {  	[sflag:s0] =	ssyncadd.s32 @!p0 s1  }
0x6f: {  	[bflag:$0x3] =	sbarrier.arrive $0xFFFF  }
0x70: {  	_ =	shalt  }

</sc_bundles>
